<compile_context>
chip_gen: v7x
topology: tpu7x:2x2x1
jax: 0.10.2.dev20260603
libtpu: 0.0.44.dev20260713+nightly
codegen_flags: <defaults>
</compile_context>

<pallas_src>
import jax
import jax.numpy as jnp
from jax import lax
from jax.experimental import pallas as pl
from jax.experimental.pallas import tpu as pltpu
from jax.experimental.pallas import tpu_sc as plsc

N = 10000
E = 320000
D_IN = 128
DH = 64
NEG_SLOPE = 0.01

NC = 2
NS = 16
NW = NC * NS
CH = 128
EB = E // CH
NCHB = EB // NW
NXTRA = EB - NCHB * NW
NCHMAX = NCHB + 1
NP = 10112
ROWS_PER_TILE = NP // NS
GRID = 2
BR = 5120

_MESH_CACHE = []


def _mesh():
    if not _MESH_CACHE:
        _MESH_CACHE.append(
            plsc.VectorSubcoreMesh(core_axis_name="c", subcore_axis_name="s",
                                   num_cores=NC, num_subcores=NS))
    return _MESH_CACHE[0]


def _zero_fill(buf, nrows, width):
    zv = jnp.zeros((16,), jnp.float32)

    def body(t, _):
        i = t // (width // 16)
        k = t % (width // 16)
        buf[i, pl.ds(k * 16, 16)] = zv
        return 0

    lax.fori_loop(0, nrows * (width // 16), body, 0)


def _ones_fill(buf, nrows, width):
    ov = jnp.ones((16,), jnp.float32)

    def body(t, _):
        i = t // (width // 16)
        k = t % (width // 16)
        buf[i, pl.ds(k * 16, 16)] = ov
        return 0

    lax.fori_loop(0, nrows * (width // 16), body, 0)


def _zero_stripe(acc_sp, z_v, base):
    nfull = ROWS_PER_TILE // CH
    rem = ROWS_PER_TILE - nfull * CH

    def body(k, _):
        pltpu.sync_copy(z_v, acc_sp.at[pl.ds(base + k * CH, CH)])
        return 0

    lax.fori_loop(0, nfull, body, 0)
    if rem:
        pltpu.sync_copy(z_v.at[pl.ds(0, rem)],
                        acc_sp.at[pl.ds(base + nfull * CH, rem)])


def _work_range(wid):
    n = NCHB + jnp.where(wid < NXTRA, 1, 0)
    start = NCHB * wid + jnp.minimum(wid, NXTRA)
    return start, n


def _load_idx(ev_hbm, sel, start, wid, idx_v):
    pltpu.sync_copy(ev_hbm.at[pl.ds(start, NCHB), sel],
                    idx_v.at[pl.ds(0, NCHB)])

    @pl.when(wid < NXTRA)
    def _():
        pltpu.sync_copy(ev_hbm.at[start + NCHB, sel], idx_v.at[NCHB])


def _sc_degree_body(ev_hbm, out_hbm, idx_v, ones_v, z_v, deg_sp):
    cid = lax.axis_index("c")
    sid = lax.axis_index("s")
    wid = sid * NC + cid
    base = sid * ROWS_PER_TILE
    start, n = _work_range(wid)

    _ones_fill(ones_v, CH, 16)
    _zero_fill(z_v, CH, 16)
    _zero_stripe(deg_sp, z_v, base)
    _load_idx(ev_hbm, 1, start, wid, idx_v)
    plsc.subcore_barrier()

    def body(j, _):
        pltpu.sync_copy(ones_v, deg_sp.at[idx_v.at[j]], add=True)
        return 0

    lax.fori_loop(0, n, body, 0)
    plsc.subcore_barrier()
    pltpu.sync_copy(deg_sp.at[pl.ds(base, ROWS_PER_TILE)],
                    out_hbm.at[cid, pl.ds(base, ROWS_PER_TILE), pl.ds(0, 16)])


def _sc_scatter_body(y_hbm, ev_hbm, out_hbm,
                     src_v, dst_v, rows_v, z_v, acc_sp, y_sp, sem0, sem1):
    cid = lax.axis_index("c")
    sid = lax.axis_index("s")
    wid = sid * NC + cid
    base = sid * ROWS_PER_TILE
    start, n = _work_range(wid)

    pltpu.async_copy(y_hbm.at[pl.ds(base, ROWS_PER_TILE), pl.ds(0, DH)],
                     y_sp.at[pl.ds(base, ROWS_PER_TILE)], sem1)
    _zero_fill(z_v, CH, DH)
    _zero_stripe(acc_sp, z_v, base)
    _load_idx(ev_hbm, 0, start, wid, src_v)
    _load_idx(ev_hbm, 1, start, wid, dst_v)
    pltpu.make_async_copy(y_hbm.at[pl.ds(base, ROWS_PER_TILE), pl.ds(0, DH)],
                          y_sp.at[pl.ds(base, ROWS_PER_TILE)], sem1).wait()
    plsc.subcore_barrier()

    pltpu.async_copy(y_sp.at[src_v.at[0]], rows_v.at[0], sem0)

    def body(j, _):
        cur = j % 2

        @pl.when(cur == 0)
        def _():
            pltpu.make_async_copy(y_sp.at[src_v.at[j]], rows_v.at[0],
                                  sem0).wait()

        @pl.when(cur == 1)
        def _():
            pltpu.make_async_copy(y_sp.at[src_v.at[j]], rows_v.at[1],
                                  sem1).wait()

        @pl.when(j + 1 < n)
        def _():
            nxt = (j + 1) % 2

            @pl.when(nxt == 0)
            def _():
                pltpu.async_copy(y_sp.at[src_v.at[j + 1]], rows_v.at[0], sem0)

            @pl.when(nxt == 1)
            def _():
                pltpu.async_copy(y_sp.at[src_v.at[j + 1]], rows_v.at[1], sem1)

        pltpu.sync_copy(rows_v.at[cur], acc_sp.at[dst_v.at[j]], add=True)
        return 0

    lax.fori_loop(0, n, body, 0)
    plsc.subcore_barrier()
    pltpu.sync_copy(acc_sp.at[pl.ds(base, ROWS_PER_TILE)],
                    out_hbm.at[cid, pl.ds(base, ROWS_PER_TILE), pl.ds(0, DH)])


_SC_KERNELS = {}


def _sc_degree(ev):
    if "deg" not in _SC_KERNELS:
        _SC_KERNELS["deg"] = pl.kernel(
            _sc_degree_body,
            out_type=jax.ShapeDtypeStruct((NC, NP, 128), jnp.float32),
            mesh=_mesh(),
            scratch_types=[
                pltpu.VMEM((NCHMAX, CH), jnp.int32),
                pltpu.VMEM((CH, 16), jnp.float32),
                pltpu.VMEM((CH, 16), jnp.float32),
                pltpu.VMEM_SHARED((NP, 16), jnp.float32),
            ],
            compiler_params=pltpu.CompilerParams(use_tc_tiling_on_sc=False),
        )
    return _SC_KERNELS["deg"](ev)


def _sc_scatter(y, ev):
    if "scat" not in _SC_KERNELS:
        _SC_KERNELS["scat"] = pl.kernel(
            _sc_scatter_body,
            out_type=jax.ShapeDtypeStruct((NC, NP, 128), jnp.float32),
            mesh=_mesh(),
            scratch_types=[
                pltpu.VMEM((NCHMAX, CH), jnp.int32),
                pltpu.VMEM((NCHMAX, CH), jnp.int32),
                pltpu.VMEM((2, CH, DH), jnp.float32),
                pltpu.VMEM((CH, DH), jnp.float32),
                pltpu.VMEM_SHARED((NP, DH), jnp.float32),
                pltpu.VMEM_SHARED((NP, DH), jnp.float32),
                pltpu.SemaphoreType.DMA,
                pltpu.SemaphoreType.DMA,
            ],
            compiler_params=pltpu.CompilerParams(use_tc_tiling_on_sc=False),
        )
    return _SC_KERNELS["scat"](y, ev)


def _dis_block(degb):
    deg = degb[0, :, 0:1] + degb[1, :, 0:1] + 1.0
    return lax.rsqrt(deg)


def _with_dis(v, dis):
    return jnp.concatenate([v, jnp.broadcast_to(dis, v.shape)], axis=1)


def _tc_first_body(x_ref, w_ref, deg_ref, y_ref):
    dis = _dis_block(deg_ref[...])
    xw = jnp.dot(x_ref[...], w_ref[...], preferred_element_type=jnp.float32)
    y_ref[...] = _with_dis(dis * xw, dis)


def _tc_mid_body(acc_ref, y_ref, b_ref, w_ref, out_ref):
    dis = y_ref[:, DH:DH + 1]
    t = acc_ref[0, :, :DH] + acc_ref[1, :, :DH] + y_ref[:, :DH]
    h = dis * t + b_ref[...]
    h = jnp.where(h >= 0, h, NEG_SLOPE * h)
    out_ref[...] = _with_dis(dis * jnp.dot(h, w_ref[...],
                                           preferred_element_type=jnp.float32),
                             dis)


def _tc_fin_body(acc_ref, y_ref, b_ref, out_ref):
    dis = y_ref[:, DH:DH + 1]
    t = acc_ref[0, :, :DH] + acc_ref[1, :, :DH] + y_ref[:, :DH]
    h = dis * t + b_ref[...]
    h = jnp.where(h >= 0, h, NEG_SLOPE * h)
    out_ref[...] = h.T


_spec_deg = pl.BlockSpec((2, BR, 128), lambda i: (0, i, 0))
_spec_acc = pl.BlockSpec((2, BR, 128), lambda i: (0, i, 0))
_spec_row64 = pl.BlockSpec((BR, 128), lambda i: (i, 0))
_spec_b = pl.BlockSpec((1, DH), lambda i: (0, 0))


def _tc_first(x, W1, deg_p):
    return pl.pallas_call(
        _tc_first_body,
        grid=(GRID,),
        in_specs=[pl.BlockSpec((BR, D_IN), lambda i: (i, 0)),
                  pl.BlockSpec((D_IN, DH), lambda i: (0, 0)),
                  _spec_deg],
        out_specs=_spec_row64,
        out_shape=jax.ShapeDtypeStruct((NP, 128), jnp.float32),
    )(x, W1, deg_p)


def _tc_mid(acc_p, y_prev, b_prev, W_next):
    return pl.pallas_call(
        _tc_mid_body,
        grid=(GRID,),
        in_specs=[_spec_acc, _spec_row64, _spec_b,
                  pl.BlockSpec((DH, DH), lambda i: (0, 0))],
        out_specs=_spec_row64,
        out_shape=jax.ShapeDtypeStruct((NP, 128), jnp.float32),
    )(acc_p, y_prev, b_prev, W_next)


def _tc_fin(acc_p, y_prev, b_prev):
    return pl.pallas_call(
        _tc_fin_body,
        grid=(GRID,),
        in_specs=[_spec_acc, _spec_row64, _spec_b],
        out_specs=pl.BlockSpec((DH, BR), lambda i: (0, i)),
        out_shape=jax.ShapeDtypeStruct((DH, N), jnp.float32),
    )(acc_p, y_prev, b_prev)


def kernel(x, edge_index, batch, W1, b1, W2, b2, W3, b3):
    ev = jnp.transpose(edge_index.reshape(2, EB, CH), (1, 0, 2))
    b1r = b1.reshape(1, DH)
    b2r = b2.reshape(1, DH)
    b3r = b3.reshape(1, DH)

    deg_p = _sc_degree(ev)
    y1 = _tc_first(x, W1, deg_p)
    acc1 = _sc_scatter(y1, ev)
    y2 = _tc_mid(acc1, y1, b1r, W2)
    acc2 = _sc_scatter(y2, ev)
    y3 = _tc_mid(acc2, y2, b2r, W3)
    acc3 = _sc_scatter(y3, ev)
    return _tc_fin(acc3, y3, b3r).T

# --- scband reference (transcript-rebuilt; emitter-appended) ---
"""Pipeline reference for scband-backbone-19997367730748 (READ-ONLY COPY).

The authoritative reference and input builder live on the scoring server;
editing this copy changes nothing except your own understanding.
"""

import jax, jax.numpy as jnp
import numpy as np

N = 10000
E = 320000
D_IN = 128
D_H = 64
NEG_SLOPE = 0.01


def setup_inputs(seed: int = 0) -> dict:
    key = jax.random.key(seed)
    ks = jax.random.split(key, 9)
    x = jax.random.normal(ks[0], (N, D_IN), dtype=jnp.float32)
    edge_index = jax.random.randint(ks[1], (2, E), 0, N, dtype=jnp.int32)
    batch = jnp.zeros((N,), dtype=jnp.int32)
    W1 = jax.random.normal(ks[2], (D_IN, D_H), dtype=jnp.float32) * (1.0 / np.sqrt(D_IN))
    b1 = jnp.zeros((D_H,), dtype=jnp.float32)
    W2 = jax.random.normal(ks[3], (D_H, D_H), dtype=jnp.float32) * (1.0 / np.sqrt(D_H))
    b2 = jnp.zeros((D_H,), dtype=jnp.float32)
    W3 = jax.random.normal(ks[4], (D_H, D_H), dtype=jnp.float32) * (1.0 / np.sqrt(D_H))
    b3 = jnp.zeros((D_H,), dtype=jnp.float32)
    return {"x": x, "edge_index": edge_index, "batch": batch,
            "W1": W1, "b1": b1, "W2": W2, "b2": b2, "W3": W3, "b3": b3}


def _gcn_conv(x, src, dst, W, b):
    # PyG GCNConv with add_self_loops=True, normalize=True, symmetric norm.
    loop = jnp.arange(N, dtype=src.dtype)
    s = jnp.concatenate([src, loop])
    d = jnp.concatenate([dst, loop])
    deg = jnp.zeros((N,), jnp.float32).at[d].add(1.0)
    deg_inv_sqrt = jnp.where(deg > 0, jax.lax.rsqrt(jnp.maximum(deg, 1.0)), 0.0)
    norm = deg_inv_sqrt[s] * deg_inv_sqrt[d]
    xw = x @ W
    msg = xw[s] * norm[:, None]
    out = jnp.zeros((N, W.shape[1]), jnp.float32).at[d].add(msg)
    return out + b


def _leaky_relu(x):
    return jnp.where(x >= 0, x, NEG_SLOPE * x)


def reference(x, edge_index, batch, W1, b1, W2, b2, W3, b3):
    src = edge_index[0]
    dst = edge_index[1]
    h = _leaky_relu(_gcn_conv(x, src, dst, W1, b1))
    h = _leaky_relu(_gcn_conv(h, src, dst, W2, b2))
    h = _leaky_relu(_gcn_conv(h, src, dst, W3, b3))
    # dropout p=0.0 -> identity (eval behavior)
    return h

if __name__ == "__main__":
    import jax
    _d = setup_inputs()
    print(jax.jit(kernel)(*tuple(_d.values())))

</pallas_src>

<mosaic_0001>
#map = affine_map<(d0, d1) -> (0, 0)>
#map1 = affine_map<(d0, d1) -> (0, 0, 0)>
module attributes {stable_mosaic.version = 14 : i64} {
  func.func @_sc_scatter_body(%arg0: i32, %arg1: i32, %arg2: memref<10112x128xf32, #tpu.memory_space<hbm>>, %arg3: memref<2500x2x128xi32, #tpu.memory_space<hbm>>, %arg4: memref<2x10112x128xf32, #tpu.memory_space<hbm>>, %arg5: memref<79x128xi32, #tpu.memory_space<vmem>>, %arg6: memref<79x128xi32, #tpu.memory_space<vmem>>, %arg7: memref<2x128x64xf32, #tpu.memory_space<vmem>>, %arg8: memref<128x64xf32, #tpu.memory_space<vmem>>, %arg9: memref<10112x64xf32, #tpu.memory_space<vmem_shared>>, %arg10: memref<10112x64xf32, #tpu.memory_space<vmem_shared>>, %arg11: memref<!tpu.dma_semaphore, #tpu.memory_space<semaphore_mem>>, %arg12: memref<!tpu.dma_semaphore, #tpu.memory_space<semaphore_mem>>) attributes {dimension_semantics = [#tpu.dimension_semantics<core_parallel>, #tpu.dimension_semantics<subcore_parallel>], iteration_bounds = array<i64: 2, 16>, scalar_prefetch = 0 : i64, scratch_operands = 8 : i64, tpu.core_type = #tpu.core_type<sc_vector_subcore>, window_params = [{transform_indices = #map}, {transform_indices = #map1}, {transform_indices = #map1}]} {
    %mul3A = arith.constant 2 : i32
    %mul3A_0 = arith.muli %arg1, %mul3A : i32
    %add3A = arith.addi %mul3A_0, %arg0 : i32
    %mul3A_1 = arith.constant 632 : i32
    %mul3A_2 = arith.muli %arg1, %mul3A_1 : i32
    %lt3A = arith.constant 4 : i32
    %lt3A_3 = arith.cmpi slt, %add3A, %lt3A : i32
    %jit3A = arith.constant 1 : i32
    %jit3A_4 = arith.constant 0 : i32
    %select_n3A = arith.select %lt3A_3, %jit3A, %jit3A_4 : i32
    %add3A_5 = arith.constant 78 : i32
    %add3A_6 = arith.addi %add3A_5, %select_n3A : i32
    %mul3A_7 = arith.constant 78 : i32
    %mul3A_8 = arith.muli %mul3A_7, %add3A : i32
    %min3A = arith.constant 4 : i32
    %min3A_9 = arith.minsi %add3A, %min3A : i32
    %add3A_10 = arith.addi %mul3A_8, %min3A_9 : i32
    %dma_start3A = arith.constant 0 : i32
    %dma_start3A_11 = tpu.memref_slice %arg10[%mul3A_2, %dma_start3A] : memref<10112x64xf32, #tpu.memory_space<vmem_shared>> -> memref<632x64xf32, #tpu.memory_space<vmem_shared>>
    %dma_start3A_12 = arith.constant 0 : i32
    %dma_start3A_13 = tpu.memref_slice %arg2[%mul3A_2, %dma_start3A_12] : memref<10112x128xf32, #tpu.memory_space<hbm>> -> memref<632x64xf32, #tpu.memory_space<hbm>>
    tpu.enqueue_dma source(%dma_start3A_13 : memref<632x64xf32, #tpu.memory_space<hbm>>) target(%dma_start3A_11 : memref<632x64xf32, #tpu.memory_space<vmem_shared>>) target_semaphore(%arg12 : memref<!tpu.dma_semaphore, #tpu.memory_space<semaphore_mem>>)
    %broadcast_in_dim3A = arith.constant 0.000000e+00 : f32
    %broadcast_in_dim3A_14 = vector.broadcast %broadcast_in_dim3A : f32 to vector<16xf32>
    %scan3A = arith.constant 0 : i32
    %scan3A_15 = arith.constant 0 : i32
    %scan3A_16 = arith.constant 512 : i32
    %scan3A_17 = arith.addi %scan3A_15, %scan3A_16 : i32
    %scan3A_18 = arith.constant 1 : i32
    %scan3A_19 = scf.for %scan3A_66 = %scan3A_15 to %scan3A_17 step %scan3A_18 iter_args(%scan3A_67 = %scan3A) -> (i32)  : i32 {
      %jit3A_68 = arith.constant 4 : i32
      %div3A = arith.divsi %scan3A_66, %jit3A_68 : i32
      %sign3A = arith.constant 0 : i32
      %sign3A_69 = arith.cmpi sgt, %scan3A_66, %sign3A : i32
      %sign3A_70 = arith.extui %sign3A_69 : i1 to i32
      %sign3A_71 = arith.constant 0 : i32
      %sign3A_72 = arith.cmpi slt, %scan3A_66, %sign3A_71 : i32
      %sign3A_73 = arith.extui %sign3A_72 : i1 to i32
      %sign3A_74 = arith.subi %sign3A_70, %sign3A_73 : i32
      %sign3A_75 = arith.constant 0 : i32
      %sign3A_76 = arith.cmpi sgt, %jit3A_68, %sign3A_75 : i32
      %sign3A_77 = arith.extui %sign3A_76 : i1 to i32
      %sign3A_78 = arith.constant 0 : i32
      %sign3A_79 = arith.cmpi slt, %jit3A_68, %sign3A_78 : i32
      %sign3A_80 = arith.extui %sign3A_79 : i1 to i32
      %sign3A_81 = arith.subi %sign3A_77, %sign3A_80 : i32
      %ne3A = arith.cmpi ne, %sign3A_74, %sign3A_81 : i32
      %rem3A = arith.remsi %scan3A_66, %jit3A_68 : i32
      %ne3A_82 = arith.constant 0 : i32
      %ne3A_83 = arith.cmpi ne, %rem3A, %ne3A_82 : i32
      %and3A = arith.andi %ne3A, %ne3A_83 : i1
      %sub3A = arith.constant 1 : i32
      %sub3A_84 = arith.subi %div3A, %sub3A : i32
      %select_n3A_85 = arith.select %and3A, %sub3A_84, %div3A : i32
      %jit3A_86 = arith.constant 4 : i32
      %eq3A = arith.constant 0 : i32
      %eq3A_87 = arith.cmpi eq, %jit3A_86, %eq3A : i32
      %jit3A_88 = arith.constant 1 : i32
      %select_n3A_89 = arith.select %eq3A_87, %jit3A_88, %jit3A_86 : i32
      %rem3A_90 = arith.remsi %scan3A_66, %select_n3A_89 : i32
      %ne3A_91 = arith.constant 0 : i32
      %ne3A_92 = arith.cmpi ne, %rem3A_90, %ne3A_91 : i32
      %lt3A_93 = arith.constant 0 : i32
      %lt3A_94 = arith.cmpi slt, %rem3A_90, %lt3A_93 : i32
      %lt3A_95 = arith.constant 0 : i32
      %lt3A_96 = arith.cmpi slt, %select_n3A_89, %lt3A_95 : i32
      %ne3A_97 = arith.xori %lt3A_94, %lt3A_96 : i1
      %and3A_98 = arith.andi %ne3A_97, %ne3A_92 : i1
      %add3A_99 = arith.addi %rem3A_90, %select_n3A_89 : i32
      %select_n3A_100 = arith.select %and3A_98, %add3A_99, %rem3A_90 : i32
      %mul3A_101 = arith.constant 16 : i32
      %mul3A_102 = arith.muli %select_n3A_100, %mul3A_101 : i32
      %swap3A = arith.index_cast %select_n3A_85 : i32 to index
      %swap3A_103 = arith.index_cast %mul3A_102 : i32 to index
      %swap3A_104 = tpu.vector_load %arg8[%swap3A, %swap3A_103] {strides = array<i32>} : memref<128x64xf32, #tpu.memory_space<vmem>>, vector<1x16xf32>,
      %swap3A_105 = vector.shape_cast %swap3A_104 : vector<1x16xf32> to vector<16xf32>
      %swap3A_106 = vector.shape_cast %broadcast_in_dim3A_14 : vector<16xf32> to vector<1x16xf32>
      tpu.vector_store %arg8[%swap3A, %swap3A_103], %swap3A_106 {strides = array<i32>} : memref<128x64xf32, #tpu.memory_space<vmem>>, vector<1x16xf32>,
      %scan3A_107 = arith.constant 0 : i32
      scf.yield %scan3A_107 : i32
    }
    %scan3A_20 = arith.constant 512 : i32
    %scan3A_21 = arith.constant 0 : i32
    %scan3A_22 = arith.constant 0 : i32
    %scan3A_23 = arith.constant 4 : i32
    %scan3A_24 = arith.addi %scan3A_22, %scan3A_23 : i32
    %scan3A_25 = arith.constant 1 : i32
    %scan3A_26 = scf.for %scan3A_66 = %scan3A_22 to %scan3A_24 step %scan3A_25 iter_args(%scan3A_67 = %scan3A_21) -> (i32)  : i32 {
      %mul3A_68 = arith.constant 128 : i32
      %mul3A_69 = arith.muli %scan3A_66, %mul3A_68 : i32
      %add3A_70 = arith.addi %mul3A_2, %mul3A_69 : i32
      "tpu.region"() ({
        %run_scoped3A_72 = tpu.sem_alloc : memref<!tpu.dma_semaphore, #tpu.memory_space<semaphore_mem>>
        %dma_start3A_73 = arith.constant 0 : i32
        %dma_start3A_74 = tpu.memref_slice %arg9[%add3A_70, %dma_start3A_73] : memref<10112x64xf32, #tpu.memory_space<vmem_shared>> -> memref<128x64xf32, #tpu.memory_space<vmem_shared>>
        %dma_start3A_75 = arith.constant 0 : i32
        %dma_start3A_76 = tpu.memref_slice %arg9[%add3A_70, %dma_start3A_75] : memref<10112x64xf32, #tpu.memory_space<vmem_shared>> -> memref<128x64xf32, #tpu.memory_space<vmem_shared>>
        tpu.enqueue_dma source(%arg8 : memref<128x64xf32, #tpu.memory_space<vmem>>) target(%dma_start3A_76 : memref<128x64xf32, #tpu.memory_space<vmem_shared>>) target_semaphore(%run_scoped3A_72 : memref<!tpu.dma_semaphore, #tpu.memory_space<semaphore_mem>>)
        %dma_wait3A_77 = arith.constant 0 : i32
        %dma_wait3A_78 = tpu.memref_slice %arg9[%add3A_70, %dma_wait3A_77] : memref<10112x64xf32, #tpu.memory_space<vmem_shared>> -> memref<128x64xf32, #tpu.memory_space<vmem_shared>>
        %dma_wait3A_79 = arith.constant 0 : i32
        %dma_wait3A_80 = tpu.memref_slice %arg9[%add3A_70, %dma_wait3A_79] : memref<10112x64xf32, #tpu.memory_space<vmem_shared>> -> memref<128x64xf32, #tpu.memory_space<vmem_shared>>
        tpu.wait_dma2 semaphore(%run_scoped3A_72 : memref<!tpu.dma_semaphore, #tpu.memory_space<semaphore_mem>>) src(%arg8 : memref<128x64xf32, #tpu.memory_space<vmem>>) dst(%dma_wait3A_80 : memref<128x64xf32, #tpu.memory_space<vmem_shared>>)
        tpu.yield
      }) : () -> ()
      %scan3A_71 = arith.constant 0 : i32
      scf.yield %scan3A_71 : i32
    }
    %scan3A_27 = arith.constant 4 : i32
    %add3A_28 = arith.constant 512 : i32
    %add3A_29 = arith.addi %mul3A_2, %add3A_28 : i32
    "tpu.region"() ({
      %run_scoped3A_66 = tpu.sem_alloc : memref<!tpu.dma_semaphore, #tpu.memory_space<semaphore_mem>>
      %dma_start3A_67 = arith.constant 0 : i32
      %dma_start3A_68 = arith.constant 0 : i32
      %dma_start3A_69 = tpu.memref_slice %arg8[%dma_start3A_67, %dma_start3A_68] : memref<128x64xf32, #tpu.memory_space<vmem>> -> memref<120x64xf32, #tpu.memory_space<vmem>>
      %dma_start3A_70 = arith.constant 0 : i32
      %dma_start3A_71 = tpu.memref_slice %arg9[%add3A_29, %dma_start3A_70] : memref<10112x64xf32, #tpu.memory_space<vmem_shared>> -> memref<120x64xf32, #tpu.memory_space<vmem_shared>>
      %dma_start3A_72 = arith.constant 0 : i32
      %dma_start3A_73 = tpu.memref_slice %arg9[%add3A_29, %dma_start3A_72] : memref<10112x64xf32, #tpu.memory_space<vmem_shared>> -> memref<120x64xf32, #tpu.memory_space<vmem_shared>>
      %dma_start3A_74 = arith.constant 0 : i32
      %dma_start3A_75 = arith.constant 0 : i32
      %dma_start3A_76 = tpu.memref_slice %arg8[%dma_start3A_74, %dma_start3A_75] : memref<128x64xf32, #tpu.memory_space<vmem>> -> memref<120x64xf32, #tpu.memory_space<vmem>>
      tpu.enqueue_dma source(%dma_start3A_76 : memref<120x64xf32, #tpu.memory_space<vmem>>) target(%dma_start3A_73 : memref<120x64xf32, #tpu.memory_space<vmem_shared>>) target_semaphore(%run_scoped3A_66 : memref<!tpu.dma_semaphore, #tpu.memory_space<semaphore_mem>>)
      %dma_wait3A_77 = arith.constant 0 : i32
      %dma_wait3A_78 = arith.constant 0 : i32
      %dma_wait3A_79 = tpu.memref_slice %arg8[%dma_wait3A_77, %dma_wait3A_78] : memref<128x64xf32, #tpu.memory_space<vmem>> -> memref<120x64xf32, #tpu.memory_space<vmem>>
      %dma_wait3A_80 = arith.constant 0 : i32
      %dma_wait3A_81 = tpu.memref_slice %arg9[%add3A_29, %dma_wait3A_80] : memref<10112x64xf32, #tpu.memory_space<vmem_shared>> -> memref<120x64xf32, #tpu.memory_space<vmem_shared>>
      %dma_wait3A_82 = arith.constant 0 : i32
      %dma_wait3A_83 = tpu.memref_slice %arg9[%add3A_29, %dma_wait3A_82] : memref<10112x64xf32, #tpu.memory_space<vmem_shared>> -> memref<120x64xf32, #tpu.memory_space<vmem_shared>>
      %dma_wait3A_84 = arith.constant 0 : i32
      %dma_wait3A_85 = arith.constant 0 : i32
      %dma_wait3A_86 = tpu.memref_slice %arg8[%dma_wait3A_84, %dma_wait3A_85] : memref<128x64xf32, #tpu.memory_space<vmem>> -> memref<120x64xf32, #tpu.memory_space<vmem>>
      tpu.wait_dma2 semaphore(%run_scoped3A_66 : memref<!tpu.dma_semaphore, #tpu.memory_space<semaphore_mem>>) src(%dma_wait3A_86 : memref<120x64xf32, #tpu.memory_space<vmem>>) dst(%dma_wait3A_83 : memref<120x64xf32, #tpu.memory_space<vmem_shared>>)
      tpu.yield
    }) : () -> ()
    %run_scoped3A = arith.constant 0 : i32
    "tpu.region"() ({
      %run_scoped3A_66 = tpu.sem_alloc : memref<!tpu.dma_semaphore, #tpu.memory_space<semaphore_mem>>
      %dma_start3A_67 = arith.constant 0 : i32
      %dma_start3A_68 = arith.constant 0 : i32
      %dma_start3A_69 = tpu.memref_slice %arg5[%dma_start3A_67, %dma_start3A_68] : memref<79x128xi32, #tpu.memory_space<vmem>> -> memref<78x128xi32, #tpu.memory_space<vmem>>
      %dma_start3A_70 = arith.constant 0 : i32
      %dma_start3A_71 = tpu.memref_slice %arg3[%add3A_10, %run_scoped3A, %dma_start3A_70] : memref<2500x2x128xi32, #tpu.memory_space<hbm>> -> memref<78x1x128xi32, #tpu.memory_space<hbm>>
      %dma_start3A_72 = tpu.memref_squeeze %dma_start3A_71 : memref<78x1x128xi32, #tpu.memory_space<hbm>> -> memref<78x128xi32, #tpu.memory_space<hbm>>
      %dma_start3A_73 = arith.constant 0 : i32
      %dma_start3A_74 = arith.constant 0 : i32
      %dma_start3A_75 = tpu.memref_slice %arg5[%dma_start3A_73, %dma_start3A_74] : memref<79x128xi32, #tpu.memory_space<vmem>> -> memref<78x128xi32, #tpu.memory_space<vmem>>
      %dma_start3A_76 = arith.constant 0 : i32
      %dma_start3A_77 = tpu.memref_slice %arg3[%add3A_10, %run_scoped3A, %dma_start3A_76] : memref<2500x2x128xi32, #tpu.memory_space<hbm>> -> memref<78x1x128xi32, #tpu.memory_space<hbm>>
      %dma_start3A_78 = tpu.memref_squeeze %dma_start3A_77 : memref<78x1x128xi32, #tpu.memory_space<hbm>> -> memref<78x128xi32, #tpu.memory_space<hbm>>
      tpu.enqueue_dma source(%dma_start3A_78 : memref<78x128xi32, #tpu.memory_space<hbm>>) target(%dma_start3A_75 : memref<78x128xi32, #tpu.memory_space<vmem>>) target_semaphore(%run_scoped3A_66 : memref<!tpu.dma_semaphore, #tpu.memory_space<semaphore_mem>>)
      %dma_wait3A_79 = arith.constant 0 : i32
      %dma_wait3A_80 = arith.constant 0 : i32
      %dma_wait3A_81 = tpu.memref_slice %arg5[%dma_wait3A_79, %dma_wait3A_80] : memref<79x128xi32, #tpu.memory_space<vmem>> -> memref<78x128xi32, #tpu.memory_space<vmem>>
      %dma_wait3A_82 = arith.constant 0 : i32
      %dma_wait3A_83 = tpu.memref_slice %arg3[%add3A_10, %run_scoped3A, %dma_wait3A_82] : memref<2500x2x128xi32, #tpu.memory_space<hbm>> -> memref<78x1x128xi32, #tpu.memory_space<hbm>>
      %dma_wait3A_84 = tpu.memref_squeeze %dma_wait3A_83 : memref<78x1x128xi32, #tpu.memory_space<hbm>> -> memref<78x128xi32, #tpu.memory_space<hbm>>
      %dma_wait3A_85 = arith.constant 0 : i32
      %dma_wait3A_86 = arith.constant 0 : i32
      %dma_wait3A_87 = tpu.memref_slice %arg5[%dma_wait3A_85, %dma_wait3A_86] : memref<79x128xi32, #tpu.memory_space<vmem>> -> memref<78x128xi32, #tpu.memory_space<vmem>>
      %dma_wait3A_88 = arith.constant 0 : i32
      %dma_wait3A_89 = tpu.memref_slice %arg3[%add3A_10, %run_scoped3A, %dma_wait3A_88] : memref<2500x2x128xi32, #tpu.memory_space<hbm>> -> memref<78x1x128xi32, #tpu.memory_space<hbm>>
      %dma_wait3A_90 = tpu.memref_squeeze %dma_wait3A_89 : memref<78x1x128xi32, #tpu.memory_space<hbm>> -> memref<78x128xi32, #tpu.memory_space<hbm>>
      tpu.wait_dma2 semaphore(%run_scoped3A_66 : memref<!tpu.dma_semaphore, #tpu.memory_space<semaphore_mem>>) src(%dma_wait3A_90 : memref<78x128xi32, #tpu.memory_space<hbm>>) dst(%dma_wait3A_87 : memref<78x128xi32, #tpu.memory_space<vmem>>)
      tpu.yield
    }) : () -> ()
    %lt3A_30 = arith.constant 4 : i32
    %lt3A_31 = arith.cmpi slt, %add3A, %lt3A_30 : i32
    %convert_element_type3A = arith.extui %lt3A_31 : i1 to i32
    %cond3A = arith.constant 0 : i32
    %cond3A_32 = arith.cmpi ne, %convert_element_type3A, %cond3A : i32
    scf.if %cond3A_32 {
      %add3A_66 = arith.constant 78 : i32
      %add3A_67 = arith.addi %add3A_10, %add3A_66 : i32
      %run_scoped3A_68 = arith.constant 0 : i32
      %run_scoped3A_69 = arith.constant 78 : i32
      "tpu.region"() ({
        %run_scoped3A_70 = tpu.sem_alloc : memref<!tpu.dma_semaphore, #tpu.memory_space<semaphore_mem>>
        %dma_start3A_71 = arith.constant 0 : i32
        %dma_start3A_72 = tpu.memref_slice %arg5[%run_scoped3A_69, %dma_start3A_71] : memref<79x128xi32, #tpu.memory_space<vmem>> -> memref<1x128xi32, #tpu.memory_space<vmem>>
        %dma_start3A_73 = tpu.memref_squeeze %dma_start3A_72 : memref<1x128xi32, #tpu.memory_space<vmem>> -> memref<128xi32, #tpu.memory_space<vmem>>
        %dma_start3A_74 = arith.constant 0 : i32
        %dma_start3A_75 = tpu.memref_slice %arg3[%add3A_67, %run_scoped3A_68, %dma_start3A_74] : memref<2500x2x128xi32, #tpu.memory_space<hbm>> -> memref<1x1x128xi32, #tpu.memory_space<hbm>>
        %dma_start3A_76 = tpu.memref_squeeze %dma_start3A_75 : memref<1x1x128xi32, #tpu.memory_space<hbm>> -> memref<128xi32, #tpu.memory_space<hbm>>
        %dma_start3A_77 = arith.constant 0 : i32
        %dma_start3A_78 = tpu.memref_slice %arg5[%run_scoped3A_69, %dma_start3A_77] : memref<79x128xi32, #tpu.memory_space<vmem>> -> memref<1x128xi32, #tpu.memory_space<vmem>>
        %dma_start3A_79 = tpu.memref_squeeze %dma_start3A_78 : memref<1x128xi32, #tpu.memory_space<vmem>> -> memref<128xi32, #tpu.memory_space<vmem>>
        %dma_start3A_80 = arith.constant 0 : i32
        %dma_start3A_81 = tpu.memref_slice %arg3[%add3A_67, %run_scoped3A_68, %dma_start3A_80] : memref<2500x2x128xi32, #tpu.memory_space<hbm>> -> memref<1x1x128xi32, #tpu.memory_space<hbm>>
        %dma_start3A_82 = tpu.memref_squeeze %dma_start3A_81 : memref<1x1x128xi32, #tpu.memory_space<hbm>> -> memref<128xi32, #tpu.memory_space<hbm>>
        tpu.enqueue_dma source(%dma_start3A_82 : memref<128xi32, #tpu.memory_space<hbm>>) target(%dma_start3A_79 : memref<128xi32, #tpu.memory_space<vmem>>) target_semaphore(%run_scoped3A_70 : memref<!tpu.dma_semaphore, #tpu.memory_space<semaphore_mem>>)
        %dma_wait3A_83 = arith.constant 0 : i32
        %dma_wait3A_84 = tpu.memref_slice %arg5[%run_scoped3A_69, %dma_wait3A_83] : memref<79x128xi32, #tpu.memory_space<vmem>> -> memref<1x128xi32, #tpu.memory_space<vmem>>
        %dma_wait3A_85 = tpu.memref_squeeze %dma_wait3A_84 : memref<1x128xi32, #tpu.memory_space<vmem>> -> memref<128xi32, #tpu.memory_space<vmem>>
        %dma_wait3A_86 = arith.constant 0 : i32
        %dma_wait3A_87 = tpu.memref_slice %arg3[%add3A_67, %run_scoped3A_68, %dma_wait3A_86] : memref<2500x2x128xi32, #tpu.memory_space<hbm>> -> memref<1x1x128xi32, #tpu.memory_space<hbm>>
        %dma_wait3A_88 = tpu.memref_squeeze %dma_wait3A_87 : memref<1x1x128xi32, #tpu.memory_space<hbm>> -> memref<128xi32, #tpu.memory_space<hbm>>
        %dma_wait3A_89 = arith.constant 0 : i32
        %dma_wait3A_90 = tpu.memref_slice %arg5[%run_scoped3A_69, %dma_wait3A_89] : memref<79x128xi32, #tpu.memory_space<vmem>> -> memref<1x128xi32, #tpu.memory_space<vmem>>
        %dma_wait3A_91 = tpu.memref_squeeze %dma_wait3A_90 : memref<1x128xi32, #tpu.memory_space<vmem>> -> memref<128xi32, #tpu.memory_space<vmem>>
        %dma_wait3A_92 = arith.constant 0 : i32
        %dma_wait3A_93 = tpu.memref_slice %arg3[%add3A_67, %run_scoped3A_68, %dma_wait3A_92] : memref<2500x2x128xi32, #tpu.memory_space<hbm>> -> memref<1x1x128xi32, #tpu.memory_space<hbm>>
        %dma_wait3A_94 = tpu.memref_squeeze %dma_wait3A_93 : memref<1x1x128xi32, #tpu.memory_space<hbm>> -> memref<128xi32, #tpu.memory_space<hbm>>
        tpu.wait_dma2 semaphore(%run_scoped3A_70 : memref<!tpu.dma_semaphore, #tpu.memory_space<semaphore_mem>>) src(%dma_wait3A_94 : memref<128xi32, #tpu.memory_space<hbm>>) dst(%dma_wait3A_91 : memref<128xi32, #tpu.memory_space<vmem>>)
        tpu.yield
      }) : () -> ()
    } else {
    }
    %run_scoped3A_33 = arith.constant 1 : i32
    "tpu.region"() ({
      %run_scoped3A_66 = tpu.sem_alloc : memref<!tpu.dma_semaphore, #tpu.memory_space<semaphore_mem>>
      %dma_start3A_67 = arith.constant 0 : i32
      %dma_start3A_68 = arith.constant 0 : i32
      %dma_start3A_69 = tpu.memref_slice %arg6[%dma_start3A_67, %dma_start3A_68] : memref<79x128xi32, #tpu.memory_space<vmem>> -> memref<78x128xi32, #tpu.memory_space<vmem>>
      %dma_start3A_70 = arith.constant 0 : i32
      %dma_start3A_71 = tpu.memref_slice %arg3[%add3A_10, %run_scoped3A_33, %dma_start3A_70] : memref<2500x2x128xi32, #tpu.memory_space<hbm>> -> memref<78x1x128xi32, #tpu.memory_space<hbm>>
      %dma_start3A_72 = tpu.memref_squeeze %dma_start3A_71 : memref<78x1x128xi32, #tpu.memory_space<hbm>> -> memref<78x128xi32, #tpu.memory_space<hbm>>
      %dma_start3A_73 = arith.constant 0 : i32
      %dma_start3A_74 = arith.constant 0 : i32
      %dma_start3A_75 = tpu.memref_slice %arg6[%dma_start3A_73, %dma_start3A_74] : memref<79x128xi32, #tpu.memory_space<vmem>> -> memref<78x128xi32, #tpu.memory_space<vmem>>
      %dma_start3A_76 = arith.constant 0 : i32
      %dma_start3A_77 = tpu.memref_slice %arg3[%add3A_10, %run_scoped3A_33, %dma_start3A_76] : memref<2500x2x128xi32, #tpu.memory_space<hbm>> -> memref<78x1x128xi32, #tpu.memory_space<hbm>>
      %dma_start3A_78 = tpu.memref_squeeze %dma_start3A_77 : memref<78x1x128xi32, #tpu.memory_space<hbm>> -> memref<78x128xi32, #tpu.memory_space<hbm>>
      tpu.enqueue_dma source(%dma_start3A_78 : memref<78x128xi32, #tpu.memory_space<hbm>>) target(%dma_start3A_75 : memref<78x128xi32, #tpu.memory_space<vmem>>) target_semaphore(%run_scoped3A_66 : memref<!tpu.dma_semaphore, #tpu.memory_space<semaphore_mem>>)
      %dma_wait3A_79 = arith.constant 0 : i32
      %dma_wait3A_80 = arith.constant 0 : i32
      %dma_wait3A_81 = tpu.memref_slice %arg6[%dma_wait3A_79, %dma_wait3A_80] : memref<79x128xi32, #tpu.memory_space<vmem>> -> memref<78x128xi32, #tpu.memory_space<vmem>>
      %dma_wait3A_82 = arith.constant 0 : i32
      %dma_wait3A_83 = tpu.memref_slice %arg3[%add3A_10, %run_scoped3A_33, %dma_wait3A_82] : memref<2500x2x128xi32, #tpu.memory_space<hbm>> -> memref<78x1x128xi32, #tpu.memory_space<hbm>>
      %dma_wait3A_84 = tpu.memref_squeeze %dma_wait3A_83 : memref<78x1x128xi32, #tpu.memory_space<hbm>> -> memref<78x128xi32, #tpu.memory_space<hbm>>
      %dma_wait3A_85 = arith.constant 0 : i32
      %dma_wait3A_86 = arith.constant 0 : i32
      %dma_wait3A_87 = tpu.memref_slice %arg6[%dma_wait3A_85, %dma_wait3A_86] : memref<79x128xi32, #tpu.memory_space<vmem>> -> memref<78x128xi32, #tpu.memory_space<vmem>>
      %dma_wait3A_88 = arith.constant 0 : i32
      %dma_wait3A_89 = tpu.memref_slice %arg3[%add3A_10, %run_scoped3A_33, %dma_wait3A_88] : memref<2500x2x128xi32, #tpu.memory_space<hbm>> -> memref<78x1x128xi32, #tpu.memory_space<hbm>>
      %dma_wait3A_90 = tpu.memref_squeeze %dma_wait3A_89 : memref<78x1x128xi32, #tpu.memory_space<hbm>> -> memref<78x128xi32, #tpu.memory_space<hbm>>
      tpu.wait_dma2 semaphore(%run_scoped3A_66 : memref<!tpu.dma_semaphore, #tpu.memory_space<semaphore_mem>>) src(%dma_wait3A_90 : memref<78x128xi32, #tpu.memory_space<hbm>>) dst(%dma_wait3A_87 : memref<78x128xi32, #tpu.memory_space<vmem>>)
      tpu.yield
    }) : () -> ()
    %lt3A_34 = arith.constant 4 : i32
    %lt3A_35 = arith.cmpi slt, %add3A, %lt3A_34 : i32
    %convert_element_type3A_36 = arith.extui %lt3A_35 : i1 to i32
    %cond3A_37 = arith.constant 0 : i32
    %cond3A_38 = arith.cmpi ne, %convert_element_type3A_36, %cond3A_37 : i32
    scf.if %cond3A_38 {
      %add3A_66 = arith.constant 78 : i32
      %add3A_67 = arith.addi %add3A_10, %add3A_66 : i32
      %run_scoped3A_68 = arith.constant 1 : i32
      %run_scoped3A_69 = arith.constant 78 : i32
      "tpu.region"() ({
        %run_scoped3A_70 = tpu.sem_alloc : memref<!tpu.dma_semaphore, #tpu.memory_space<semaphore_mem>>
        %dma_start3A_71 = arith.constant 0 : i32
        %dma_start3A_72 = tpu.memref_slice %arg6[%run_scoped3A_69, %dma_start3A_71] : memref<79x128xi32, #tpu.memory_space<vmem>> -> memref<1x128xi32, #tpu.memory_space<vmem>>
        %dma_start3A_73 = tpu.memref_squeeze %dma_start3A_72 : memref<1x128xi32, #tpu.memory_space<vmem>> -> memref<128xi32, #tpu.memory_space<vmem>>
        %dma_start3A_74 = arith.constant 0 : i32
        %dma_start3A_75 = tpu.memref_slice %arg3[%add3A_67, %run_scoped3A_68, %dma_start3A_74] : memref<2500x2x128xi32, #tpu.memory_space<hbm>> -> memref<1x1x128xi32, #tpu.memory_space<hbm>>
        %dma_start3A_76 = tpu.memref_squeeze %dma_start3A_75 : memref<1x1x128xi32, #tpu.memory_space<hbm>> -> memref<128xi32, #tpu.memory_space<hbm>>
        %dma_start3A_77 = arith.constant 0 : i32
        %dma_start3A_78 = tpu.memref_slice %arg6[%run_scoped3A_69, %dma_start3A_77] : memref<79x128xi32, #tpu.memory_space<vmem>> -> memref<1x128xi32, #tpu.memory_space<vmem>>
        %dma_start3A_79 = tpu.memref_squeeze %dma_start3A_78 : memref<1x128xi32, #tpu.memory_space<vmem>> -> memref<128xi32, #tpu.memory_space<vmem>>
        %dma_start3A_80 = arith.constant 0 : i32
        %dma_start3A_81 = tpu.memref_slice %arg3[%add3A_67, %run_scoped3A_68, %dma_start3A_80] : memref<2500x2x128xi32, #tpu.memory_space<hbm>> -> memref<1x1x128xi32, #tpu.memory_space<hbm>>
        %dma_start3A_82 = tpu.memref_squeeze %dma_start3A_81 : memref<1x1x128xi32, #tpu.memory_space<hbm>> -> memref<128xi32, #tpu.memory_space<hbm>>
        tpu.enqueue_dma source(%dma_start3A_82 : memref<128xi32, #tpu.memory_space<hbm>>) target(%dma_start3A_79 : memref<128xi32, #tpu.memory_space<vmem>>) target_semaphore(%run_scoped3A_70 : memref<!tpu.dma_semaphore, #tpu.memory_space<semaphore_mem>>)
        %dma_wait3A_83 = arith.constant 0 : i32
        %dma_wait3A_84 = tpu.memref_slice %arg6[%run_scoped3A_69, %dma_wait3A_83] : memref<79x128xi32, #tpu.memory_space<vmem>> -> memref<1x128xi32, #tpu.memory_space<vmem>>
        %dma_wait3A_85 = tpu.memref_squeeze %dma_wait3A_84 : memref<1x128xi32, #tpu.memory_space<vmem>> -> memref<128xi32, #tpu.memory_space<vmem>>
        %dma_wait3A_86 = arith.constant 0 : i32
        %dma_wait3A_87 = tpu.memref_slice %arg3[%add3A_67, %run_scoped3A_68, %dma_wait3A_86] : memref<2500x2x128xi32, #tpu.memory_space<hbm>> -> memref<1x1x128xi32, #tpu.memory_space<hbm>>
        %dma_wait3A_88 = tpu.memref_squeeze %dma_wait3A_87 : memref<1x1x128xi32, #tpu.memory_space<hbm>> -> memref<128xi32, #tpu.memory_space<hbm>>
        %dma_wait3A_89 = arith.constant 0 : i32
        %dma_wait3A_90 = tpu.memref_slice %arg6[%run_scoped3A_69, %dma_wait3A_89] : memref<79x128xi32, #tpu.memory_space<vmem>> -> memref<1x128xi32, #tpu.memory_space<vmem>>
        %dma_wait3A_91 = tpu.memref_squeeze %dma_wait3A_90 : memref<1x128xi32, #tpu.memory_space<vmem>> -> memref<128xi32, #tpu.memory_space<vmem>>
        %dma_wait3A_92 = arith.constant 0 : i32
        %dma_wait3A_93 = tpu.memref_slice %arg3[%add3A_67, %run_scoped3A_68, %dma_wait3A_92] : memref<2500x2x128xi32, #tpu.memory_space<hbm>> -> memref<1x1x128xi32, #tpu.memory_space<hbm>>
        %dma_wait3A_94 = tpu.memref_squeeze %dma_wait3A_93 : memref<1x1x128xi32, #tpu.memory_space<hbm>> -> memref<128xi32, #tpu.memory_space<hbm>>
        tpu.wait_dma2 semaphore(%run_scoped3A_70 : memref<!tpu.dma_semaphore, #tpu.memory_space<semaphore_mem>>) src(%dma_wait3A_94 : memref<128xi32, #tpu.memory_space<hbm>>) dst(%dma_wait3A_91 : memref<128xi32, #tpu.memory_space<vmem>>)
        tpu.yield
      }) : () -> ()
    } else {
    }
    %dma_wait3A = arith.constant 0 : i32
    %dma_wait3A_39 = tpu.memref_slice %arg10[%mul3A_2, %dma_wait3A] : memref<10112x64xf32, #tpu.memory_space<vmem_shared>> -> memref<632x64xf32, #tpu.memory_space<vmem_shared>>
    %dma_wait3A_40 = arith.constant 0 : i32
    %dma_wait3A_41 = tpu.memref_slice %arg2[%mul3A_2, %dma_wait3A_40] : memref<10112x128xf32, #tpu.memory_space<hbm>> -> memref<632x64xf32, #tpu.memory_space<hbm>>
    tpu.wait_dma2 semaphore(%arg12 : memref<!tpu.dma_semaphore, #tpu.memory_space<semaphore_mem>>) src(%dma_wait3A_41 : memref<632x64xf32, #tpu.memory_space<hbm>>) dst(%dma_wait3A_39 : memref<632x64xf32, #tpu.memory_space<vmem_shared>>)
    %barrier3A = arith.constant 0 : index
    tpu.barrier barrier_id(%barrier3A)
    %dma_start3A_42 = arith.constant 0 : i32
    %dma_start3A_43 = arith.constant 0 : i32
    %dma_start3A_44 = arith.constant 0 : i32
    %dma_start3A_45 = arith.constant 0 : i32
    %dma_start3A_46 = tpu.memref_slice %arg7[%dma_start3A_43, %dma_start3A_44, %dma_start3A_45] : memref<2x128x64xf32, #tpu.memory_space<vmem>> -> memref<1x128x64xf32, #tpu.memory_space<vmem>>
    %dma_start3A_47 = tpu.memref_squeeze %dma_start3A_46 : memref<1x128x64xf32, #tpu.memory_space<vmem>> -> memref<128x64xf32, #tpu.memory_space<vmem>>
    %dma_start3A_48 = arith.constant 0 : i32
    %dma_start3A_49 = tpu.memref_slice %arg5[%dma_start3A_42, %dma_start3A_48] : memref<79x128xi32, #tpu.memory_space<vmem>> -> memref<1x128xi32, #tpu.memory_space<vmem>>
    %dma_start3A_50 = tpu.memref_squeeze %dma_start3A_49 : memref<1x128xi32, #tpu.memory_space<vmem>> -> memref<128xi32, #tpu.memory_space<vmem>>
    %dma_start3A_51 = arith.constant 0 : i32
    %dma_start3A_52 = arith.constant 0 : i32
    %dma_start3A_53 = tpu.memref_slice %arg10[%dma_start3A_51, %dma_start3A_52] : memref<10112x64xf32, #tpu.memory_space<vmem_shared>> -> memref<10112x64xf32, #tpu.memory_space<vmem_shared>>
    tpu.enqueue_indirect_dma source(%dma_start3A_53 : memref<10112x64xf32, #tpu.memory_space<vmem_shared>>) target(%dma_start3A_47 : memref<128x64xf32, #tpu.memory_space<vmem>>) offsets(%dma_start3A_50 : memref<128xi32, #tpu.memory_space<vmem>>) semaphore(%arg11 : memref<!tpu.dma_semaphore, #tpu.memory_space<semaphore_mem>>)
    %while3A = arith.constant 0 : i32
    %while3A_54 = arith.constant 0 : i32
    %while3A_55 = arith.subi %add3A_6, %while3A : i32
    %while3A_56 = arith.addi %while3A, %while3A_55 : i32
    %while3A_57 = arith.constant 1 : i32
    %while3A_58 = arith.divsi %while3A_55, %while3A_57 : i32
    %while3A_59 = arith.muli %while3A_58, %while3A_57 : i32
    %while3A_60 = arith.addi %while3A, %while3A_59 : i32
    %while3A_61 = arith.constant 1 : i32
    %while3A_62 = scf.for %while3A_66 = %while3A to %while3A_60 step %while3A_61 iter_args(%while3A_67 = %while3A_54) -> (i32)  : i32 {
      %jit3A_68 = arith.constant 2 : i32
      %eq3A = arith.constant 0 : i32
      %eq3A_69 = arith.cmpi eq, %jit3A_68, %eq3A : i32
      %jit3A_70 = arith.constant 1 : i32
      %select_n3A_71 = arith.select %eq3A_69, %jit3A_70, %jit3A_68 : i32
      %rem3A = arith.remsi %while3A_66, %select_n3A_71 : i32
      %ne3A = arith.constant 0 : i32
      %ne3A_72 = arith.cmpi ne, %rem3A, %ne3A : i32
      %lt3A_73 = arith.constant 0 : i32
      %lt3A_74 = arith.cmpi slt, %rem3A, %lt3A_73 : i32
      %lt3A_75 = arith.constant 0 : i32
      %lt3A_76 = arith.cmpi slt, %select_n3A_71, %lt3A_75 : i32
      %ne3A_77 = arith.xori %lt3A_74, %lt3A_76 : i1
      %and3A = arith.andi %ne3A_77, %ne3A_72 : i1
      %add3A_78 = arith.addi %rem3A, %select_n3A_71 : i32
      %select_n3A_79 = arith.select %and3A, %add3A_78, %rem3A : i32
      %eq3A_80 = arith.constant 0 : i32
      %eq3A_81 = arith.cmpi eq, %select_n3A_79, %eq3A_80 : i32
      %convert_element_type3A_82 = arith.extui %eq3A_81 : i1 to i32
      %cond3A_83 = arith.constant 0 : i32
      %cond3A_84 = arith.cmpi ne, %convert_element_type3A_82, %cond3A_83 : i32
      scf.if %cond3A_84 {
        %dma_wait3A_97 = arith.constant 0 : i32
        %dma_wait3A_98 = arith.constant 0 : i32
        %dma_wait3A_99 = arith.constant 0 : i32
        %dma_wait3A_100 = tpu.memref_slice %arg7[%dma_wait3A_97, %dma_wait3A_98, %dma_wait3A_99] : memref<2x128x64xf32, #tpu.memory_space<vmem>> -> memref<1x128x64xf32, #tpu.memory_space<vmem>>
        %dma_wait3A_101 = tpu.memref_squeeze %dma_wait3A_100 : memref<1x128x64xf32, #tpu.memory_space<vmem>> -> memref<128x64xf32, #tpu.memory_space<vmem>>
        %dma_wait3A_102 = arith.constant 0 : i32
        %dma_wait3A_103 = tpu.memref_slice %arg5[%while3A_66, %dma_wait3A_102] : memref<79x128xi32, #tpu.memory_space<vmem>> -> memref<1x128xi32, #tpu.memory_space<vmem>>
        %dma_wait3A_104 = tpu.memref_squeeze %dma_wait3A_103 : memref<1x128xi32, #tpu.memory_space<vmem>> -> memref<128xi32, #tpu.memory_space<vmem>>
        %dma_wait3A_105 = arith.constant 0 : i32
        %dma_wait3A_106 = arith.constant 0 : i32
        %dma_wait3A_107 = tpu.memref_slice %arg10[%dma_wait3A_105, %dma_wait3A_106] : memref<10112x64xf32, #tpu.memory_space<vmem_shared>> -> memref<10112x64xf32, #tpu.memory_space<vmem_shared>>
        tpu.wait_indirect_dma semaphore(%arg11 : memref<!tpu.dma_semaphore, #tpu.memory_space<semaphore_mem>>) src(%dma_wait3A_107 : memref<10112x64xf32, #tpu.memory_space<vmem_shared>>) dst(%dma_wait3A_101 : memref<128x64xf32, #tpu.memory_space<vmem>>)
      } else {
      }
      %eq3A_85 = arith.constant 1 : i32
      %eq3A_86 = arith.cmpi eq, %select_n3A_79, %eq3A_85 : i32
      %convert_element_type3A_87 = arith.extui %eq3A_86 : i1 to i32
      %cond3A_88 = arith.constant 0 : i32
      %cond3A_89 = arith.cmpi ne, %convert_element_type3A_87, %cond3A_88 : i32
      scf.if %cond3A_89 {
        %dma_wait3A_97 = arith.constant 1 : i32
        %dma_wait3A_98 = arith.constant 0 : i32
        %dma_wait3A_99 = arith.constant 0 : i32
        %dma_wait3A_100 = tpu.memref_slice %arg7[%dma_wait3A_97, %dma_wait3A_98, %dma_wait3A_99] : memref<2x128x64xf32, #tpu.memory_space<vmem>> -> memref<1x128x64xf32, #tpu.memory_space<vmem>>
        %dma_wait3A_101 = tpu.memref_squeeze %dma_wait3A_100 : memref<1x128x64xf32, #tpu.memory_space<vmem>> -> memref<128x64xf32, #tpu.memory_space<vmem>>
        %dma_wait3A_102 = arith.constant 0 : i32
        %dma_wait3A_103 = tpu.memref_slice %arg5[%while3A_66, %dma_wait3A_102] : memref<79x128xi32, #tpu.memory_space<vmem>> -> memref<1x128xi32, #tpu.memory_space<vmem>>
        %dma_wait3A_104 = tpu.memref_squeeze %dma_wait3A_103 : memref<1x128xi32, #tpu.memory_space<vmem>> -> memref<128xi32, #tpu.memory_space<vmem>>
        %dma_wait3A_105 = arith.constant 0 : i32
        %dma_wait3A_106 = arith.constant 0 : i32
        %dma_wait3A_107 = tpu.memref_slice %arg10[%dma_wait3A_105, %dma_wait3A_106] : memref<10112x64xf32, #tpu.memory_space<vmem_shared>> -> memref<10112x64xf32, #tpu.memory_space<vmem_shared>>
        tpu.wait_indirect_dma semaphore(%arg12 : memref<!tpu.dma_semaphore, #tpu.memory_space<semaphore_mem>>) src(%dma_wait3A_107 : memref<10112x64xf32, #tpu.memory_space<vmem_shared>>) dst(%dma_wait3A_101 : memref<128x64xf32, #tpu.memory_space<vmem>>)
      } else {
      }
      %add3A_90 = arith.constant 1 : i32
      %add3A_91 = arith.addi %while3A_66, %add3A_90 : i32
      %lt3A_92 = arith.cmpi slt, %add3A_91, %add3A_6 : i32
      %convert_element_type3A_93 = arith.extui %lt3A_92 : i1 to i32
      %cond3A_94 = arith.constant 0 : i32
      %cond3A_95 = arith.cmpi ne, %convert_element_type3A_93, %cond3A_94 : i32
      scf.if %cond3A_95 {
        %add3A_97 = arith.constant 1 : i32
        %add3A_98 = arith.addi %while3A_66, %add3A_97 : i32
        %jit3A_99 = arith.constant 2 : i32
        %eq3A_100 = arith.constant 0 : i32
        %eq3A_101 = arith.cmpi eq, %jit3A_99, %eq3A_100 : i32
        %jit3A_102 = arith.constant 1 : i32
        %select_n3A_103 = arith.select %eq3A_101, %jit3A_102, %jit3A_99 : i32
        %rem3A_104 = arith.remsi %add3A_98, %select_n3A_103 : i32
        %ne3A_105 = arith.constant 0 : i32
        %ne3A_106 = arith.cmpi ne, %rem3A_104, %ne3A_105 : i32
        %lt3A_107 = arith.constant 0 : i32
        %lt3A_108 = arith.cmpi slt, %rem3A_104, %lt3A_107 : i32
        %lt3A_109 = arith.constant 0 : i32
        %lt3A_110 = arith.cmpi slt, %select_n3A_103, %lt3A_109 : i32
        %ne3A_111 = arith.xori %lt3A_108, %lt3A_110 : i1
        %and3A_112 = arith.andi %ne3A_111, %ne3A_106 : i1
        %add3A_113 = arith.addi %rem3A_104, %select_n3A_103 : i32
        %select_n3A_114 = arith.select %and3A_112, %add3A_113, %rem3A_104 : i32
        %eq3A_115 = arith.constant 0 : i32
        %eq3A_116 = arith.cmpi eq, %select_n3A_114, %eq3A_115 : i32
        %convert_element_type3A_117 = arith.extui %eq3A_116 : i1 to i32
        %cond3A_118 = arith.constant 0 : i32
        %cond3A_119 = arith.cmpi ne, %convert_element_type3A_117, %cond3A_118 : i32
        scf.if %cond3A_119 {
          %add3A_125 = arith.constant 1 : i32
          %add3A_126 = arith.addi %while3A_66, %add3A_125 : i32
          %dma_start3A_127 = arith.constant 0 : i32
          %dma_start3A_128 = arith.constant 0 : i32
          %dma_start3A_129 = arith.constant 0 : i32
          %dma_start3A_130 = tpu.memref_slice %arg7[%dma_start3A_127, %dma_start3A_128, %dma_start3A_129] : memref<2x128x64xf32, #tpu.memory_space<vmem>> -> memref<1x128x64xf32, #tpu.memory_space<vmem>>
          %dma_start3A_131 = tpu.memref_squeeze %dma_start3A_130 : memref<1x128x64xf32, #tpu.memory_space<vmem>> -> memref<128x64xf32, #tpu.memory_space<vmem>>
          %dma_start3A_132 = arith.constant 0 : i32
          %dma_start3A_133 = tpu.memref_slice %arg5[%add3A_126, %dma_start3A_132] : memref<79x128xi32, #tpu.memory_space<vmem>> -> memref<1x128xi32, #tpu.memory_space<vmem>>
          %dma_start3A_134 = tpu.memref_squeeze %dma_start3A_133 : memref<1x128xi32, #tpu.memory_space<vmem>> -> memref<128xi32, #tpu.memory_space<vmem>>
          %dma_start3A_135 = arith.constant 0 : i32
          %dma_start3A_136 = arith.constant 0 : i32
          %dma_start3A_137 = tpu.memref_slice %arg10[%dma_start3A_135, %dma_start3A_136] : memref<10112x64xf32, #tpu.memory_space<vmem_shared>> -> memref<10112x64xf32, #tpu.memory_space<vmem_shared>>
          tpu.enqueue_indirect_dma source(%dma_start3A_137 : memref<10112x64xf32, #tpu.memory_space<vmem_shared>>) target(%dma_start3A_131 : memref<128x64xf32, #tpu.memory_space<vmem>>) offsets(%dma_start3A_134 : memref<128xi32, #tpu.memory_space<vmem>>) semaphore(%arg11 : memref<!tpu.dma_semaphore, #tpu.memory_space<semaphore_mem>>)
        } else {
        }
        %eq3A_120 = arith.constant 1 : i32
        %eq3A_121 = arith.cmpi eq, %select_n3A_114, %eq3A_120 : i32
        %convert_element_type3A_122 = arith.extui %eq3A_121 : i1 to i32
        %cond3A_123 = arith.constant 0 : i32
        %cond3A_124 = arith.cmpi ne, %convert_element_type3A_122, %cond3A_123 : i32
        scf.if %cond3A_124 {
          %add3A_125 = arith.constant 1 : i32
          %add3A_126 = arith.addi %while3A_66, %add3A_125 : i32
          %dma_start3A_127 = arith.constant 1 : i32
          %dma_start3A_128 = arith.constant 0 : i32
          %dma_start3A_129 = arith.constant 0 : i32
          %dma_start3A_130 = tpu.memref_slice %arg7[%dma_start3A_127, %dma_start3A_128, %dma_start3A_129] : memref<2x128x64xf32, #tpu.memory_space<vmem>> -> memref<1x128x64xf32, #tpu.memory_space<vmem>>
          %dma_start3A_131 = tpu.memref_squeeze %dma_start3A_130 : memref<1x128x64xf32, #tpu.memory_space<vmem>> -> memref<128x64xf32, #tpu.memory_space<vmem>>
          %dma_start3A_132 = arith.constant 0 : i32
          %dma_start3A_133 = tpu.memref_slice %arg5[%add3A_126, %dma_start3A_132] : memref<79x128xi32, #tpu.memory_space<vmem>> -> memref<1x128xi32, #tpu.memory_space<vmem>>
          %dma_start3A_134 = tpu.memref_squeeze %dma_start3A_133 : memref<1x128xi32, #tpu.memory_space<vmem>> -> memref<128xi32, #tpu.memory_space<vmem>>
          %dma_start3A_135 = arith.constant 0 : i32
          %dma_start3A_136 = arith.constant 0 : i32
          %dma_start3A_137 = tpu.memref_slice %arg10[%dma_start3A_135, %dma_start3A_136] : memref<10112x64xf32, #tpu.memory_space<vmem_shared>> -> memref<10112x64xf32, #tpu.memory_space<vmem_shared>>
          tpu.enqueue_indirect_dma source(%dma_start3A_137 : memref<10112x64xf32, #tpu.memory_space<vmem_shared>>) target(%dma_start3A_131 : memref<128x64xf32, #tpu.memory_space<vmem>>) offsets(%dma_start3A_134 : memref<128xi32, #tpu.memory_space<vmem>>) semaphore(%arg12 : memref<!tpu.dma_semaphore, #tpu.memory_space<semaphore_mem>>)
        } else {
        }
      } else {
      }
      "tpu.region"() ({
        %run_scoped3A_97 = tpu.sem_alloc : memref<!tpu.dma_semaphore, #tpu.memory_space<semaphore_mem>>
        %dma_start3A_98 = arith.constant 0 : i32
        %dma_start3A_99 = arith.constant 0 : i32
        %dma_start3A_100 = tpu.memref_slice %arg7[%select_n3A_79, %dma_start3A_98, %dma_start3A_99] : memref<2x128x64xf32, #tpu.memory_space<vmem>> -> memref<1x128x64xf32, #tpu.memory_space<vmem>>
        %dma_start3A_101 = tpu.memref_squeeze %dma_start3A_100 : memref<1x128x64xf32, #tpu.memory_space<vmem>> -> memref<128x64xf32, #tpu.memory_space<vmem>>
        %dma_start3A_102 = arith.constant 0 : i32
        %dma_start3A_103 = tpu.memref_slice %arg6[%while3A_66, %dma_start3A_102] : memref<79x128xi32, #tpu.memory_space<vmem>> -> memref<1x128xi32, #tpu.memory_space<vmem>>
        %dma_start3A_104 = tpu.memref_squeeze %dma_start3A_103 : memref<1x128xi32, #tpu.memory_space<vmem>> -> memref<128xi32, #tpu.memory_space<vmem>>
        %dma_start3A_105 = arith.constant 0 : i32
        %dma_start3A_106 = arith.constant 0 : i32
        %dma_start3A_107 = tpu.memref_slice %arg9[%dma_start3A_105, %dma_start3A_106] : memref<10112x64xf32, #tpu.memory_space<vmem_shared>> -> memref<10112x64xf32, #tpu.memory_space<vmem_shared>>
        tpu.enqueue_indirect_dma source(%dma_start3A_101 : memref<128x64xf32, #tpu.memory_space<vmem>>) target(%dma_start3A_107 : memref<10112x64xf32, #tpu.memory_space<vmem_shared>>) offsets(%dma_start3A_104 : memref<128xi32, #tpu.memory_space<vmem>>) semaphore(%run_scoped3A_97 : memref<!tpu.dma_semaphore, #tpu.memory_space<semaphore_mem>>) {add = true}
        %dma_wait3A_108 = arith.constant 0 : i32
        %dma_wait3A_109 = arith.constant 0 : i32
        %dma_wait3A_110 = tpu.memref_slice %arg7[%select_n3A_79, %dma_wait3A_108, %dma_wait3A_109] : memref<2x128x64xf32, #tpu.memory_space<vmem>> -> memref<1x128x64xf32, #tpu.memory_space<vmem>>
        %dma_wait3A_111 = tpu.memref_squeeze %dma_wait3A_110 : memref<1x128x64xf32, #tpu.memory_space<vmem>> -> memref<128x64xf32, #tpu.memory_space<vmem>>
        %dma_wait3A_112 = arith.constant 0 : i32
        %dma_wait3A_113 = tpu.memref_slice %arg6[%while3A_66, %dma_wait3A_112] : memref<79x128xi32, #tpu.memory_space<vmem>> -> memref<1x128xi32, #tpu.memory_space<vmem>>
        %dma_wait3A_114 = tpu.memref_squeeze %dma_wait3A_113 : memref<1x128xi32, #tpu.memory_space<vmem>> -> memref<128xi32, #tpu.memory_space<vmem>>
        %dma_wait3A_115 = arith.constant 0 : i32
        %dma_wait3A_116 = arith.constant 0 : i32
        %dma_wait3A_117 = tpu.memref_slice %arg9[%dma_wait3A_115, %dma_wait3A_116] : memref<10112x64xf32, #tpu.memory_space<vmem_shared>> -> memref<10112x64xf32, #tpu.memory_space<vmem_shared>>
        tpu.wait_indirect_dma semaphore(%run_scoped3A_97 : memref<!tpu.dma_semaphore, #tpu.memory_space<semaphore_mem>>) src(%dma_wait3A_111 : memref<128x64xf32, #tpu.memory_space<vmem>>) dst(%dma_wait3A_117 : memref<10112x64xf32, #tpu.memory_space<vmem_shared>>)
        tpu.yield
      }) : () -> ()
      %while3A_96 = arith.constant 0 : i32
      scf.yield %while3A_96 : i32
    }
    %while3A_63 = arith.constant 1 : i32
    %while3A_64 = scf.for %while3A_66 = %while3A_60 to %while3A_56 step %while3A_63 iter_args(%while3A_67 = %while3A_62) -> (i32)  : i32 {
      %jit3A_68 = arith.constant 2 : i32
      %eq3A = arith.constant 0 : i32
      %eq3A_69 = arith.cmpi eq, %jit3A_68, %eq3A : i32
      %jit3A_70 = arith.constant 1 : i32
      %select_n3A_71 = arith.select %eq3A_69, %jit3A_70, %jit3A_68 : i32
      %rem3A = arith.remsi %while3A_66, %select_n3A_71 : i32
      %ne3A = arith.constant 0 : i32
      %ne3A_72 = arith.cmpi ne, %rem3A, %ne3A : i32
      %lt3A_73 = arith.constant 0 : i32
      %lt3A_74 = arith.cmpi slt, %rem3A, %lt3A_73 : i32
      %lt3A_75 = arith.constant 0 : i32
      %lt3A_76 = arith.cmpi slt, %select_n3A_71, %lt3A_75 : i32
      %ne3A_77 = arith.xori %lt3A_74, %lt3A_76 : i1
      %and3A = arith.andi %ne3A_77, %ne3A_72 : i1
      %add3A_78 = arith.addi %rem3A, %select_n3A_71 : i32
      %select_n3A_79 = arith.select %and3A, %add3A_78, %rem3A : i32
      %eq3A_80 = arith.constant 0 : i32
      %eq3A_81 = arith.cmpi eq, %select_n3A_79, %eq3A_80 : i32
      %convert_element_type3A_82 = arith.extui %eq3A_81 : i1 to i32
      %cond3A_83 = arith.constant 0 : i32
      %cond3A_84 = arith.cmpi ne, %convert_element_type3A_82, %cond3A_83 : i32
      scf.if %cond3A_84 {
        %dma_wait3A_97 = arith.constant 0 : i32
        %dma_wait3A_98 = arith.constant 0 : i32
        %dma_wait3A_99 = arith.constant 0 : i32
        %dma_wait3A_100 = tpu.memref_slice %arg7[%dma_wait3A_97, %dma_wait3A_98, %dma_wait3A_99] : memref<2x128x64xf32, #tpu.memory_space<vmem>> -> memref<1x128x64xf32, #tpu.memory_space<vmem>>
        %dma_wait3A_101 = tpu.memref_squeeze %dma_wait3A_100 : memref<1x128x64xf32, #tpu.memory_space<vmem>> -> memref<128x64xf32, #tpu.memory_space<vmem>>
        %dma_wait3A_102 = arith.constant 0 : i32
        %dma_wait3A_103 = tpu.memref_slice %arg5[%while3A_66, %dma_wait3A_102] : memref<79x128xi32, #tpu.memory_space<vmem>> -> memref<1x128xi32, #tpu.memory_space<vmem>>
        %dma_wait3A_104 = tpu.memref_squeeze %dma_wait3A_103 : memref<1x128xi32, #tpu.memory_space<vmem>> -> memref<128xi32, #tpu.memory_space<vmem>>
        %dma_wait3A_105 = arith.constant 0 : i32
        %dma_wait3A_106 = arith.constant 0 : i32
        %dma_wait3A_107 = tpu.memref_slice %arg10[%dma_wait3A_105, %dma_wait3A_106] : memref<10112x64xf32, #tpu.memory_space<vmem_shared>> -> memref<10112x64xf32, #tpu.memory_space<vmem_shared>>
        tpu.wait_indirect_dma semaphore(%arg11 : memref<!tpu.dma_semaphore, #tpu.memory_space<semaphore_mem>>) src(%dma_wait3A_107 : memref<10112x64xf32, #tpu.memory_space<vmem_shared>>) dst(%dma_wait3A_101 : memref<128x64xf32, #tpu.memory_space<vmem>>)
      } else {
      }
      %eq3A_85 = arith.constant 1 : i32
      %eq3A_86 = arith.cmpi eq, %select_n3A_79, %eq3A_85 : i32
      %convert_element_type3A_87 = arith.extui %eq3A_86 : i1 to i32
      %cond3A_88 = arith.constant 0 : i32
      %cond3A_89 = arith.cmpi ne, %convert_element_type3A_87, %cond3A_88 : i32
      scf.if %cond3A_89 {
        %dma_wait3A_97 = arith.constant 1 : i32
        %dma_wait3A_98 = arith.constant 0 : i32
        %dma_wait3A_99 = arith.constant 0 : i32
        %dma_wait3A_100 = tpu.memref_slice %arg7[%dma_wait3A_97, %dma_wait3A_98, %dma_wait3A_99] : memref<2x128x64xf32, #tpu.memory_space<vmem>> -> memref<1x128x64xf32, #tpu.memory_space<vmem>>
        %dma_wait3A_101 = tpu.memref_squeeze %dma_wait3A_100 : memref<1x128x64xf32, #tpu.memory_space<vmem>> -> memref<128x64xf32, #tpu.memory_space<vmem>>
        %dma_wait3A_102 = arith.constant 0 : i32
        %dma_wait3A_103 = tpu.memref_slice %arg5[%while3A_66, %dma_wait3A_102] : memref<79x128xi32, #tpu.memory_space<vmem>> -> memref<1x128xi32, #tpu.memory_space<vmem>>
        %dma_wait3A_104 = tpu.memref_squeeze %dma_wait3A_103 : memref<1x128xi32, #tpu.memory_space<vmem>> -> memref<128xi32, #tpu.memory_space<vmem>>
        %dma_wait3A_105 = arith.constant 0 : i32
        %dma_wait3A_106 = arith.constant 0 : i32
        %dma_wait3A_107 = tpu.memref_slice %arg10[%dma_wait3A_105, %dma_wait3A_106] : memref<10112x64xf32, #tpu.memory_space<vmem_shared>> -> memref<10112x64xf32, #tpu.memory_space<vmem_shared>>
        tpu.wait_indirect_dma semaphore(%arg12 : memref<!tpu.dma_semaphore, #tpu.memory_space<semaphore_mem>>) src(%dma_wait3A_107 : memref<10112x64xf32, #tpu.memory_space<vmem_shared>>) dst(%dma_wait3A_101 : memref<128x64xf32, #tpu.memory_space<vmem>>)
      } else {
      }
      %add3A_90 = arith.constant 1 : i32
      %add3A_91 = arith.addi %while3A_66, %add3A_90 : i32
      %lt3A_92 = arith.cmpi slt, %add3A_91, %add3A_6 : i32
      %convert_element_type3A_93 = arith.extui %lt3A_92 : i1 to i32
      %cond3A_94 = arith.constant 0 : i32
      %cond3A_95 = arith.cmpi ne, %convert_element_type3A_93, %cond3A_94 : i32
      scf.if %cond3A_95 {
        %add3A_97 = arith.constant 1 : i32
        %add3A_98 = arith.addi %while3A_66, %add3A_97 : i32
        %jit3A_99 = arith.constant 2 : i32
        %eq3A_100 = arith.constant 0 : i32
        %eq3A_101 = arith.cmpi eq, %jit3A_99, %eq3A_100 : i32
        %jit3A_102 = arith.constant 1 : i32
        %select_n3A_103 = arith.select %eq3A_101, %jit3A_102, %jit3A_99 : i32
        %rem3A_104 = arith.remsi %add3A_98, %select_n3A_103 : i32
        %ne3A_105 = arith.constant 0 : i32
        %ne3A_106 = arith.cmpi ne, %rem3A_104, %ne3A_105 : i32
        %lt3A_107 = arith.constant 0 : i32
        %lt3A_108 = arith.cmpi slt, %rem3A_104, %lt3A_107 : i32
        %lt3A_109 = arith.constant 0 : i32
        %lt3A_110 = arith.cmpi slt, %select_n3A_103, %lt3A_109 : i32
        %ne3A_111 = arith.xori %lt3A_108, %lt3A_110 : i1
        %and3A_112 = arith.andi %ne3A_111, %ne3A_106 : i1
        %add3A_113 = arith.addi %rem3A_104, %select_n3A_103 : i32
        %select_n3A_114 = arith.select %and3A_112, %add3A_113, %rem3A_104 : i32
        %eq3A_115 = arith.constant 0 : i32
        %eq3A_116 = arith.cmpi eq, %select_n3A_114, %eq3A_115 : i32
        %convert_element_type3A_117 = arith.extui %eq3A_116 : i1 to i32
        %cond3A_118 = arith.constant 0 : i32
        %cond3A_119 = arith.cmpi ne, %convert_element_type3A_117, %cond3A_118 : i32
        scf.if %cond3A_119 {
          %add3A_125 = arith.constant 1 : i32
          %add3A_126 = arith.addi %while3A_66, %add3A_125 : i32
          %dma_start3A_127 = arith.constant 0 : i32
          %dma_start3A_128 = arith.constant 0 : i32
          %dma_start3A_129 = arith.constant 0 : i32
          %dma_start3A_130 = tpu.memref_slice %arg7[%dma_start3A_127, %dma_start3A_128, %dma_start3A_129] : memref<2x128x64xf32, #tpu.memory_space<vmem>> -> memref<1x128x64xf32, #tpu.memory_space<vmem>>
          %dma_start3A_131 = tpu.memref_squeeze %dma_start3A_130 : memref<1x128x64xf32, #tpu.memory_space<vmem>> -> memref<128x64xf32, #tpu.memory_space<vmem>>
          %dma_start3A_132 = arith.constant 0 : i32
          %dma_start3A_133 = tpu.memref_slice %arg5[%add3A_126, %dma_start3A_132] : memref<79x128xi32, #tpu.memory_space<vmem>> -> memref<1x128xi32, #tpu.memory_space<vmem>>
          %dma_start3A_134 = tpu.memref_squeeze %dma_start3A_133 : memref<1x128xi32, #tpu.memory_space<vmem>> -> memref<128xi32, #tpu.memory_space<vmem>>
          %dma_start3A_135 = arith.constant 0 : i32
          %dma_start3A_136 = arith.constant 0 : i32
          %dma_start3A_137 = tpu.memref_slice %arg10[%dma_start3A_135, %dma_start3A_136] : memref<10112x64xf32, #tpu.memory_space<vmem_shared>> -> memref<10112x64xf32, #tpu.memory_space<vmem_shared>>
          tpu.enqueue_indirect_dma source(%dma_start3A_137 : memref<10112x64xf32, #tpu.memory_space<vmem_shared>>) target(%dma_start3A_131 : memref<128x64xf32, #tpu.memory_space<vmem>>) offsets(%dma_start3A_134 : memref<128xi32, #tpu.memory_space<vmem>>) semaphore(%arg11 : memref<!tpu.dma_semaphore, #tpu.memory_space<semaphore_mem>>)
        } else {
        }
        %eq3A_120 = arith.constant 1 : i32
        %eq3A_121 = arith.cmpi eq, %select_n3A_114, %eq3A_120 : i32
        %convert_element_type3A_122 = arith.extui %eq3A_121 : i1 to i32
        %cond3A_123 = arith.constant 0 : i32
        %cond3A_124 = arith.cmpi ne, %convert_element_type3A_122, %cond3A_123 : i32
        scf.if %cond3A_124 {
          %add3A_125 = arith.constant 1 : i32
          %add3A_126 = arith.addi %while3A_66, %add3A_125 : i32
          %dma_start3A_127 = arith.constant 1 : i32
          %dma_start3A_128 = arith.constant 0 : i32
          %dma_start3A_129 = arith.constant 0 : i32
          %dma_start3A_130 = tpu.memref_slice %arg7[%dma_start3A_127, %dma_start3A_128, %dma_start3A_129] : memref<2x128x64xf32, #tpu.memory_space<vmem>> -> memref<1x128x64xf32, #tpu.memory_space<vmem>>
          %dma_start3A_131 = tpu.memref_squeeze %dma_start3A_130 : memref<1x128x64xf32, #tpu.memory_space<vmem>> -> memref<128x64xf32, #tpu.memory_space<vmem>>
          %dma_start3A_132 = arith.constant 0 : i32
          %dma_start3A_133 = tpu.memref_slice %arg5[%add3A_126, %dma_start3A_132] : memref<79x128xi32, #tpu.memory_space<vmem>> -> memref<1x128xi32, #tpu.memory_space<vmem>>
          %dma_start3A_134 = tpu.memref_squeeze %dma_start3A_133 : memref<1x128xi32, #tpu.memory_space<vmem>> -> memref<128xi32, #tpu.memory_space<vmem>>
          %dma_start3A_135 = arith.constant 0 : i32
          %dma_start3A_136 = arith.constant 0 : i32
          %dma_start3A_137 = tpu.memref_slice %arg10[%dma_start3A_135, %dma_start3A_136] : memref<10112x64xf32, #tpu.memory_space<vmem_shared>> -> memref<10112x64xf32, #tpu.memory_space<vmem_shared>>
          tpu.enqueue_indirect_dma source(%dma_start3A_137 : memref<10112x64xf32, #tpu.memory_space<vmem_shared>>) target(%dma_start3A_131 : memref<128x64xf32, #tpu.memory_space<vmem>>) offsets(%dma_start3A_134 : memref<128xi32, #tpu.memory_space<vmem>>) semaphore(%arg12 : memref<!tpu.dma_semaphore, #tpu.memory_space<semaphore_mem>>)
        } else {
        }
      } else {
      }
      "tpu.region"() ({
        %run_scoped3A_97 = tpu.sem_alloc : memref<!tpu.dma_semaphore, #tpu.memory_space<semaphore_mem>>
        %dma_start3A_98 = arith.constant 0 : i32
        %dma_start3A_99 = arith.constant 0 : i32
        %dma_start3A_100 = tpu.memref_slice %arg7[%select_n3A_79, %dma_start3A_98, %dma_start3A_99] : memref<2x128x64xf32, #tpu.memory_space<vmem>> -> memref<1x128x64xf32, #tpu.memory_space<vmem>>
        %dma_start3A_101 = tpu.memref_squeeze %dma_start3A_100 : memref<1x128x64xf32, #tpu.memory_space<vmem>> -> memref<128x64xf32, #tpu.memory_space<vmem>>
        %dma_start3A_102 = arith.constant 0 : i32
        %dma_start3A_103 = tpu.memref_slice %arg6[%while3A_66, %dma_start3A_102] : memref<79x128xi32, #tpu.memory_space<vmem>> -> memref<1x128xi32, #tpu.memory_space<vmem>>
        %dma_start3A_104 = tpu.memref_squeeze %dma_start3A_103 : memref<1x128xi32, #tpu.memory_space<vmem>> -> memref<128xi32, #tpu.memory_space<vmem>>
        %dma_start3A_105 = arith.constant 0 : i32
        %dma_start3A_106 = arith.constant 0 : i32
        %dma_start3A_107 = tpu.memref_slice %arg9[%dma_start3A_105, %dma_start3A_106] : memref<10112x64xf32, #tpu.memory_space<vmem_shared>> -> memref<10112x64xf32, #tpu.memory_space<vmem_shared>>
        tpu.enqueue_indirect_dma source(%dma_start3A_101 : memref<128x64xf32, #tpu.memory_space<vmem>>) target(%dma_start3A_107 : memref<10112x64xf32, #tpu.memory_space<vmem_shared>>) offsets(%dma_start3A_104 : memref<128xi32, #tpu.memory_space<vmem>>) semaphore(%run_scoped3A_97 : memref<!tpu.dma_semaphore, #tpu.memory_space<semaphore_mem>>) {add = true}
        %dma_wait3A_108 = arith.constant 0 : i32
        %dma_wait3A_109 = arith.constant 0 : i32
        %dma_wait3A_110 = tpu.memref_slice %arg7[%select_n3A_79, %dma_wait3A_108, %dma_wait3A_109] : memref<2x128x64xf32, #tpu.memory_space<vmem>> -> memref<1x128x64xf32, #tpu.memory_space<vmem>>
        %dma_wait3A_111 = tpu.memref_squeeze %dma_wait3A_110 : memref<1x128x64xf32, #tpu.memory_space<vmem>> -> memref<128x64xf32, #tpu.memory_space<vmem>>
        %dma_wait3A_112 = arith.constant 0 : i32
        %dma_wait3A_113 = tpu.memref_slice %arg6[%while3A_66, %dma_wait3A_112] : memref<79x128xi32, #tpu.memory_space<vmem>> -> memref<1x128xi32, #tpu.memory_space<vmem>>
        %dma_wait3A_114 = tpu.memref_squeeze %dma_wait3A_113 : memref<1x128xi32, #tpu.memory_space<vmem>> -> memref<128xi32, #tpu.memory_space<vmem>>
        %dma_wait3A_115 = arith.constant 0 : i32
        %dma_wait3A_116 = arith.constant 0 : i32
        %dma_wait3A_117 = tpu.memref_slice %arg9[%dma_wait3A_115, %dma_wait3A_116] : memref<10112x64xf32, #tpu.memory_space<vmem_shared>> -> memref<10112x64xf32, #tpu.memory_space<vmem_shared>>
        tpu.wait_indirect_dma semaphore(%run_scoped3A_97 : memref<!tpu.dma_semaphore, #tpu.memory_space<semaphore_mem>>) src(%dma_wait3A_111 : memref<128x64xf32, #tpu.memory_space<vmem>>) dst(%dma_wait3A_117 : memref<10112x64xf32, #tpu.memory_space<vmem_shared>>)
        tpu.yield
      }) : () -> ()
      %while3A_96 = arith.constant 0 : i32
      scf.yield %while3A_96 : i32
    }
    %barrier3A_65 = arith.constant 0 : index
    tpu.barrier barrier_id(%barrier3A_65)
    "tpu.region"() ({
      %run_scoped3A_66 = tpu.sem_alloc : memref<!tpu.dma_semaphore, #tpu.memory_space<semaphore_mem>>
      %dma_start3A_67 = arith.constant 0 : i32
      %dma_start3A_68 = tpu.memref_slice %arg4[%arg0, %mul3A_2, %dma_start3A_67] : memref<2x10112x128xf32, #tpu.memory_space<hbm>> -> memref<1x632x64xf32, #tpu.memory_space<hbm>>
      %dma_start3A_69 = tpu.memref_squeeze %dma_start3A_68 : memref<1x632x64xf32, #tpu.memory_space<hbm>> -> memref<632x64xf32, #tpu.memory_space<hbm>>
      %dma_start3A_70 = arith.constant 0 : i32
      %dma_start3A_71 = tpu.memref_slice %arg9[%mul3A_2, %dma_start3A_70] : memref<10112x64xf32, #tpu.memory_space<vmem_shared>> -> memref<632x64xf32, #tpu.memory_space<vmem_shared>>
      tpu.enqueue_dma source(%dma_start3A_71 : memref<632x64xf32, #tpu.memory_space<vmem_shared>>) target(%dma_start3A_69 : memref<632x64xf32, #tpu.memory_space<hbm>>) target_semaphore(%run_scoped3A_66 : memref<!tpu.dma_semaphore, #tpu.memory_space<semaphore_mem>>)
      %dma_wait3A_72 = arith.constant 0 : i32
      %dma_wait3A_73 = tpu.memref_slice %arg4[%arg0, %mul3A_2, %dma_wait3A_72] : memref<2x10112x128xf32, #tpu.memory_space<hbm>> -> memref<1x632x64xf32, #tpu.memory_space<hbm>>
      %dma_wait3A_74 = tpu.memref_squeeze %dma_wait3A_73 : memref<1x632x64xf32, #tpu.memory_space<hbm>> -> memref<632x64xf32, #tpu.memory_space<hbm>>
      %dma_wait3A_75 = arith.constant 0 : i32
      %dma_wait3A_76 = tpu.memref_slice %arg9[%mul3A_2, %dma_wait3A_75] : memref<10112x64xf32, #tpu.memory_space<vmem_shared>> -> memref<632x64xf32, #tpu.memory_space<vmem_shared>>
      tpu.wait_dma2 semaphore(%run_scoped3A_66 : memref<!tpu.dma_semaphore, #tpu.memory_space<semaphore_mem>>) src(%dma_wait3A_76 : memref<632x64xf32, #tpu.memory_space<vmem_shared>>) dst(%dma_wait3A_74 : memref<632x64xf32, #tpu.memory_space<hbm>>)
      tpu.yield
    }) : () -> ()
    return
  }
}

#map = affine_map<(d0, d1) -> (0, 0)>
#map1 = affine_map<(d0, d1) -> (0, 0, 0)>
module attributes {stable_mosaic.version = 14 : i64} {
  func.func @_sc_scatter_body(%arg0: i32, %arg1: i32, %arg2: memref<10112x128xf32, #tpu.memory_space<hbm>>, %arg3: memref<2500x2x128xi32, #tpu.memory_space<hbm>>, %arg4: memref<2x10112x128xf32, #tpu.memory_space<hbm>>, %arg5: memref<79x128xi32, #tpu.memory_space<vmem>>, %arg6: memref<79x128xi32, #tpu.memory_space<vmem>>, %arg7: memref<2x128x64xf32, #tpu.memory_space<vmem>>, %arg8: memref<128x64xf32, #tpu.memory_space<vmem>>, %arg9: memref<10112x64xf32, #tpu.memory_space<vmem_shared>>, %arg10: memref<10112x64xf32, #tpu.memory_space<vmem_shared>>, %arg11: memref<!tpu.dma_semaphore, #tpu.memory_space<semaphore_mem>>, %arg12: memref<!tpu.dma_semaphore, #tpu.memory_space<semaphore_mem>>) attributes {dimension_semantics = [#tpu.dimension_semantics<core_parallel>, #tpu.dimension_semantics<subcore_parallel>], iteration_bounds = array<i64: 2, 16>, scalar_prefetch = 0 : i64, scratch_operands = 8 : i64, tpu.core_type = #tpu.core_type<sc_vector_subcore>, window_params = [{transform_indices = #map}, {transform_indices = #map1}, {transform_indices = #map1}]} {
    %mul3A = arith.constant 2 : i32
    %mul3A_0 = arith.muli %arg1, %mul3A : i32
    %add3A = arith.addi %mul3A_0, %arg0 : i32
    %mul3A_1 = arith.constant 632 : i32
    %mul3A_2 = arith.muli %arg1, %mul3A_1 : i32
    %lt3A = arith.constant 4 : i32
    %lt3A_3 = arith.cmpi slt, %add3A, %lt3A : i32
    %jit3A = arith.constant 1 : i32
    %jit3A_4 = arith.constant 0 : i32
    %select_n3A = arith.select %lt3A_3, %jit3A, %jit3A_4 : i32
    %add3A_5 = arith.constant 78 : i32
    %add3A_6 = arith.addi %add3A_5, %select_n3A : i32
    %mul3A_7 = arith.constant 78 : i32
    %mul3A_8 = arith.muli %mul3A_7, %add3A : i32
    %min3A = arith.constant 4 : i32
    %min3A_9 = arith.minsi %add3A, %min3A : i32
    %add3A_10 = arith.addi %mul3A_8, %min3A_9 : i32
    %dma_start3A = arith.constant 0 : i32
    %dma_start3A_11 = tpu.memref_slice %arg10[%mul3A_2, %dma_start3A] : memref<10112x64xf32, #tpu.memory_space<vmem_shared>> -> memref<632x64xf32, #tpu.memory_space<vmem_shared>>
    %dma_start3A_12 = arith.constant 0 : i32
    %dma_start3A_13 = tpu.memref_slice %arg2[%mul3A_2, %dma_start3A_12] : memref<10112x128xf32, #tpu.memory_space<hbm>> -> memref<632x64xf32, #tpu.memory_space<hbm>>
    tpu.enqueue_dma source(%dma_start3A_13 : memref<632x64xf32, #tpu.memory_space<hbm>>) target(%dma_start3A_11 : memref<632x64xf32, #tpu.memory_space<vmem_shared>>) target_semaphore(%arg12 : memref<!tpu.dma_semaphore, #tpu.memory_space<semaphore_mem>>)
    %broadcast_in_dim3A = arith.constant 0.000000e+00 : f32
    %broadcast_in_dim3A_14 = vector.broadcast %broadcast_in_dim3A : f32 to vector<16xf32>
    %scan3A = arith.constant 0 : i32
    %scan3A_15 = arith.constant 0 : i32
    %scan3A_16 = arith.constant 512 : i32
    %scan3A_17 = arith.addi %scan3A_15, %scan3A_16 : i32
    %scan3A_18 = arith.constant 1 : i32
    %scan3A_19 = scf.for %scan3A_66 = %scan3A_15 to %scan3A_17 step %scan3A_18 iter_args(%scan3A_67 = %scan3A) -> (i32)  : i32 {
      %jit3A_68 = arith.constant 4 : i32
      %div3A = arith.divsi %scan3A_66, %jit3A_68 : i32
      %sign3A = arith.constant 0 : i32
      %sign3A_69 = arith.cmpi sgt, %scan3A_66, %sign3A : i32
      %sign3A_70 = arith.extui %sign3A_69 : i1 to i32
      %sign3A_71 = arith.constant 0 : i32
      %sign3A_72 = arith.cmpi slt, %scan3A_66, %sign3A_71 : i32
      %sign3A_73 = arith.extui %sign3A_72 : i1 to i32
      %sign3A_74 = arith.subi %sign3A_70, %sign3A_73 : i32
      %sign3A_75 = arith.constant 0 : i32
      %sign3A_76 = arith.cmpi sgt, %jit3A_68, %sign3A_75 : i32
      %sign3A_77 = arith.extui %sign3A_76 : i1 to i32
      %sign3A_78 = arith.constant 0 : i32
      %sign3A_79 = arith.cmpi slt, %jit3A_68, %sign3A_78 : i32
      %sign3A_80 = arith.extui %sign3A_79 : i1 to i32
      %sign3A_81 = arith.subi %sign3A_77, %sign3A_80 : i32
      %ne3A = arith.cmpi ne, %sign3A_74, %sign3A_81 : i32
      %rem3A = arith.remsi %scan3A_66, %jit3A_68 : i32
      %ne3A_82 = arith.constant 0 : i32
      %ne3A_83 = arith.cmpi ne, %rem3A, %ne3A_82 : i32
      %and3A = arith.andi %ne3A, %ne3A_83 : i1
      %sub3A = arith.constant 1 : i32
      %sub3A_84 = arith.subi %div3A, %sub3A : i32
      %select_n3A_85 = arith.select %and3A, %sub3A_84, %div3A : i32
      %jit3A_86 = arith.constant 4 : i32
      %eq3A = arith.constant 0 : i32
      %eq3A_87 = arith.cmpi eq, %jit3A_86, %eq3A : i32
      %jit3A_88 = arith.constant 1 : i32
      %select_n3A_89 = arith.select %eq3A_87, %jit3A_88, %jit3A_86 : i32
      %rem3A_90 = arith.remsi %scan3A_66, %select_n3A_89 : i32
      %ne3A_91 = arith.constant 0 : i32
      %ne3A_92 = arith.cmpi ne, %rem3A_90, %ne3A_91 : i32
      %lt3A_93 = arith.constant 0 : i32
      %lt3A_94 = arith.cmpi slt, %rem3A_90, %lt3A_93 : i32
      %lt3A_95 = arith.constant 0 : i32
      %lt3A_96 = arith.cmpi slt, %select_n3A_89, %lt3A_95 : i32
      %ne3A_97 = arith.xori %lt3A_94, %lt3A_96 : i1
      %and3A_98 = arith.andi %ne3A_97, %ne3A_92 : i1
      %add3A_99 = arith.addi %rem3A_90, %select_n3A_89 : i32
      %select_n3A_100 = arith.select %and3A_98, %add3A_99, %rem3A_90 : i32
      %mul3A_101 = arith.constant 16 : i32
      %mul3A_102 = arith.muli %select_n3A_100, %mul3A_101 : i32
      %swap3A = arith.index_cast %select_n3A_85 : i32 to index
      %swap3A_103 = arith.index_cast %mul3A_102 : i32 to index
      %swap3A_104 = tpu.vector_load %arg8[%swap3A, %swap3A_103] {strides = array<i32>} : memref<128x64xf32, #tpu.memory_space<vmem>>, vector<1x16xf32>,
      %swap3A_105 = vector.shape_cast %swap3A_104 : vector<1x16xf32> to vector<16xf32>
      %swap3A_106 = vector.shape_cast %broadcast_in_dim3A_14 : vector<16xf32> to vector<1x16xf32>
      tpu.vector_store %arg8[%swap3A, %swap3A_103], %swap3A_106 {strides = array<i32>} : memref<128x64xf32, #tpu.memory_space<vmem>>, vector<1x16xf32>,
      %scan3A_107 = arith.constant 0 : i32
      scf.yield %scan3A_107 : i32
    }
    %scan3A_20 = arith.constant 512 : i32
    %scan3A_21 = arith.constant 0 : i32
    %scan3A_22 = arith.constant 0 : i32
    %scan3A_23 = arith.constant 4 : i32
    %scan3A_24 = arith.addi %scan3A_22, %scan3A_23 : i32
    %scan3A_25 = arith.constant 1 : i32
    %scan3A_26 = scf.for %scan3A_66 = %scan3A_22 to %scan3A_24 step %scan3A_25 iter_args(%scan3A_67 = %scan3A_21) -> (i32)  : i32 {
      %mul3A_68 = arith.constant 128 : i32
      %mul3A_69 = arith.muli %scan3A_66, %mul3A_68 : i32
      %add3A_70 = arith.addi %mul3A_2, %mul3A_69 : i32
      "tpu.region"() ({
        %run_scoped3A_72 = tpu.sem_alloc : memref<!tpu.dma_semaphore, #tpu.memory_space<semaphore_mem>>
        %dma_start3A_73 = arith.constant 0 : i32
        %dma_start3A_74 = tpu.memref_slice %arg9[%add3A_70, %dma_start3A_73] : memref<10112x64xf32, #tpu.memory_space<vmem_shared>> -> memref<128x64xf32, #tpu.memory_space<vmem_shared>>
        %dma_start3A_75 = arith.constant 0 : i32
        %dma_start3A_76 = tpu.memref_slice %arg9[%add3A_70, %dma_start3A_75] : memref<10112x64xf32, #tpu.memory_space<vmem_shared>> -> memref<128x64xf32, #tpu.memory_space<vmem_shared>>
        tpu.enqueue_dma source(%arg8 : memref<128x64xf32, #tpu.memory_space<vmem>>) target(%dma_start3A_76 : memref<128x64xf32, #tpu.memory_space<vmem_shared>>) target_semaphore(%run_scoped3A_72 : memref<!tpu.dma_semaphore, #tpu.memory_space<semaphore_mem>>)
        %dma_wait3A_77 = arith.constant 0 : i32
        %dma_wait3A_78 = tpu.memref_slice %arg9[%add3A_70, %dma_wait3A_77] : memref<10112x64xf32, #tpu.memory_space<vmem_shared>> -> memref<128x64xf32, #tpu.memory_space<vmem_shared>>
        %dma_wait3A_79 = arith.constant 0 : i32
        %dma_wait3A_80 = tpu.memref_slice %arg9[%add3A_70, %dma_wait3A_79] : memref<10112x64xf32, #tpu.memory_space<vmem_shared>> -> memref<128x64xf32, #tpu.memory_space<vmem_shared>>
        tpu.wait_dma2 semaphore(%run_scoped3A_72 : memref<!tpu.dma_semaphore, #tpu.memory_space<semaphore_mem>>) src(%arg8 : memref<128x64xf32, #tpu.memory_space<vmem>>) dst(%dma_wait3A_80 : memref<128x64xf32, #tpu.memory_space<vmem_shared>>)
        tpu.yield
      }) : () -> ()
      %scan3A_71 = arith.constant 0 : i32
      scf.yield %scan3A_71 : i32
    }
    %scan3A_27 = arith.constant 4 : i32
    %add3A_28 = arith.constant 512 : i32
    %add3A_29 = arith.addi %mul3A_2, %add3A_28 : i32
    "tpu.region"() ({
      %run_scoped3A_66 = tpu.sem_alloc : memref<!tpu.dma_semaphore, #tpu.memory_space<semaphore_mem>>
      %dma_start3A_67 = arith.constant 0 : i32
      %dma_start3A_68 = arith.constant 0 : i32
      %dma_start3A_69 = tpu.memref_slice %arg8[%dma_start3A_67, %dma_start3A_68] : memref<128x64xf32, #tpu.memory_space<vmem>> -> memref<120x64xf32, #tpu.memory_space<vmem>>
      %dma_start3A_70 = arith.constant 0 : i32
      %dma_start3A_71 = tpu.memref_slice %arg9[%add3A_29, %dma_start3A_70] : memref<10112x64xf32, #tpu.memory_space<vmem_shared>> -> memref<120x64xf32, #tpu.memory_space<vmem_shared>>
      %dma_start3A_72 = arith.constant 0 : i32
      %dma_start3A_73 = tpu.memref_slice %arg9[%add3A_29, %dma_start3A_72] : memref<10112x64xf32, #tpu.memory_space<vmem_shared>> -> memref<120x64xf32, #tpu.memory_space<vmem_shared>>
      %dma_start3A_74 = arith.constant 0 : i32
      %dma_start3A_75 = arith.constant 0 : i32
      %dma_start3A_76 = tpu.memref_slice %arg8[%dma_start3A_74, %dma_start3A_75] : memref<128x64xf32, #tpu.memory_space<vmem>> -> memref<120x64xf32, #tpu.memory_space<vmem>>
      tpu.enqueue_dma source(%dma_start3A_76 : memref<120x64xf32, #tpu.memory_space<vmem>>) target(%dma_start3A_73 : memref<120x64xf32, #tpu.memory_space<vmem_shared>>) target_semaphore(%run_scoped3A_66 : memref<!tpu.dma_semaphore, #tpu.memory_space<semaphore_mem>>)
      %dma_wait3A_77 = arith.constant 0 : i32
      %dma_wait3A_78 = arith.constant 0 : i32
      %dma_wait3A_79 = tpu.memref_slice %arg8[%dma_wait3A_77, %dma_wait3A_78] : memref<128x64xf32, #tpu.memory_space<vmem>> -> memref<120x64xf32, #tpu.memory_space<vmem>>
      %dma_wait3A_80 = arith.constant 0 : i32
      %dma_wait3A_81 = tpu.memref_slice %arg9[%add3A_29, %dma_wait3A_80] : memref<10112x64xf32, #tpu.memory_space<vmem_shared>> -> memref<120x64xf32, #tpu.memory_space<vmem_shared>>
      %dma_wait3A_82 = arith.constant 0 : i32
      %dma_wait3A_83 = tpu.memref_slice %arg9[%add3A_29, %dma_wait3A_82] : memref<10112x64xf32, #tpu.memory_space<vmem_shared>> -> memref<120x64xf32, #tpu.memory_space<vmem_shared>>
      %dma_wait3A_84 = arith.constant 0 : i32
      %dma_wait3A_85 = arith.constant 0 : i32
      %dma_wait3A_86 = tpu.memref_slice %arg8[%dma_wait3A_84, %dma_wait3A_85] : memref<128x64xf32, #tpu.memory_space<vmem>> -> memref<120x64xf32, #tpu.memory_space<vmem>>
      tpu.wait_dma2 semaphore(%run_scoped3A_66 : memref<!tpu.dma_semaphore, #tpu.memory_space<semaphore_mem>>) src(%dma_wait3A_86 : memref<120x64xf32, #tpu.memory_space<vmem>>) dst(%dma_wait3A_83 : memref<120x64xf32, #tpu.memory_space<vmem_shared>>)
      tpu.yield
    }) : () -> ()
    %run_scoped3A = arith.constant 0 : i32
    "tpu.region"() ({
      %run_scoped3A_66 = tpu.sem_alloc : memref<!tpu.dma_semaphore, #tpu.memory_space<semaphore_mem>>
      %dma_start3A_67 = arith.constant 0 : i32
      %dma_start3A_68 = arith.constant 0 : i32
      %dma_start3A_69 = tpu.memref_slice %arg5[%dma_start3A_67, %dma_start3A_68] : memref<79x128xi32, #tpu.memory_space<vmem>> -> memref<78x128xi32, #tpu.memory_space<vmem>>
      %dma_start3A_70 = arith.constant 0 : i32
      %dma_start3A_71 = tpu.memref_slice %arg3[%add3A_10, %run_scoped3A, %dma_start3A_70] : memref<2500x2x128xi32, #tpu.memory_space<hbm>> -> memref<78x1x128xi32, #tpu.memory_space<hbm>>
      %dma_start3A_72 = tpu.memref_squeeze %dma_start3A_71 : memref<78x1x128xi32, #tpu.memory_space<hbm>> -> memref<78x128xi32, #tpu.memory_space<hbm>>
      %dma_start3A_73 = arith.constant 0 : i32
      %dma_start3A_74 = arith.constant 0 : i32
      %dma_start3A_75 = tpu.memref_slice %arg5[%dma_start3A_73, %dma_start3A_74] : memref<79x128xi32, #tpu.memory_space<vmem>> -> memref<78x128xi32, #tpu.memory_space<vmem>>
      %dma_start3A_76 = arith.constant 0 : i32
      %dma_start3A_77 = tpu.memref_slice %arg3[%add3A_10, %run_scoped3A, %dma_start3A_76] : memref<2500x2x128xi32, #tpu.memory_space<hbm>> -> memref<78x1x128xi32, #tpu.memory_space<hbm>>
      %dma_start3A_78 = tpu.memref_squeeze %dma_start3A_77 : memref<78x1x128xi32, #tpu.memory_space<hbm>> -> memref<78x128xi32, #tpu.memory_space<hbm>>
      tpu.enqueue_dma source(%dma_start3A_78 : memref<78x128xi32, #tpu.memory_space<hbm>>) target(%dma_start3A_75 : memref<78x128xi32, #tpu.memory_space<vmem>>) target_semaphore(%run_scoped3A_66 : memref<!tpu.dma_semaphore, #tpu.memory_space<semaphore_mem>>)
      %dma_wait3A_79 = arith.constant 0 : i32
      %dma_wait3A_80 = arith.constant 0 : i32
      %dma_wait3A_81 = tpu.memref_slice %arg5[%dma_wait3A_79, %dma_wait3A_80] : memref<79x128xi32, #tpu.memory_space<vmem>> -> memref<78x128xi32, #tpu.memory_space<vmem>>
      %dma_wait3A_82 = arith.constant 0 : i32
      %dma_wait3A_83 = tpu.memref_slice %arg3[%add3A_10, %run_scoped3A, %dma_wait3A_82] : memref<2500x2x128xi32, #tpu.memory_space<hbm>> -> memref<78x1x128xi32, #tpu.memory_space<hbm>>
      %dma_wait3A_84 = tpu.memref_squeeze %dma_wait3A_83 : memref<78x1x128xi32, #tpu.memory_space<hbm>> -> memref<78x128xi32, #tpu.memory_space<hbm>>
      %dma_wait3A_85 = arith.constant 0 : i32
      %dma_wait3A_86 = arith.constant 0 : i32
      %dma_wait3A_87 = tpu.memref_slice %arg5[%dma_wait3A_85, %dma_wait3A_86] : memref<79x128xi32, #tpu.memory_space<vmem>> -> memref<78x128xi32, #tpu.memory_space<vmem>>
      %dma_wait3A_88 = arith.constant 0 : i32
      %dma_wait3A_89 = tpu.memref_slice %arg3[%add3A_10, %run_scoped3A, %dma_wait3A_88] : memref<2500x2x128xi32, #tpu.memory_space<hbm>> -> memref<78x1x128xi32, #tpu.memory_space<hbm>>
      %dma_wait3A_90 = tpu.memref_squeeze %dma_wait3A_89 : memref<78x1x128xi32, #tpu.memory_space<hbm>> -> memref<78x128xi32, #tpu.memory_space<hbm>>
      tpu.wait_dma2 semaphore(%run_scoped3A_66 : memref<!tpu.dma_semaphore, #tpu.memory_space<semaphore_mem>>) src(%dma_wait3A_90 : memref<78x128xi32, #tpu.memory_space<hbm>>) dst(%dma_wait3A_87 : memref<78x128xi32, #tpu.memory_space<vmem>>)
      tpu.yield
    }) : () -> ()
    %lt3A_30 = arith.constant 4 : i32
    %lt3A_31 = arith.cmpi slt, %add3A, %lt3A_30 : i32
    %convert_element_type3A = arith.extui %lt3A_31 : i1 to i32
    %cond3A = arith.constant 0 : i32
    %cond3A_32 = arith.cmpi ne, %convert_element_type3A, %cond3A : i32
    scf.if %cond3A_32 {
      %add3A_66 = arith.constant 78 : i32
      %add3A_67 = arith.addi %add3A_10, %add3A_66 : i32
      %run_scoped3A_68 = arith.constant 0 : i32
      %run_scoped3A_69 = arith.constant 78 : i32
      "tpu.region"() ({
        %run_scoped3A_70 = tpu.sem_alloc : memref<!tpu.dma_semaphore, #tpu.memory_space<semaphore_mem>>
        %dma_start3A_71 = arith.constant 0 : i32
        %dma_start3A_72 = tpu.memref_slice %arg5[%run_scoped3A_69, %dma_start3A_71] : memref<79x128xi32, #tpu.memory_space<vmem>> -> memref<1x128xi32, #tpu.memory_space<vmem>>
        %dma_start3A_73 = tpu.memref_squeeze %dma_start3A_72 : memref<1x128xi32, #tpu.memory_space<vmem>> -> memref<128xi32, #tpu.memory_space<vmem>>
        %dma_start3A_74 = arith.constant 0 : i32
        %dma_start3A_75 = tpu.memref_slice %arg3[%add3A_67, %run_scoped3A_68, %dma_start3A_74] : memref<2500x2x128xi32, #tpu.memory_space<hbm>> -> memref<1x1x128xi32, #tpu.memory_space<hbm>>
        %dma_start3A_76 = tpu.memref_squeeze %dma_start3A_75 : memref<1x1x128xi32, #tpu.memory_space<hbm>> -> memref<128xi32, #tpu.memory_space<hbm>>
        %dma_start3A_77 = arith.constant 0 : i32
        %dma_start3A_78 = tpu.memref_slice %arg5[%run_scoped3A_69, %dma_start3A_77] : memref<79x128xi32, #tpu.memory_space<vmem>> -> memref<1x128xi32, #tpu.memory_space<vmem>>
        %dma_start3A_79 = tpu.memref_squeeze %dma_start3A_78 : memref<1x128xi32, #tpu.memory_space<vmem>> -> memref<128xi32, #tpu.memory_space<vmem>>
        %dma_start3A_80 = arith.constant 0 : i32
        %dma_start3A_81 = tpu.memref_slice %arg3[%add3A_67, %run_scoped3A_68, %dma_start3A_80] : memref<2500x2x128xi32, #tpu.memory_space<hbm>> -> memref<1x1x128xi32, #tpu.memory_space<hbm>>
        %dma_start3A_82 = tpu.memref_squeeze %dma_start3A_81 : memref<1x1x128xi32, #tpu.memory_space<hbm>> -> memref<128xi32, #tpu.memory_space<hbm>>
        tpu.enqueue_dma source(%dma_start3A_82 : memref<128xi32, #tpu.memory_space<hbm>>) target(%dma_start3A_79 : memref<128xi32, #tpu.memory_space<vmem>>) target_semaphore(%run_scoped3A_70 : memref<!tpu.dma_semaphore, #tpu.memory_space<semaphore_mem>>)
        %dma_wait3A_83 = arith.constant 0 : i32
        %dma_wait3A_84 = tpu.memref_slice %arg5[%run_scoped3A_69, %dma_wait3A_83] : memref<79x128xi32, #tpu.memory_space<vmem>> -> memref<1x128xi32, #tpu.memory_space<vmem>>
        %dma_wait3A_85 = tpu.memref_squeeze %dma_wait3A_84 : memref<1x128xi32, #tpu.memory_space<vmem>> -> memref<128xi32, #tpu.memory_space<vmem>>
        %dma_wait3A_86 = arith.constant 0 : i32
        %dma_wait3A_87 = tpu.memref_slice %arg3[%add3A_67, %run_scoped3A_68, %dma_wait3A_86] : memref<2500x2x128xi32, #tpu.memory_space<hbm>> -> memref<1x1x128xi32, #tpu.memory_space<hbm>>
        %dma_wait3A_88 = tpu.memref_squeeze %dma_wait3A_87 : memref<1x1x128xi32, #tpu.memory_space<hbm>> -> memref<128xi32, #tpu.memory_space<hbm>>
        %dma_wait3A_89 = arith.constant 0 : i32
        %dma_wait3A_90 = tpu.memref_slice %arg5[%run_scoped3A_69, %dma_wait3A_89] : memref<79x128xi32, #tpu.memory_space<vmem>> -> memref<1x128xi32, #tpu.memory_space<vmem>>
        %dma_wait3A_91 = tpu.memref_squeeze %dma_wait3A_90 : memref<1x128xi32, #tpu.memory_space<vmem>> -> memref<128xi32, #tpu.memory_space<vmem>>
        %dma_wait3A_92 = arith.constant 0 : i32
        %dma_wait3A_93 = tpu.memref_slice %arg3[%add3A_67, %run_scoped3A_68, %dma_wait3A_92] : memref<2500x2x128xi32, #tpu.memory_space<hbm>> -> memref<1x1x128xi32, #tpu.memory_space<hbm>>
        %dma_wait3A_94 = tpu.memref_squeeze %dma_wait3A_93 : memref<1x1x128xi32, #tpu.memory_space<hbm>> -> memref<128xi32, #tpu.memory_space<hbm>>
        tpu.wait_dma2 semaphore(%run_scoped3A_70 : memref<!tpu.dma_semaphore, #tpu.memory_space<semaphore_mem>>) src(%dma_wait3A_94 : memref<128xi32, #tpu.memory_space<hbm>>) dst(%dma_wait3A_91 : memref<128xi32, #tpu.memory_space<vmem>>)
        tpu.yield
      }) : () -> ()
    } else {
    }
    %run_scoped3A_33 = arith.constant 1 : i32
    "tpu.region"() ({
      %run_scoped3A_66 = tpu.sem_alloc : memref<!tpu.dma_semaphore, #tpu.memory_space<semaphore_mem>>
      %dma_start3A_67 = arith.constant 0 : i32
      %dma_start3A_68 = arith.constant 0 : i32
      %dma_start3A_69 = tpu.memref_slice %arg6[%dma_start3A_67, %dma_start3A_68] : memref<79x128xi32, #tpu.memory_space<vmem>> -> memref<78x128xi32, #tpu.memory_space<vmem>>
      %dma_start3A_70 = arith.constant 0 : i32
      %dma_start3A_71 = tpu.memref_slice %arg3[%add3A_10, %run_scoped3A_33, %dma_start3A_70] : memref<2500x2x128xi32, #tpu.memory_space<hbm>> -> memref<78x1x128xi32, #tpu.memory_space<hbm>>
      %dma_start3A_72 = tpu.memref_squeeze %dma_start3A_71 : memref<78x1x128xi32, #tpu.memory_space<hbm>> -> memref<78x128xi32, #tpu.memory_space<hbm>>
      %dma_start3A_73 = arith.constant 0 : i32
      %dma_start3A_74 = arith.constant 0 : i32
      %dma_start3A_75 = tpu.memref_slice %arg6[%dma_start3A_73, %dma_start3A_74] : memref<79x128xi32, #tpu.memory_space<vmem>> -> memref<78x128xi32, #tpu.memory_space<vmem>>
      %dma_start3A_76 = arith.constant 0 : i32
      %dma_start3A_77 = tpu.memref_slice %arg3[%add3A_10, %run_scoped3A_33, %dma_start3A_76] : memref<2500x2x128xi32, #tpu.memory_space<hbm>> -> memref<78x1x128xi32, #tpu.memory_space<hbm>>
      %dma_start3A_78 = tpu.memref_squeeze %dma_start3A_77 : memref<78x1x128xi32, #tpu.memory_space<hbm>> -> memref<78x128xi32, #tpu.memory_space<hbm>>
      tpu.enqueue_dma source(%dma_start3A_78 : memref<78x128xi32, #tpu.memory_space<hbm>>) target(%dma_start3A_75 : memref<78x128xi32, #tpu.memory_space<vmem>>) target_semaphore(%run_scoped3A_66 : memref<!tpu.dma_semaphore, #tpu.memory_space<semaphore_mem>>)
      %dma_wait3A_79 = arith.constant 0 : i32
      %dma_wait3A_80 = arith.constant 0 : i32
      %dma_wait3A_81 = tpu.memref_slice %arg6[%dma_wait3A_79, %dma_wait3A_80] : memref<79x128xi32, #tpu.memory_space<vmem>> -> memref<78x128xi32, #tpu.memory_space<vmem>>
      %dma_wait3A_82 = arith.constant 0 : i32
      %dma_wait3A_83 = tpu.memref_slice %arg3[%add3A_10, %run_scoped3A_33, %dma_wait3A_82] : memref<2500x2x128xi32, #tpu.memory_space<hbm>> -> memref<78x1x128xi32, #tpu.memory_space<hbm>>
      %dma_wait3A_84 = tpu.memref_squeeze %dma_wait3A_83 : memref<78x1x128xi32, #tpu.memory_space<hbm>> -> memref<78x128xi32, #tpu.memory_space<hbm>>
      %dma_wait3A_85 = arith.constant 0 : i32
      %dma_wait3A_86 = arith.constant 0 : i32
      %dma_wait3A_87 = tpu.memref_slice %arg6[%dma_wait3A_85, %dma_wait3A_86] : memref<79x128xi32, #tpu.memory_space<vmem>> -> memref<78x128xi32, #tpu.memory_space<vmem>>
      %dma_wait3A_88 = arith.constant 0 : i32
      %dma_wait3A_89 = tpu.memref_slice %arg3[%add3A_10, %run_scoped3A_33, %dma_wait3A_88] : memref<2500x2x128xi32, #tpu.memory_space<hbm>> -> memref<78x1x128xi32, #tpu.memory_space<hbm>>
      %dma_wait3A_90 = tpu.memref_squeeze %dma_wait3A_89 : memref<78x1x128xi32, #tpu.memory_space<hbm>> -> memref<78x128xi32, #tpu.memory_space<hbm>>
      tpu.wait_dma2 semaphore(%run_scoped3A_66 : memref<!tpu.dma_semaphore, #tpu.memory_space<semaphore_mem>>) src(%dma_wait3A_90 : memref<78x128xi32, #tpu.memory_space<hbm>>) dst(%dma_wait3A_87 : memref<78x128xi32, #tpu.memory_space<vmem>>)
      tpu.yield
    }) : () -> ()
    %lt3A_34 = arith.constant 4 : i32
    %lt3A_35 = arith.cmpi slt, %add3A, %lt3A_34 : i32
    %convert_element_type3A_36 = arith.extui %lt3A_35 : i1 to i32
    %cond3A_37 = arith.constant 0 : i32
    %cond3A_38 = arith.cmpi ne, %convert_element_type3A_36, %cond3A_37 : i32
    scf.if %cond3A_38 {
      %add3A_66 = arith.constant 78 : i32
      %add3A_67 = arith.addi %add3A_10, %add3A_66 : i32
      %run_scoped3A_68 = arith.constant 1 : i32
      %run_scoped3A_69 = arith.constant 78 : i32
      "tpu.region"() ({
        %run_scoped3A_70 = tpu.sem_alloc : memref<!tpu.dma_semaphore, #tpu.memory_space<semaphore_mem>>
        %dma_start3A_71 = arith.constant 0 : i32
        %dma_start3A_72 = tpu.memref_slice %arg6[%run_scoped3A_69, %dma_start3A_71] : memref<79x128xi32, #tpu.memory_space<vmem>> -> memref<1x128xi32, #tpu.memory_space<vmem>>
        %dma_start3A_73 = tpu.memref_squeeze %dma_start3A_72 : memref<1x128xi32, #tpu.memory_space<vmem>> -> memref<128xi32, #tpu.memory_space<vmem>>
        %dma_start3A_74 = arith.constant 0 : i32
        %dma_start3A_75 = tpu.memref_slice %arg3[%add3A_67, %run_scoped3A_68, %dma_start3A_74] : memref<2500x2x128xi32, #tpu.memory_space<hbm>> -> memref<1x1x128xi32, #tpu.memory_space<hbm>>
        %dma_start3A_76 = tpu.memref_squeeze %dma_start3A_75 : memref<1x1x128xi32, #tpu.memory_space<hbm>> -> memref<128xi32, #tpu.memory_space<hbm>>
        %dma_start3A_77 = arith.constant 0 : i32
        %dma_start3A_78 = tpu.memref_slice %arg6[%run_scoped3A_69, %dma_start3A_77] : memref<79x128xi32, #tpu.memory_space<vmem>> -> memref<1x128xi32, #tpu.memory_space<vmem>>
        %dma_start3A_79 = tpu.memref_squeeze %dma_start3A_78 : memref<1x128xi32, #tpu.memory_space<vmem>> -> memref<128xi32, #tpu.memory_space<vmem>>
        %dma_start3A_80 = arith.constant 0 : i32
        %dma_start3A_81 = tpu.memref_slice %arg3[%add3A_67, %run_scoped3A_68, %dma_start3A_80] : memref<2500x2x128xi32, #tpu.memory_space<hbm>> -> memref<1x1x128xi32, #tpu.memory_space<hbm>>
        %dma_start3A_82 = tpu.memref_squeeze %dma_start3A_81 : memref<1x1x128xi32, #tpu.memory_space<hbm>> -> memref<128xi32, #tpu.memory_space<hbm>>
        tpu.enqueue_dma source(%dma_start3A_82 : memref<128xi32, #tpu.memory_space<hbm>>) target(%dma_start3A_79 : memref<128xi32, #tpu.memory_space<vmem>>) target_semaphore(%run_scoped3A_70 : memref<!tpu.dma_semaphore, #tpu.memory_space<semaphore_mem>>)
        %dma_wait3A_83 = arith.constant 0 : i32
        %dma_wait3A_84 = tpu.memref_slice %arg6[%run_scoped3A_69, %dma_wait3A_83] : memref<79x128xi32, #tpu.memory_space<vmem>> -> memref<1x128xi32, #tpu.memory_space<vmem>>
        %dma_wait3A_85 = tpu.memref_squeeze %dma_wait3A_84 : memref<1x128xi32, #tpu.memory_space<vmem>> -> memref<128xi32, #tpu.memory_space<vmem>>
        %dma_wait3A_86 = arith.constant 0 : i32
        %dma_wait3A_87 = tpu.memref_slice %arg3[%add3A_67, %run_scoped3A_68, %dma_wait3A_86] : memref<2500x2x128xi32, #tpu.memory_space<hbm>> -> memref<1x1x128xi32, #tpu.memory_space<hbm>>
        %dma_wait3A_88 = tpu.memref_squeeze %dma_wait3A_87 : memref<1x1x128xi32, #tpu.memory_space<hbm>> -> memref<128xi32, #tpu.memory_space<hbm>>
        %dma_wait3A_89 = arith.constant 0 : i32
        %dma_wait3A_90 = tpu.memref_slice %arg6[%run_scoped3A_69, %dma_wait3A_89] : memref<79x128xi32, #tpu.memory_space<vmem>> -> memref<1x128xi32, #tpu.memory_space<vmem>>
        %dma_wait3A_91 = tpu.memref_squeeze %dma_wait3A_90 : memref<1x128xi32, #tpu.memory_space<vmem>> -> memref<128xi32, #tpu.memory_space<vmem>>
        %dma_wait3A_92 = arith.constant 0 : i32
        %dma_wait3A_93 = tpu.memref_slice %arg3[%add3A_67, %run_scoped3A_68, %dma_wait3A_92] : memref<2500x2x128xi32, #tpu.memory_space<hbm>> -> memref<1x1x128xi32, #tpu.memory_space<hbm>>
        %dma_wait3A_94 = tpu.memref_squeeze %dma_wait3A_93 : memref<1x1x128xi32, #tpu.memory_space<hbm>> -> memref<128xi32, #tpu.memory_space<hbm>>
        tpu.wait_dma2 semaphore(%run_scoped3A_70 : memref<!tpu.dma_semaphore, #tpu.memory_space<semaphore_mem>>) src(%dma_wait3A_94 : memref<128xi32, #tpu.memory_space<hbm>>) dst(%dma_wait3A_91 : memref<128xi32, #tpu.memory_space<vmem>>)
        tpu.yield
      }) : () -> ()
    } else {
    }
    %dma_wait3A = arith.constant 0 : i32
    %dma_wait3A_39 = tpu.memref_slice %arg10[%mul3A_2, %dma_wait3A] : memref<10112x64xf32, #tpu.memory_space<vmem_shared>> -> memref<632x64xf32, #tpu.memory_space<vmem_shared>>
    %dma_wait3A_40 = arith.constant 0 : i32
    %dma_wait3A_41 = tpu.memref_slice %arg2[%mul3A_2, %dma_wait3A_40] : memref<10112x128xf32, #tpu.memory_space<hbm>> -> memref<632x64xf32, #tpu.memory_space<hbm>>
    tpu.wait_dma2 semaphore(%arg12 : memref<!tpu.dma_semaphore, #tpu.memory_space<semaphore_mem>>) src(%dma_wait3A_41 : memref<632x64xf32, #tpu.memory_space<hbm>>) dst(%dma_wait3A_39 : memref<632x64xf32, #tpu.memory_space<vmem_shared>>)
    %barrier3A = arith.constant 0 : index
    tpu.barrier barrier_id(%barrier3A)
    %dma_start3A_42 = arith.constant 0 : i32
    %dma_start3A_43 = arith.constant 0 : i32
    %dma_start3A_44 = arith.constant 0 : i32
    %dma_start3A_45 = arith.constant 0 : i32
    %dma_start3A_46 = tpu.memref_slice %arg7[%dma_start3A_43, %dma_start3A_44, %dma_start3A_45] : memref<2x128x64xf32, #tpu.memory_space<vmem>> -> memref<1x128x64xf32, #tpu.memory_space<vmem>>
    %dma_start3A_47 = tpu.memref_squeeze %dma_start3A_46 : memref<1x128x64xf32, #tpu.memory_space<vmem>> -> memref<128x64xf32, #tpu.memory_space<vmem>>
    %dma_start3A_48 = arith.constant 0 : i32
    %dma_start3A_49 = tpu.memref_slice %arg5[%dma_start3A_42, %dma_start3A_48] : memref<79x128xi32, #tpu.memory_space<vmem>> -> memref<1x128xi32, #tpu.memory_space<vmem>>
    %dma_start3A_50 = tpu.memref_squeeze %dma_start3A_49 : memref<1x128xi32, #tpu.memory_space<vmem>> -> memref<128xi32, #tpu.memory_space<vmem>>
    %dma_start3A_51 = arith.constant 0 : i32
    %dma_start3A_52 = arith.constant 0 : i32
    %dma_start3A_53 = tpu.memref_slice %arg10[%dma_start3A_51, %dma_start3A_52] : memref<10112x64xf32, #tpu.memory_space<vmem_shared>> -> memref<10112x64xf32, #tpu.memory_space<vmem_shared>>
    tpu.enqueue_indirect_dma source(%dma_start3A_53 : memref<10112x64xf32, #tpu.memory_space<vmem_shared>>) target(%dma_start3A_47 : memref<128x64xf32, #tpu.memory_space<vmem>>) offsets(%dma_start3A_50 : memref<128xi32, #tpu.memory_space<vmem>>) semaphore(%arg11 : memref<!tpu.dma_semaphore, #tpu.memory_space<semaphore_mem>>)
    %while3A = arith.constant 0 : i32
    %while3A_54 = arith.constant 0 : i32
    %while3A_55 = arith.subi %add3A_6, %while3A : i32
    %while3A_56 = arith.addi %while3A, %while3A_55 : i32
    %while3A_57 = arith.constant 1 : i32
    %while3A_58 = arith.divsi %while3A_55, %while3A_57 : i32
    %while3A_59 = arith.muli %while3A_58, %while3A_57 : i32
    %while3A_60 = arith.addi %while3A, %while3A_59 : i32
    %while3A_61 = arith.constant 1 : i32
    %while3A_62 = scf.for %while3A_66 = %while3A to %while3A_60 step %while3A_61 iter_args(%while3A_67 = %while3A_54) -> (i32)  : i32 {
      %jit3A_68 = arith.constant 2 : i32
      %eq3A = arith.constant 0 : i32
      %eq3A_69 = arith.cmpi eq, %jit3A_68, %eq3A : i32
      %jit3A_70 = arith.constant 1 : i32
      %select_n3A_71 = arith.select %eq3A_69, %jit3A_70, %jit3A_68 : i32
      %rem3A = arith.remsi %while3A_66, %select_n3A_71 : i32
      %ne3A = arith.constant 0 : i32
      %ne3A_72 = arith.cmpi ne, %rem3A, %ne3A : i32
      %lt3A_73 = arith.constant 0 : i32
      %lt3A_74 = arith.cmpi slt, %rem3A, %lt3A_73 : i32
      %lt3A_75 = arith.constant 0 : i32
      %lt3A_76 = arith.cmpi slt, %select_n3A_71, %lt3A_75 : i32
      %ne3A_77 = arith.xori %lt3A_74, %lt3A_76 : i1
      %and3A = arith.andi %ne3A_77, %ne3A_72 : i1
      %add3A_78 = arith.addi %rem3A, %select_n3A_71 : i32
      %select_n3A_79 = arith.select %and3A, %add3A_78, %rem3A : i32
      %eq3A_80 = arith.constant 0 : i32
      %eq3A_81 = arith.cmpi eq, %select_n3A_79, %eq3A_80 : i32
      %convert_element_type3A_82 = arith.extui %eq3A_81 : i1 to i32
      %cond3A_83 = arith.constant 0 : i32
      %cond3A_84 = arith.cmpi ne, %convert_element_type3A_82, %cond3A_83 : i32
      scf.if %cond3A_84 {
        %dma_wait3A_97 = arith.constant 0 : i32
        %dma_wait3A_98 = arith.constant 0 : i32
        %dma_wait3A_99 = arith.constant 0 : i32
        %dma_wait3A_100 = tpu.memref_slice %arg7[%dma_wait3A_97, %dma_wait3A_98, %dma_wait3A_99] : memref<2x128x64xf32, #tpu.memory_space<vmem>> -> memref<1x128x64xf32, #tpu.memory_space<vmem>>
        %dma_wait3A_101 = tpu.memref_squeeze %dma_wait3A_100 : memref<1x128x64xf32, #tpu.memory_space<vmem>> -> memref<128x64xf32, #tpu.memory_space<vmem>>
        %dma_wait3A_102 = arith.constant 0 : i32
        %dma_wait3A_103 = tpu.memref_slice %arg5[%while3A_66, %dma_wait3A_102] : memref<79x128xi32, #tpu.memory_space<vmem>> -> memref<1x128xi32, #tpu.memory_space<vmem>>
        %dma_wait3A_104 = tpu.memref_squeeze %dma_wait3A_103 : memref<1x128xi32, #tpu.memory_space<vmem>> -> memref<128xi32, #tpu.memory_space<vmem>>
        %dma_wait3A_105 = arith.constant 0 : i32
        %dma_wait3A_106 = arith.constant 0 : i32
        %dma_wait3A_107 = tpu.memref_slice %arg10[%dma_wait3A_105, %dma_wait3A_106] : memref<10112x64xf32, #tpu.memory_space<vmem_shared>> -> memref<10112x64xf32, #tpu.memory_space<vmem_shared>>
        tpu.wait_indirect_dma semaphore(%arg11 : memref<!tpu.dma_semaphore, #tpu.memory_space<semaphore_mem>>) src(%dma_wait3A_107 : memref<10112x64xf32, #tpu.memory_space<vmem_shared>>) dst(%dma_wait3A_101 : memref<128x64xf32, #tpu.memory_space<vmem>>)
      } else {
      }
      %eq3A_85 = arith.constant 1 : i32
      %eq3A_86 = arith.cmpi eq, %select_n3A_79, %eq3A_85 : i32
      %convert_element_type3A_87 = arith.extui %eq3A_86 : i1 to i32
      %cond3A_88 = arith.constant 0 : i32
      %cond3A_89 = arith.cmpi ne, %convert_element_type3A_87, %cond3A_88 : i32
      scf.if %cond3A_89 {
        %dma_wait3A_97 = arith.constant 1 : i32
        %dma_wait3A_98 = arith.constant 0 : i32
        %dma_wait3A_99 = arith.constant 0 : i32
        %dma_wait3A_100 = tpu.memref_slice %arg7[%dma_wait3A_97, %dma_wait3A_98, %dma_wait3A_99] : memref<2x128x64xf32, #tpu.memory_space<vmem>> -> memref<1x128x64xf32, #tpu.memory_space<vmem>>
        %dma_wait3A_101 = tpu.memref_squeeze %dma_wait3A_100 : memref<1x128x64xf32, #tpu.memory_space<vmem>> -> memref<128x64xf32, #tpu.memory_space<vmem>>
        %dma_wait3A_102 = arith.constant 0 : i32
        %dma_wait3A_103 = tpu.memref_slice %arg5[%while3A_66, %dma_wait3A_102] : memref<79x128xi32, #tpu.memory_space<vmem>> -> memref<1x128xi32, #tpu.memory_space<vmem>>
        %dma_wait3A_104 = tpu.memref_squeeze %dma_wait3A_103 : memref<1x128xi32, #tpu.memory_space<vmem>> -> memref<128xi32, #tpu.memory_space<vmem>>
        %dma_wait3A_105 = arith.constant 0 : i32
        %dma_wait3A_106 = arith.constant 0 : i32
        %dma_wait3A_107 = tpu.memref_slice %arg10[%dma_wait3A_105, %dma_wait3A_106] : memref<10112x64xf32, #tpu.memory_space<vmem_shared>> -> memref<10112x64xf32, #tpu.memory_space<vmem_shared>>
        tpu.wait_indirect_dma semaphore(%arg12 : memref<!tpu.dma_semaphore, #tpu.memory_space<semaphore_mem>>) src(%dma_wait3A_107 : memref<10112x64xf32, #tpu.memory_space<vmem_shared>>) dst(%dma_wait3A_101 : memref<128x64xf32, #tpu.memory_space<vmem>>)
      } else {
      }
      %add3A_90 = arith.constant 1 : i32
      %add3A_91 = arith.addi %while3A_66, %add3A_90 : i32
      %lt3A_92 = arith.cmpi slt, %add3A_91, %add3A_6 : i32
      %convert_element_type3A_93 = arith.extui %lt3A_92 : i1 to i32
      %cond3A_94 = arith.constant 0 : i32
      %cond3A_95 = arith.cmpi ne, %convert_element_type3A_93, %cond3A_94 : i32
      scf.if %cond3A_95 {
        %add3A_97 = arith.constant 1 : i32
        %add3A_98 = arith.addi %while3A_66, %add3A_97 : i32
        %jit3A_99 = arith.constant 2 : i32
        %eq3A_100 = arith.constant 0 : i32
        %eq3A_101 = arith.cmpi eq, %jit3A_99, %eq3A_100 : i32
        %jit3A_102 = arith.constant 1 : i32
        %select_n3A_103 = arith.select %eq3A_101, %jit3A_102, %jit3A_99 : i32
        %rem3A_104 = arith.remsi %add3A_98, %select_n3A_103 : i32
        %ne3A_105 = arith.constant 0 : i32
        %ne3A_106 = arith.cmpi ne, %rem3A_104, %ne3A_105 : i32
        %lt3A_107 = arith.constant 0 : i32
        %lt3A_108 = arith.cmpi slt, %rem3A_104, %lt3A_107 : i32
        %lt3A_109 = arith.constant 0 : i32
        %lt3A_110 = arith.cmpi slt, %select_n3A_103, %lt3A_109 : i32
        %ne3A_111 = arith.xori %lt3A_108, %lt3A_110 : i1
        %and3A_112 = arith.andi %ne3A_111, %ne3A_106 : i1
        %add3A_113 = arith.addi %rem3A_104, %select_n3A_103 : i32
        %select_n3A_114 = arith.select %and3A_112, %add3A_113, %rem3A_104 : i32
        %eq3A_115 = arith.constant 0 : i32
        %eq3A_116 = arith.cmpi eq, %select_n3A_114, %eq3A_115 : i32
        %convert_element_type3A_117 = arith.extui %eq3A_116 : i1 to i32
        %cond3A_118 = arith.constant 0 : i32
        %cond3A_119 = arith.cmpi ne, %convert_element_type3A_117, %cond3A_118 : i32
        scf.if %cond3A_119 {
          %add3A_125 = arith.constant 1 : i32
          %add3A_126 = arith.addi %while3A_66, %add3A_125 : i32
          %dma_start3A_127 = arith.constant 0 : i32
          %dma_start3A_128 = arith.constant 0 : i32
          %dma_start3A_129 = arith.constant 0 : i32
          %dma_start3A_130 = tpu.memref_slice %arg7[%dma_start3A_127, %dma_start3A_128, %dma_start3A_129] : memref<2x128x64xf32, #tpu.memory_space<vmem>> -> memref<1x128x64xf32, #tpu.memory_space<vmem>>
          %dma_start3A_131 = tpu.memref_squeeze %dma_start3A_130 : memref<1x128x64xf32, #tpu.memory_space<vmem>> -> memref<128x64xf32, #tpu.memory_space<vmem>>
          %dma_start3A_132 = arith.constant 0 : i32
          %dma_start3A_133 = tpu.memref_slice %arg5[%add3A_126, %dma_start3A_132] : memref<79x128xi32, #tpu.memory_space<vmem>> -> memref<1x128xi32, #tpu.memory_space<vmem>>
          %dma_start3A_134 = tpu.memref_squeeze %dma_start3A_133 : memref<1x128xi32, #tpu.memory_space<vmem>> -> memref<128xi32, #tpu.memory_space<vmem>>
          %dma_start3A_135 = arith.constant 0 : i32
          %dma_start3A_136 = arith.constant 0 : i32
          %dma_start3A_137 = tpu.memref_slice %arg10[%dma_start3A_135, %dma_start3A_136] : memref<10112x64xf32, #tpu.memory_space<vmem_shared>> -> memref<10112x64xf32, #tpu.memory_space<vmem_shared>>
          tpu.enqueue_indirect_dma source(%dma_start3A_137 : memref<10112x64xf32, #tpu.memory_space<vmem_shared>>) target(%dma_start3A_131 : memref<128x64xf32, #tpu.memory_space<vmem>>) offsets(%dma_start3A_134 : memref<128xi32, #tpu.memory_space<vmem>>) semaphore(%arg11 : memref<!tpu.dma_semaphore, #tpu.memory_space<semaphore_mem>>)
        } else {
        }
        %eq3A_120 = arith.constant 1 : i32
        %eq3A_121 = arith.cmpi eq, %select_n3A_114, %eq3A_120 : i32
        %convert_element_type3A_122 = arith.extui %eq3A_121 : i1 to i32
        %cond3A_123 = arith.constant 0 : i32
        %cond3A_124 = arith.cmpi ne, %convert_element_type3A_122, %cond3A_123 : i32
        scf.if %cond3A_124 {
          %add3A_125 = arith.constant 1 : i32
          %add3A_126 = arith.addi %while3A_66, %add3A_125 : i32
          %dma_start3A_127 = arith.constant 1 : i32
          %dma_start3A_128 = arith.constant 0 : i32
          %dma_start3A_129 = arith.constant 0 : i32
          %dma_start3A_130 = tpu.memref_slice %arg7[%dma_start3A_127, %dma_start3A_128, %dma_start3A_129] : memref<2x128x64xf32, #tpu.memory_space<vmem>> -> memref<1x128x64xf32, #tpu.memory_space<vmem>>
          %dma_start3A_131 = tpu.memref_squeeze %dma_start3A_130 : memref<1x128x64xf32, #tpu.memory_space<vmem>> -> memref<128x64xf32, #tpu.memory_space<vmem>>
          %dma_start3A_132 = arith.constant 0 : i32
          %dma_start3A_133 = tpu.memref_slice %arg5[%add3A_126, %dma_start3A_132] : memref<79x128xi32, #tpu.memory_space<vmem>> -> memref<1x128xi32, #tpu.memory_space<vmem>>
          %dma_start3A_134 = tpu.memref_squeeze %dma_start3A_133 : memref<1x128xi32, #tpu.memory_space<vmem>> -> memref<128xi32, #tpu.memory_space<vmem>>
          %dma_start3A_135 = arith.constant 0 : i32
          %dma_start3A_136 = arith.constant 0 : i32
          %dma_start3A_137 = tpu.memref_slice %arg10[%dma_start3A_135, %dma_start3A_136] : memref<10112x64xf32, #tpu.memory_space<vmem_shared>> -> memref<10112x64xf32, #tpu.memory_space<vmem_shared>>
          tpu.enqueue_indirect_dma source(%dma_start3A_137 : memref<10112x64xf32, #tpu.memory_space<vmem_shared>>) target(%dma_start3A_131 : memref<128x64xf32, #tpu.memory_space<vmem>>) offsets(%dma_start3A_134 : memref<128xi32, #tpu.memory_space<vmem>>) semaphore(%arg12 : memref<!tpu.dma_semaphore, #tpu.memory_space<semaphore_mem>>)
        } else {
        }
      } else {
      }
      "tpu.region"() ({
        %run_scoped3A_97 = tpu.sem_alloc : memref<!tpu.dma_semaphore, #tpu.memory_space<semaphore_mem>>
        %dma_start3A_98 = arith.constant 0 : i32
        %dma_start3A_99 = arith.constant 0 : i32
        %dma_start3A_100 = tpu.memref_slice %arg7[%select_n3A_79, %dma_start3A_98, %dma_start3A_99] : memref<2x128x64xf32, #tpu.memory_space<vmem>> -> memref<1x128x64xf32, #tpu.memory_space<vmem>>
        %dma_start3A_101 = tpu.memref_squeeze %dma_start3A_100 : memref<1x128x64xf32, #tpu.memory_space<vmem>> -> memref<128x64xf32, #tpu.memory_space<vmem>>
        %dma_start3A_102 = arith.constant 0 : i32
        %dma_start3A_103 = tpu.memref_slice %arg6[%while3A_66, %dma_start3A_102] : memref<79x128xi32, #tpu.memory_space<vmem>> -> memref<1x128xi32, #tpu.memory_space<vmem>>
        %dma_start3A_104 = tpu.memref_squeeze %dma_start3A_103 : memref<1x128xi32, #tpu.memory_space<vmem>> -> memref<128xi32, #tpu.memory_space<vmem>>
        %dma_start3A_105 = arith.constant 0 : i32
        %dma_start3A_106 = arith.constant 0 : i32
        %dma_start3A_107 = tpu.memref_slice %arg9[%dma_start3A_105, %dma_start3A_106] : memref<10112x64xf32, #tpu.memory_space<vmem_shared>> -> memref<10112x64xf32, #tpu.memory_space<vmem_shared>>
        tpu.enqueue_indirect_dma source(%dma_start3A_101 : memref<128x64xf32, #tpu.memory_space<vmem>>) target(%dma_start3A_107 : memref<10112x64xf32, #tpu.memory_space<vmem_shared>>) offsets(%dma_start3A_104 : memref<128xi32, #tpu.memory_space<vmem>>) semaphore(%run_scoped3A_97 : memref<!tpu.dma_semaphore, #tpu.memory_space<semaphore_mem>>) {add = true}
        %dma_wait3A_108 = arith.constant 0 : i32
        %dma_wait3A_109 = arith.constant 0 : i32
        %dma_wait3A_110 = tpu.memref_slice %arg7[%select_n3A_79, %dma_wait3A_108, %dma_wait3A_109] : memref<2x128x64xf32, #tpu.memory_space<vmem>> -> memref<1x128x64xf32, #tpu.memory_space<vmem>>
        %dma_wait3A_111 = tpu.memref_squeeze %dma_wait3A_110 : memref<1x128x64xf32, #tpu.memory_space<vmem>> -> memref<128x64xf32, #tpu.memory_space<vmem>>
        %dma_wait3A_112 = arith.constant 0 : i32
        %dma_wait3A_113 = tpu.memref_slice %arg6[%while3A_66, %dma_wait3A_112] : memref<79x128xi32, #tpu.memory_space<vmem>> -> memref<1x128xi32, #tpu.memory_space<vmem>>
        %dma_wait3A_114 = tpu.memref_squeeze %dma_wait3A_113 : memref<1x128xi32, #tpu.memory_space<vmem>> -> memref<128xi32, #tpu.memory_space<vmem>>
        %dma_wait3A_115 = arith.constant 0 : i32
        %dma_wait3A_116 = arith.constant 0 : i32
        %dma_wait3A_117 = tpu.memref_slice %arg9[%dma_wait3A_115, %dma_wait3A_116] : memref<10112x64xf32, #tpu.memory_space<vmem_shared>> -> memref<10112x64xf32, #tpu.memory_space<vmem_shared>>
        tpu.wait_indirect_dma semaphore(%run_scoped3A_97 : memref<!tpu.dma_semaphore, #tpu.memory_space<semaphore_mem>>) src(%dma_wait3A_111 : memref<128x64xf32, #tpu.memory_space<vmem>>) dst(%dma_wait3A_117 : memref<10112x64xf32, #tpu.memory_space<vmem_shared>>)
        tpu.yield
      }) : () -> ()
      %while3A_96 = arith.constant 0 : i32
      scf.yield %while3A_96 : i32
    }
    %while3A_63 = arith.constant 1 : i32
    %while3A_64 = scf.for %while3A_66 = %while3A_60 to %while3A_56 step %while3A_63 iter_args(%while3A_67 = %while3A_62) -> (i32)  : i32 {
      %jit3A_68 = arith.constant 2 : i32
      %eq3A = arith.constant 0 : i32
      %eq3A_69 = arith.cmpi eq, %jit3A_68, %eq3A : i32
      %jit3A_70 = arith.constant 1 : i32
      %select_n3A_71 = arith.select %eq3A_69, %jit3A_70, %jit3A_68 : i32
      %rem3A = arith.remsi %while3A_66, %select_n3A_71 : i32
      %ne3A = arith.constant 0 : i32
      %ne3A_72 = arith.cmpi ne, %rem3A, %ne3A : i32
      %lt3A_73 = arith.constant 0 : i32
      %lt3A_74 = arith.cmpi slt, %rem3A, %lt3A_73 : i32
      %lt3A_75 = arith.constant 0 : i32
      %lt3A_76 = arith.cmpi slt, %select_n3A_71, %lt3A_75 : i32
      %ne3A_77 = arith.xori %lt3A_74, %lt3A_76 : i1
      %and3A = arith.andi %ne3A_77, %ne3A_72 : i1
      %add3A_78 = arith.addi %rem3A, %select_n3A_71 : i32
      %select_n3A_79 = arith.select %and3A, %add3A_78, %rem3A : i32
      %eq3A_80 = arith.constant 0 : i32
      %eq3A_81 = arith.cmpi eq, %select_n3A_79, %eq3A_80 : i32
      %convert_element_type3A_82 = arith.extui %eq3A_81 : i1 to i32
      %cond3A_83 = arith.constant 0 : i32
      %cond3A_84 = arith.cmpi ne, %convert_element_type3A_82, %cond3A_83 : i32
      scf.if %cond3A_84 {
        %dma_wait3A_97 = arith.constant 0 : i32
        %dma_wait3A_98 = arith.constant 0 : i32
        %dma_wait3A_99 = arith.constant 0 : i32
        %dma_wait3A_100 = tpu.memref_slice %arg7[%dma_wait3A_97, %dma_wait3A_98, %dma_wait3A_99] : memref<2x128x64xf32, #tpu.memory_space<vmem>> -> memref<1x128x64xf32, #tpu.memory_space<vmem>>
        %dma_wait3A_101 = tpu.memref_squeeze %dma_wait3A_100 : memref<1x128x64xf32, #tpu.memory_space<vmem>> -> memref<128x64xf32, #tpu.memory_space<vmem>>
        %dma_wait3A_102 = arith.constant 0 : i32
        %dma_wait3A_103 = tpu.memref_slice %arg5[%while3A_66, %dma_wait3A_102] : memref<79x128xi32, #tpu.memory_space<vmem>> -> memref<1x128xi32, #tpu.memory_space<vmem>>
        %dma_wait3A_104 = tpu.memref_squeeze %dma_wait3A_103 : memref<1x128xi32, #tpu.memory_space<vmem>> -> memref<128xi32, #tpu.memory_space<vmem>>
        %dma_wait3A_105 = arith.constant 0 : i32
        %dma_wait3A_106 = arith.constant 0 : i32
        %dma_wait3A_107 = tpu.memref_slice %arg10[%dma_wait3A_105, %dma_wait3A_106] : memref<10112x64xf32, #tpu.memory_space<vmem_shared>> -> memref<10112x64xf32, #tpu.memory_space<vmem_shared>>
        tpu.wait_indirect_dma semaphore(%arg11 : memref<!tpu.dma_semaphore, #tpu.memory_space<semaphore_mem>>) src(%dma_wait3A_107 : memref<10112x64xf32, #tpu.memory_space<vmem_shared>>) dst(%dma_wait3A_101 : memref<128x64xf32, #tpu.memory_space<vmem>>)
      } else {
      }
      %eq3A_85 = arith.constant 1 : i32
      %eq3A_86 = arith.cmpi eq, %select_n3A_79, %eq3A_85 : i32
      %convert_element_type3A_87 = arith.extui %eq3A_86 : i1 to i32
      %cond3A_88 = arith.constant 0 : i32
      %cond3A_89 = arith.cmpi ne, %convert_element_type3A_87, %cond3A_88 : i32
      scf.if %cond3A_89 {
        %dma_wait3A_97 = arith.constant 1 : i32
        %dma_wait3A_98 = arith.constant 0 : i32
        %dma_wait3A_99 = arith.constant 0 : i32
        %dma_wait3A_100 = tpu.memref_slice %arg7[%dma_wait3A_97, %dma_wait3A_98, %dma_wait3A_99] : memref<2x128x64xf32, #tpu.memory_space<vmem>> -> memref<1x128x64xf32, #tpu.memory_space<vmem>>
        %dma_wait3A_101 = tpu.memref_squeeze %dma_wait3A_100 : memref<1x128x64xf32, #tpu.memory_space<vmem>> -> memref<128x64xf32, #tpu.memory_space<vmem>>
        %dma_wait3A_102 = arith.constant 0 : i32
        %dma_wait3A_103 = tpu.memref_slice %arg5[%while3A_66, %dma_wait3A_102] : memref<79x128xi32, #tpu.memory_space<vmem>> -> memref<1x128xi32, #tpu.memory_space<vmem>>
        %dma_wait3A_104 = tpu.memref_squeeze %dma_wait3A_103 : memref<1x128xi32, #tpu.memory_space<vmem>> -> memref<128xi32, #tpu.memory_space<vmem>>
        %dma_wait3A_105 = arith.constant 0 : i32
        %dma_wait3A_106 = arith.constant 0 : i32
        %dma_wait3A_107 = tpu.memref_slice %arg10[%dma_wait3A_105, %dma_wait3A_106] : memref<10112x64xf32, #tpu.memory_space<vmem_shared>> -> memref<10112x64xf32, #tpu.memory_space<vmem_shared>>
        tpu.wait_indirect_dma semaphore(%arg12 : memref<!tpu.dma_semaphore, #tpu.memory_space<semaphore_mem>>) src(%dma_wait3A_107 : memref<10112x64xf32, #tpu.memory_space<vmem_shared>>) dst(%dma_wait3A_101 : memref<128x64xf32, #tpu.memory_space<vmem>>)
      } else {
      }
      %add3A_90 = arith.constant 1 : i32
      %add3A_91 = arith.addi %while3A_66, %add3A_90 : i32
      %lt3A_92 = arith.cmpi slt, %add3A_91, %add3A_6 : i32
      %convert_element_type3A_93 = arith.extui %lt3A_92 : i1 to i32
      %cond3A_94 = arith.constant 0 : i32
      %cond3A_95 = arith.cmpi ne, %convert_element_type3A_93, %cond3A_94 : i32
      scf.if %cond3A_95 {
        %add3A_97 = arith.constant 1 : i32
        %add3A_98 = arith.addi %while3A_66, %add3A_97 : i32
        %jit3A_99 = arith.constant 2 : i32
        %eq3A_100 = arith.constant 0 : i32
        %eq3A_101 = arith.cmpi eq, %jit3A_99, %eq3A_100 : i32
        %jit3A_102 = arith.constant 1 : i32
        %select_n3A_103 = arith.select %eq3A_101, %jit3A_102, %jit3A_99 : i32
        %rem3A_104 = arith.remsi %add3A_98, %select_n3A_103 : i32
        %ne3A_105 = arith.constant 0 : i32
        %ne3A_106 = arith.cmpi ne, %rem3A_104, %ne3A_105 : i32
        %lt3A_107 = arith.constant 0 : i32
        %lt3A_108 = arith.cmpi slt, %rem3A_104, %lt3A_107 : i32
        %lt3A_109 = arith.constant 0 : i32
        %lt3A_110 = arith.cmpi slt, %select_n3A_103, %lt3A_109 : i32
        %ne3A_111 = arith.xori %lt3A_108, %lt3A_110 : i1
        %and3A_112 = arith.andi %ne3A_111, %ne3A_106 : i1
        %add3A_113 = arith.addi %rem3A_104, %select_n3A_103 : i32
        %select_n3A_114 = arith.select %and3A_112, %add3A_113, %rem3A_104 : i32
        %eq3A_115 = arith.constant 0 : i32
        %eq3A_116 = arith.cmpi eq, %select_n3A_114, %eq3A_115 : i32
        %convert_element_type3A_117 = arith.extui %eq3A_116 : i1 to i32
        %cond3A_118 = arith.constant 0 : i32
        %cond3A_119 = arith.cmpi ne, %convert_element_type3A_117, %cond3A_118 : i32
        scf.if %cond3A_119 {
          %add3A_125 = arith.constant 1 : i32
          %add3A_126 = arith.addi %while3A_66, %add3A_125 : i32
          %dma_start3A_127 = arith.constant 0 : i32
          %dma_start3A_128 = arith.constant 0 : i32
          %dma_start3A_129 = arith.constant 0 : i32
          %dma_start3A_130 = tpu.memref_slice %arg7[%dma_start3A_127, %dma_start3A_128, %dma_start3A_129] : memref<2x128x64xf32, #tpu.memory_space<vmem>> -> memref<1x128x64xf32, #tpu.memory_space<vmem>>
          %dma_start3A_131 = tpu.memref_squeeze %dma_start3A_130 : memref<1x128x64xf32, #tpu.memory_space<vmem>> -> memref<128x64xf32, #tpu.memory_space<vmem>>
          %dma_start3A_132 = arith.constant 0 : i32
          %dma_start3A_133 = tpu.memref_slice %arg5[%add3A_126, %dma_start3A_132] : memref<79x128xi32, #tpu.memory_space<vmem>> -> memref<1x128xi32, #tpu.memory_space<vmem>>
          %dma_start3A_134 = tpu.memref_squeeze %dma_start3A_133 : memref<1x128xi32, #tpu.memory_space<vmem>> -> memref<128xi32, #tpu.memory_space<vmem>>
          %dma_start3A_135 = arith.constant 0 : i32
          %dma_start3A_136 = arith.constant 0 : i32
          %dma_start3A_137 = tpu.memref_slice %arg10[%dma_start3A_135, %dma_start3A_136] : memref<10112x64xf32, #tpu.memory_space<vmem_shared>> -> memref<10112x64xf32, #tpu.memory_space<vmem_shared>>
          tpu.enqueue_indirect_dma source(%dma_start3A_137 : memref<10112x64xf32, #tpu.memory_space<vmem_shared>>) target(%dma_start3A_131 : memref<128x64xf32, #tpu.memory_space<vmem>>) offsets(%dma_start3A_134 : memref<128xi32, #tpu.memory_space<vmem>>) semaphore(%arg11 : memref<!tpu.dma_semaphore, #tpu.memory_space<semaphore_mem>>)
        } else {
        }
        %eq3A_120 = arith.constant 1 : i32
        %eq3A_121 = arith.cmpi eq, %select_n3A_114, %eq3A_120 : i32
        %convert_element_type3A_122 = arith.extui %eq3A_121 : i1 to i32
        %cond3A_123 = arith.constant 0 : i32
        %cond3A_124 = arith.cmpi ne, %convert_element_type3A_122, %cond3A_123 : i32
        scf.if %cond3A_124 {
          %add3A_125 = arith.constant 1 : i32
          %add3A_126 = arith.addi %while3A_66, %add3A_125 : i32
          %dma_start3A_127 = arith.constant 1 : i32
          %dma_start3A_128 = arith.constant 0 : i32
          %dma_start3A_129 = arith.constant 0 : i32
          %dma_start3A_130 = tpu.memref_slice %arg7[%dma_start3A_127, %dma_start3A_128, %dma_start3A_129] : memref<2x128x64xf32, #tpu.memory_space<vmem>> -> memref<1x128x64xf32, #tpu.memory_space<vmem>>
          %dma_start3A_131 = tpu.memref_squeeze %dma_start3A_130 : memref<1x128x64xf32, #tpu.memory_space<vmem>> -> memref<128x64xf32, #tpu.memory_space<vmem>>
          %dma_start3A_132 = arith.constant 0 : i32
          %dma_start3A_133 = tpu.memref_slice %arg5[%add3A_126, %dma_start3A_132] : memref<79x128xi32, #tpu.memory_space<vmem>> -> memref<1x128xi32, #tpu.memory_space<vmem>>
          %dma_start3A_134 = tpu.memref_squeeze %dma_start3A_133 : memref<1x128xi32, #tpu.memory_space<vmem>> -> memref<128xi32, #tpu.memory_space<vmem>>
          %dma_start3A_135 = arith.constant 0 : i32
          %dma_start3A_136 = arith.constant 0 : i32
          %dma_start3A_137 = tpu.memref_slice %arg10[%dma_start3A_135, %dma_start3A_136] : memref<10112x64xf32, #tpu.memory_space<vmem_shared>> -> memref<10112x64xf32, #tpu.memory_space<vmem_shared>>
          tpu.enqueue_indirect_dma source(%dma_start3A_137 : memref<10112x64xf32, #tpu.memory_space<vmem_shared>>) target(%dma_start3A_131 : memref<128x64xf32, #tpu.memory_space<vmem>>) offsets(%dma_start3A_134 : memref<128xi32, #tpu.memory_space<vmem>>) semaphore(%arg12 : memref<!tpu.dma_semaphore, #tpu.memory_space<semaphore_mem>>)
        } else {
        }
      } else {
      }
      "tpu.region"() ({
        %run_scoped3A_97 = tpu.sem_alloc : memref<!tpu.dma_semaphore, #tpu.memory_space<semaphore_mem>>
        %dma_start3A_98 = arith.constant 0 : i32
        %dma_start3A_99 = arith.constant 0 : i32
        %dma_start3A_100 = tpu.memref_slice %arg7[%select_n3A_79, %dma_start3A_98, %dma_start3A_99] : memref<2x128x64xf32, #tpu.memory_space<vmem>> -> memref<1x128x64xf32, #tpu.memory_space<vmem>>
        %dma_start3A_101 = tpu.memref_squeeze %dma_start3A_100 : memref<1x128x64xf32, #tpu.memory_space<vmem>> -> memref<128x64xf32, #tpu.memory_space<vmem>>
        %dma_start3A_102 = arith.constant 0 : i32
        %dma_start3A_103 = tpu.memref_slice %arg6[%while3A_66, %dma_start3A_102] : memref<79x128xi32, #tpu.memory_space<vmem>> -> memref<1x128xi32, #tpu.memory_space<vmem>>
        %dma_start3A_104 = tpu.memref_squeeze %dma_start3A_103 : memref<1x128xi32, #tpu.memory_space<vmem>> -> memref<128xi32, #tpu.memory_space<vmem>>
        %dma_start3A_105 = arith.constant 0 : i32
        %dma_start3A_106 = arith.constant 0 : i32
        %dma_start3A_107 = tpu.memref_slice %arg9[%dma_start3A_105, %dma_start3A_106] : memref<10112x64xf32, #tpu.memory_space<vmem_shared>> -> memref<10112x64xf32, #tpu.memory_space<vmem_shared>>
        tpu.enqueue_indirect_dma source(%dma_start3A_101 : memref<128x64xf32, #tpu.memory_space<vmem>>) target(%dma_start3A_107 : memref<10112x64xf32, #tpu.memory_space<vmem_shared>>) offsets(%dma_start3A_104 : memref<128xi32, #tpu.memory_space<vmem>>) semaphore(%run_scoped3A_97 : memref<!tpu.dma_semaphore, #tpu.memory_space<semaphore_mem>>) {add = true}
        %dma_wait3A_108 = arith.constant 0 : i32
        %dma_wait3A_109 = arith.constant 0 : i32
        %dma_wait3A_110 = tpu.memref_slice %arg7[%select_n3A_79, %dma_wait3A_108, %dma_wait3A_109] : memref<2x128x64xf32, #tpu.memory_space<vmem>> -> memref<1x128x64xf32, #tpu.memory_space<vmem>>
        %dma_wait3A_111 = tpu.memref_squeeze %dma_wait3A_110 : memref<1x128x64xf32, #tpu.memory_space<vmem>> -> memref<128x64xf32, #tpu.memory_space<vmem>>
        %dma_wait3A_112 = arith.constant 0 : i32
        %dma_wait3A_113 = tpu.memref_slice %arg6[%while3A_66, %dma_wait3A_112] : memref<79x128xi32, #tpu.memory_space<vmem>> -> memref<1x128xi32, #tpu.memory_space<vmem>>
        %dma_wait3A_114 = tpu.memref_squeeze %dma_wait3A_113 : memref<1x128xi32, #tpu.memory_space<vmem>> -> memref<128xi32, #tpu.memory_space<vmem>>
        %dma_wait3A_115 = arith.constant 0 : i32
        %dma_wait3A_116 = arith.constant 0 : i32
        %dma_wait3A_117 = tpu.memref_slice %arg9[%dma_wait3A_115, %dma_wait3A_116] : memref<10112x64xf32, #tpu.memory_space<vmem_shared>> -> memref<10112x64xf32, #tpu.memory_space<vmem_shared>>
        tpu.wait_indirect_dma semaphore(%run_scoped3A_97 : memref<!tpu.dma_semaphore, #tpu.memory_space<semaphore_mem>>) src(%dma_wait3A_111 : memref<128x64xf32, #tpu.memory_space<vmem>>) dst(%dma_wait3A_117 : memref<10112x64xf32, #tpu.memory_space<vmem_shared>>)
        tpu.yield
      }) : () -> ()
      %while3A_96 = arith.constant 0 : i32
      scf.yield %while3A_96 : i32
    }
    %barrier3A_65 = arith.constant 0 : index
    tpu.barrier barrier_id(%barrier3A_65)
    "tpu.region"() ({
      %run_scoped3A_66 = tpu.sem_alloc : memref<!tpu.dma_semaphore, #tpu.memory_space<semaphore_mem>>
      %dma_start3A_67 = arith.constant 0 : i32
      %dma_start3A_68 = tpu.memref_slice %arg4[%arg0, %mul3A_2, %dma_start3A_67] : memref<2x10112x128xf32, #tpu.memory_space<hbm>> -> memref<1x632x64xf32, #tpu.memory_space<hbm>>
      %dma_start3A_69 = tpu.memref_squeeze %dma_start3A_68 : memref<1x632x64xf32, #tpu.memory_space<hbm>> -> memref<632x64xf32, #tpu.memory_space<hbm>>
      %dma_start3A_70 = arith.constant 0 : i32
      %dma_start3A_71 = tpu.memref_slice %arg9[%mul3A_2, %dma_start3A_70] : memref<10112x64xf32, #tpu.memory_space<vmem_shared>> -> memref<632x64xf32, #tpu.memory_space<vmem_shared>>
      tpu.enqueue_dma source(%dma_start3A_71 : memref<632x64xf32, #tpu.memory_space<vmem_shared>>) target(%dma_start3A_69 : memref<632x64xf32, #tpu.memory_space<hbm>>) target_semaphore(%run_scoped3A_66 : memref<!tpu.dma_semaphore, #tpu.memory_space<semaphore_mem>>)
      %dma_wait3A_72 = arith.constant 0 : i32
      %dma_wait3A_73 = tpu.memref_slice %arg4[%arg0, %mul3A_2, %dma_wait3A_72] : memref<2x10112x128xf32, #tpu.memory_space<hbm>> -> memref<1x632x64xf32, #tpu.memory_space<hbm>>
      %dma_wait3A_74 = tpu.memref_squeeze %dma_wait3A_73 : memref<1x632x64xf32, #tpu.memory_space<hbm>> -> memref<632x64xf32, #tpu.memory_space<hbm>>
      %dma_wait3A_75 = arith.constant 0 : i32
      %dma_wait3A_76 = tpu.memref_slice %arg9[%mul3A_2, %dma_wait3A_75] : memref<10112x64xf32, #tpu.memory_space<vmem_shared>> -> memref<632x64xf32, #tpu.memory_space<vmem_shared>>
      tpu.wait_dma2 semaphore(%run_scoped3A_66 : memref<!tpu.dma_semaphore, #tpu.memory_space<semaphore_mem>>) src(%dma_wait3A_76 : memref<632x64xf32, #tpu.memory_space<vmem_shared>>) dst(%dma_wait3A_74 : memref<632x64xf32, #tpu.memory_space<hbm>>)
      tpu.yield
    }) : () -> ()
    return
  }
}

#map = affine_map<(d0, d1) -> (0, 0, 0)>
module attributes {stable_mosaic.version = 14 : i64} {
  func.func @_sc_degree_body(%arg0: i32, %arg1: i32, %arg2: memref<2500x2x128xi32, #tpu.memory_space<hbm>>, %arg3: memref<2x10112x128xf32, #tpu.memory_space<hbm>>, %arg4: memref<79x128xi32, #tpu.memory_space<vmem>>, %arg5: memref<128x16xf32, #tpu.memory_space<vmem>>, %arg6: memref<128x16xf32, #tpu.memory_space<vmem>>, %arg7: memref<10112x16xf32, #tpu.memory_space<vmem_shared>>) attributes {dimension_semantics = [#tpu.dimension_semantics<core_parallel>, #tpu.dimension_semantics<subcore_parallel>], iteration_bounds = array<i64: 2, 16>, scalar_prefetch = 0 : i64, scratch_operands = 4 : i64, tpu.core_type = #tpu.core_type<sc_vector_subcore>, window_params = [{transform_indices = #map}, {transform_indices = #map}]} {
    %mul3A = arith.constant 2 : i32
    %mul3A_0 = arith.muli %arg1, %mul3A : i32
    %add3A = arith.addi %mul3A_0, %arg0 : i32
    %mul3A_1 = arith.constant 632 : i32
    %mul3A_2 = arith.muli %arg1, %mul3A_1 : i32
    %lt3A = arith.constant 4 : i32
    %lt3A_3 = arith.cmpi slt, %add3A, %lt3A : i32
    %jit3A = arith.constant 1 : i32
    %jit3A_4 = arith.constant 0 : i32
    %select_n3A = arith.select %lt3A_3, %jit3A, %jit3A_4 : i32
    %add3A_5 = arith.constant 78 : i32
    %add3A_6 = arith.addi %add3A_5, %select_n3A : i32
    %mul3A_7 = arith.constant 78 : i32
    %mul3A_8 = arith.muli %mul3A_7, %add3A : i32
    %min3A = arith.constant 4 : i32
    %min3A_9 = arith.minsi %add3A, %min3A : i32
    %add3A_10 = arith.addi %mul3A_8, %min3A_9 : i32
    %broadcast_in_dim3A = arith.constant 1.000000e+00 : f32
    %broadcast_in_dim3A_11 = vector.broadcast %broadcast_in_dim3A : f32 to vector<16xf32>
    %scan3A = arith.constant 0 : i32
    %scan3A_12 = arith.constant 0 : i32
    %scan3A_13 = arith.constant 128 : i32
    %scan3A_14 = arith.addi %scan3A_12, %scan3A_13 : i32
    %scan3A_15 = arith.constant 1 : i32
    %scan3A_16 = scf.for %scan3A_51 = %scan3A_12 to %scan3A_14 step %scan3A_15 iter_args(%scan3A_52 = %scan3A) -> (i32)  : i32 {
      %jit3A_53 = arith.constant 1 : i32
      %div3A = arith.divsi %scan3A_51, %jit3A_53 : i32
      %sign3A = arith.constant 0 : i32
      %sign3A_54 = arith.cmpi sgt, %scan3A_51, %sign3A : i32
      %sign3A_55 = arith.extui %sign3A_54 : i1 to i32
      %sign3A_56 = arith.constant 0 : i32
      %sign3A_57 = arith.cmpi slt, %scan3A_51, %sign3A_56 : i32
      %sign3A_58 = arith.extui %sign3A_57 : i1 to i32
      %sign3A_59 = arith.subi %sign3A_55, %sign3A_58 : i32
      %sign3A_60 = arith.constant 0 : i32
      %sign3A_61 = arith.cmpi sgt, %jit3A_53, %sign3A_60 : i32
      %sign3A_62 = arith.extui %sign3A_61 : i1 to i32
      %sign3A_63 = arith.constant 0 : i32
      %sign3A_64 = arith.cmpi slt, %jit3A_53, %sign3A_63 : i32
      %sign3A_65 = arith.extui %sign3A_64 : i1 to i32
      %sign3A_66 = arith.subi %sign3A_62, %sign3A_65 : i32
      %ne3A = arith.cmpi ne, %sign3A_59, %sign3A_66 : i32
      %rem3A = arith.remsi %scan3A_51, %jit3A_53 : i32
      %ne3A_67 = arith.constant 0 : i32
      %ne3A_68 = arith.cmpi ne, %rem3A, %ne3A_67 : i32
      %and3A = arith.andi %ne3A, %ne3A_68 : i1
      %sub3A = arith.constant 1 : i32
      %sub3A_69 = arith.subi %div3A, %sub3A : i32
      %select_n3A_70 = arith.select %and3A, %sub3A_69, %div3A : i32
      %jit3A_71 = arith.constant 1 : i32
      %eq3A = arith.constant 0 : i32
      %eq3A_72 = arith.cmpi eq, %jit3A_71, %eq3A : i32
      %jit3A_73 = arith.constant 1 : i32
      %select_n3A_74 = arith.select %eq3A_72, %jit3A_73, %jit3A_71 : i32
      %rem3A_75 = arith.remsi %scan3A_51, %select_n3A_74 : i32
      %ne3A_76 = arith.constant 0 : i32
      %ne3A_77 = arith.cmpi ne, %rem3A_75, %ne3A_76 : i32
      %lt3A_78 = arith.constant 0 : i32
      %lt3A_79 = arith.cmpi slt, %rem3A_75, %lt3A_78 : i32
      %lt3A_80 = arith.constant 0 : i32
      %lt3A_81 = arith.cmpi slt, %select_n3A_74, %lt3A_80 : i32
      %ne3A_82 = arith.xori %lt3A_79, %lt3A_81 : i1
      %and3A_83 = arith.andi %ne3A_82, %ne3A_77 : i1
      %add3A_84 = arith.addi %rem3A_75, %select_n3A_74 : i32
      %select_n3A_85 = arith.select %and3A_83, %add3A_84, %rem3A_75 : i32
      %mul3A_86 = arith.constant 16 : i32
      %mul3A_87 = arith.muli %select_n3A_85, %mul3A_86 : i32
      %swap3A = arith.index_cast %select_n3A_70 : i32 to index
      %swap3A_88 = arith.index_cast %mul3A_87 : i32 to index
      %swap3A_89 = tpu.vector_load %arg5[%swap3A, %swap3A_88] {strides = array<i32>} : memref<128x16xf32, #tpu.memory_space<vmem>>, vector<1x16xf32>,
      %swap3A_90 = vector.shape_cast %swap3A_89 : vector<1x16xf32> to vector<16xf32>
      %swap3A_91 = vector.shape_cast %broadcast_in_dim3A_11 : vector<16xf32> to vector<1x16xf32>
      tpu.vector_store %arg5[%swap3A, %swap3A_88], %swap3A_91 {strides = array<i32>} : memref<128x16xf32, #tpu.memory_space<vmem>>, vector<1x16xf32>,
      %scan3A_92 = arith.constant 0 : i32
      scf.yield %scan3A_92 : i32
    }
    %scan3A_17 = arith.constant 128 : i32
    %broadcast_in_dim3A_18 = arith.constant 0.000000e+00 : f32
    %broadcast_in_dim3A_19 = vector.broadcast %broadcast_in_dim3A_18 : f32 to vector<16xf32>
    %scan3A_20 = arith.constant 0 : i32
    %scan3A_21 = arith.constant 0 : i32
    %scan3A_22 = arith.constant 128 : i32
    %scan3A_23 = arith.addi %scan3A_21, %scan3A_22 : i32
    %scan3A_24 = arith.constant 1 : i32
    %scan3A_25 = scf.for %scan3A_51 = %scan3A_21 to %scan3A_23 step %scan3A_24 iter_args(%scan3A_52 = %scan3A_20) -> (i32)  : i32 {
      %jit3A_53 = arith.constant 1 : i32
      %div3A = arith.divsi %scan3A_51, %jit3A_53 : i32
      %sign3A = arith.constant 0 : i32
      %sign3A_54 = arith.cmpi sgt, %scan3A_51, %sign3A : i32
      %sign3A_55 = arith.extui %sign3A_54 : i1 to i32
      %sign3A_56 = arith.constant 0 : i32
      %sign3A_57 = arith.cmpi slt, %scan3A_51, %sign3A_56 : i32
      %sign3A_58 = arith.extui %sign3A_57 : i1 to i32
      %sign3A_59 = arith.subi %sign3A_55, %sign3A_58 : i32
      %sign3A_60 = arith.constant 0 : i32
      %sign3A_61 = arith.cmpi sgt, %jit3A_53, %sign3A_60 : i32
      %sign3A_62 = arith.extui %sign3A_61 : i1 to i32
      %sign3A_63 = arith.constant 0 : i32
      %sign3A_64 = arith.cmpi slt, %jit3A_53, %sign3A_63 : i32
      %sign3A_65 = arith.extui %sign3A_64 : i1 to i32
      %sign3A_66 = arith.subi %sign3A_62, %sign3A_65 : i32
      %ne3A = arith.cmpi ne, %sign3A_59, %sign3A_66 : i32
      %rem3A = arith.remsi %scan3A_51, %jit3A_53 : i32
      %ne3A_67 = arith.constant 0 : i32
      %ne3A_68 = arith.cmpi ne, %rem3A, %ne3A_67 : i32
      %and3A = arith.andi %ne3A, %ne3A_68 : i1
      %sub3A = arith.constant 1 : i32
      %sub3A_69 = arith.subi %div3A, %sub3A : i32
      %select_n3A_70 = arith.select %and3A, %sub3A_69, %div3A : i32
      %jit3A_71 = arith.constant 1 : i32
      %eq3A = arith.constant 0 : i32
      %eq3A_72 = arith.cmpi eq, %jit3A_71, %eq3A : i32
      %jit3A_73 = arith.constant 1 : i32
      %select_n3A_74 = arith.select %eq3A_72, %jit3A_73, %jit3A_71 : i32
      %rem3A_75 = arith.remsi %scan3A_51, %select_n3A_74 : i32
      %ne3A_76 = arith.constant 0 : i32
      %ne3A_77 = arith.cmpi ne, %rem3A_75, %ne3A_76 : i32
      %lt3A_78 = arith.constant 0 : i32
      %lt3A_79 = arith.cmpi slt, %rem3A_75, %lt3A_78 : i32
      %lt3A_80 = arith.constant 0 : i32
      %lt3A_81 = arith.cmpi slt, %select_n3A_74, %lt3A_80 : i32
      %ne3A_82 = arith.xori %lt3A_79, %lt3A_81 : i1
      %and3A_83 = arith.andi %ne3A_82, %ne3A_77 : i1
      %add3A_84 = arith.addi %rem3A_75, %select_n3A_74 : i32
      %select_n3A_85 = arith.select %and3A_83, %add3A_84, %rem3A_75 : i32
      %mul3A_86 = arith.constant 16 : i32
      %mul3A_87 = arith.muli %select_n3A_85, %mul3A_86 : i32
      %swap3A = arith.index_cast %select_n3A_70 : i32 to index
      %swap3A_88 = arith.index_cast %mul3A_87 : i32 to index
      %swap3A_89 = tpu.vector_load %arg6[%swap3A, %swap3A_88] {strides = array<i32>} : memref<128x16xf32, #tpu.memory_space<vmem>>, vector<1x16xf32>,
      %swap3A_90 = vector.shape_cast %swap3A_89 : vector<1x16xf32> to vector<16xf32>
      %swap3A_91 = vector.shape_cast %broadcast_in_dim3A_19 : vector<16xf32> to vector<1x16xf32>
      tpu.vector_store %arg6[%swap3A, %swap3A_88], %swap3A_91 {strides = array<i32>} : memref<128x16xf32, #tpu.memory_space<vmem>>, vector<1x16xf32>,
      %scan3A_92 = arith.constant 0 : i32
      scf.yield %scan3A_92 : i32
    }
    %scan3A_26 = arith.constant 128 : i32
    %scan3A_27 = arith.constant 0 : i32
    %scan3A_28 = arith.constant 0 : i32
    %scan3A_29 = arith.constant 4 : i32
    %scan3A_30 = arith.addi %scan3A_28, %scan3A_29 : i32
    %scan3A_31 = arith.constant 1 : i32
    %scan3A_32 = scf.for %scan3A_51 = %scan3A_28 to %scan3A_30 step %scan3A_31 iter_args(%scan3A_52 = %scan3A_27) -> (i32)  : i32 {
      %mul3A_53 = arith.constant 128 : i32
      %mul3A_54 = arith.muli %scan3A_51, %mul3A_53 : i32
      %add3A_55 = arith.addi %mul3A_2, %mul3A_54 : i32
      "tpu.region"() ({
        %run_scoped3A_57 = tpu.sem_alloc : memref<!tpu.dma_semaphore, #tpu.memory_space<semaphore_mem>>
        %dma_start3A = arith.constant 0 : i32
        %dma_start3A_58 = tpu.memref_slice %arg7[%add3A_55, %dma_start3A] : memref<10112x16xf32, #tpu.memory_space<vmem_shared>> -> memref<128x16xf32, #tpu.memory_space<vmem_shared>>
        %dma_start3A_59 = arith.constant 0 : i32
        %dma_start3A_60 = tpu.memref_slice %arg7[%add3A_55, %dma_start3A_59] : memref<10112x16xf32, #tpu.memory_space<vmem_shared>> -> memref<128x16xf32, #tpu.memory_space<vmem_shared>>
        tpu.enqueue_dma source(%arg6 : memref<128x16xf32, #tpu.memory_space<vmem>>) target(%dma_start3A_60 : memref<128x16xf32, #tpu.memory_space<vmem_shared>>) target_semaphore(%run_scoped3A_57 : memref<!tpu.dma_semaphore, #tpu.memory_space<semaphore_mem>>)
        %dma_wait3A = arith.constant 0 : i32
        %dma_wait3A_61 = tpu.memref_slice %arg7[%add3A_55, %dma_wait3A] : memref<10112x16xf32, #tpu.memory_space<vmem_shared>> -> memref<128x16xf32, #tpu.memory_space<vmem_shared>>
        %dma_wait3A_62 = arith.constant 0 : i32
        %dma_wait3A_63 = tpu.memref_slice %arg7[%add3A_55, %dma_wait3A_62] : memref<10112x16xf32, #tpu.memory_space<vmem_shared>> -> memref<128x16xf32, #tpu.memory_space<vmem_shared>>
        tpu.wait_dma2 semaphore(%run_scoped3A_57 : memref<!tpu.dma_semaphore, #tpu.memory_space<semaphore_mem>>) src(%arg6 : memref<128x16xf32, #tpu.memory_space<vmem>>) dst(%dma_wait3A_63 : memref<128x16xf32, #tpu.memory_space<vmem_shared>>)
        tpu.yield
      }) : () -> ()
      %scan3A_56 = arith.constant 0 : i32
      scf.yield %scan3A_56 : i32
    }
    %scan3A_33 = arith.constant 4 : i32
    %add3A_34 = arith.constant 512 : i32
    %add3A_35 = arith.addi %mul3A_2, %add3A_34 : i32
    "tpu.region"() ({
      %run_scoped3A_51 = tpu.sem_alloc : memref<!tpu.dma_semaphore, #tpu.memory_space<semaphore_mem>>
      %dma_start3A = arith.constant 0 : i32
      %dma_start3A_52 = arith.constant 0 : i32
      %dma_start3A_53 = tpu.memref_slice %arg6[%dma_start3A, %dma_start3A_52] : memref<128x16xf32, #tpu.memory_space<vmem>> -> memref<120x16xf32, #tpu.memory_space<vmem>>
      %dma_start3A_54 = arith.constant 0 : i32
      %dma_start3A_55 = tpu.memref_slice %arg7[%add3A_35, %dma_start3A_54] : memref<10112x16xf32, #tpu.memory_space<vmem_shared>> -> memref<120x16xf32, #tpu.memory_space<vmem_shared>>
      %dma_start3A_56 = arith.constant 0 : i32
      %dma_start3A_57 = tpu.memref_slice %arg7[%add3A_35, %dma_start3A_56] : memref<10112x16xf32, #tpu.memory_space<vmem_shared>> -> memref<120x16xf32, #tpu.memory_space<vmem_shared>>
      %dma_start3A_58 = arith.constant 0 : i32
      %dma_start3A_59 = arith.constant 0 : i32
      %dma_start3A_60 = tpu.memref_slice %arg6[%dma_start3A_58, %dma_start3A_59] : memref<128x16xf32, #tpu.memory_space<vmem>> -> memref<120x16xf32, #tpu.memory_space<vmem>>
      tpu.enqueue_dma source(%dma_start3A_60 : memref<120x16xf32, #tpu.memory_space<vmem>>) target(%dma_start3A_57 : memref<120x16xf32, #tpu.memory_space<vmem_shared>>) target_semaphore(%run_scoped3A_51 : memref<!tpu.dma_semaphore, #tpu.memory_space<semaphore_mem>>)
      %dma_wait3A = arith.constant 0 : i32
      %dma_wait3A_61 = arith.constant 0 : i32
      %dma_wait3A_62 = tpu.memref_slice %arg6[%dma_wait3A, %dma_wait3A_61] : memref<128x16xf32, #tpu.memory_space<vmem>> -> memref<120x16xf32, #tpu.memory_space<vmem>>
      %dma_wait3A_63 = arith.constant 0 : i32
      %dma_wait3A_64 = tpu.memref_slice %arg7[%add3A_35, %dma_wait3A_63] : memref<10112x16xf32, #tpu.memory_space<vmem_shared>> -> memref<120x16xf32, #tpu.memory_space<vmem_shared>>
      %dma_wait3A_65 = arith.constant 0 : i32
      %dma_wait3A_66 = tpu.memref_slice %arg7[%add3A_35, %dma_wait3A_65] : memref<10112x16xf32, #tpu.memory_space<vmem_shared>> -> memref<120x16xf32, #tpu.memory_space<vmem_shared>>
      %dma_wait3A_67 = arith.constant 0 : i32
      %dma_wait3A_68 = arith.constant 0 : i32
      %dma_wait3A_69 = tpu.memref_slice %arg6[%dma_wait3A_67, %dma_wait3A_68] : memref<128x16xf32, #tpu.memory_space<vmem>> -> memref<120x16xf32, #tpu.memory_space<vmem>>
      tpu.wait_dma2 semaphore(%run_scoped3A_51 : memref<!tpu.dma_semaphore, #tpu.memory_space<semaphore_mem>>) src(%dma_wait3A_69 : memref<120x16xf32, #tpu.memory_space<vmem>>) dst(%dma_wait3A_66 : memref<120x16xf32, #tpu.memory_space<vmem_shared>>)
      tpu.yield
    }) : () -> ()
    %run_scoped3A = arith.constant 1 : i32
    "tpu.region"() ({
      %run_scoped3A_51 = tpu.sem_alloc : memref<!tpu.dma_semaphore, #tpu.memory_space<semaphore_mem>>
      %dma_start3A = arith.constant 0 : i32
      %dma_start3A_52 = arith.constant 0 : i32
      %dma_start3A_53 = tpu.memref_slice %arg4[%dma_start3A, %dma_start3A_52] : memref<79x128xi32, #tpu.memory_space<vmem>> -> memref<78x128xi32, #tpu.memory_space<vmem>>
      %dma_start3A_54 = arith.constant 0 : i32
      %dma_start3A_55 = tpu.memref_slice %arg2[%add3A_10, %run_scoped3A, %dma_start3A_54] : memref<2500x2x128xi32, #tpu.memory_space<hbm>> -> memref<78x1x128xi32, #tpu.memory_space<hbm>>
      %dma_start3A_56 = tpu.memref_squeeze %dma_start3A_55 : memref<78x1x128xi32, #tpu.memory_space<hbm>> -> memref<78x128xi32, #tpu.memory_space<hbm>>
      %dma_start3A_57 = arith.constant 0 : i32
      %dma_start3A_58 = arith.constant 0 : i32
      %dma_start3A_59 = tpu.memref_slice %arg4[%dma_start3A_57, %dma_start3A_58] : memref<79x128xi32, #tpu.memory_space<vmem>> -> memref<78x128xi32, #tpu.memory_space<vmem>>
      %dma_start3A_60 = arith.constant 0 : i32
      %dma_start3A_61 = tpu.memref_slice %arg2[%add3A_10, %run_scoped3A, %dma_start3A_60] : memref<2500x2x128xi32, #tpu.memory_space<hbm>> -> memref<78x1x128xi32, #tpu.memory_space<hbm>>
      %dma_start3A_62 = tpu.memref_squeeze %dma_start3A_61 : memref<78x1x128xi32, #tpu.memory_space<hbm>> -> memref<78x128xi32, #tpu.memory_space<hbm>>
      tpu.enqueue_dma source(%dma_start3A_62 : memref<78x128xi32, #tpu.memory_space<hbm>>) target(%dma_start3A_59 : memref<78x128xi32, #tpu.memory_space<vmem>>) target_semaphore(%run_scoped3A_51 : memref<!tpu.dma_semaphore, #tpu.memory_space<semaphore_mem>>)
      %dma_wait3A = arith.constant 0 : i32
      %dma_wait3A_63 = arith.constant 0 : i32
      %dma_wait3A_64 = tpu.memref_slice %arg4[%dma_wait3A, %dma_wait3A_63] : memref<79x128xi32, #tpu.memory_space<vmem>> -> memref<78x128xi32, #tpu.memory_space<vmem>>
      %dma_wait3A_65 = arith.constant 0 : i32
      %dma_wait3A_66 = tpu.memref_slice %arg2[%add3A_10, %run_scoped3A, %dma_wait3A_65] : memref<2500x2x128xi32, #tpu.memory_space<hbm>> -> memref<78x1x128xi32, #tpu.memory_space<hbm>>
      %dma_wait3A_67 = tpu.memref_squeeze %dma_wait3A_66 : memref<78x1x128xi32, #tpu.memory_space<hbm>> -> memref<78x128xi32, #tpu.memory_space<hbm>>
      %dma_wait3A_68 = arith.constant 0 : i32
      %dma_wait3A_69 = arith.constant 0 : i32
      %dma_wait3A_70 = tpu.memref_slice %arg4[%dma_wait3A_68, %dma_wait3A_69] : memref<79x128xi32, #tpu.memory_space<vmem>> -> memref<78x128xi32, #tpu.memory_space<vmem>>
      %dma_wait3A_71 = arith.constant 0 : i32
      %dma_wait3A_72 = tpu.memref_slice %arg2[%add3A_10, %run_scoped3A, %dma_wait3A_71] : memref<2500x2x128xi32, #tpu.memory_space<hbm>> -> memref<78x1x128xi32, #tpu.memory_space<hbm>>
      %dma_wait3A_73 = tpu.memref_squeeze %dma_wait3A_72 : memref<78x1x128xi32, #tpu.memory_space<hbm>> -> memref<78x128xi32, #tpu.memory_space<hbm>>
      tpu.wait_dma2 semaphore(%run_scoped3A_51 : memref<!tpu.dma_semaphore, #tpu.memory_space<semaphore_mem>>) src(%dma_wait3A_73 : memref<78x128xi32, #tpu.memory_space<hbm>>) dst(%dma_wait3A_70 : memref<78x128xi32, #tpu.memory_space<vmem>>)
      tpu.yield
    }) : () -> ()
    %lt3A_36 = arith.constant 4 : i32
    %lt3A_37 = arith.cmpi slt, %add3A, %lt3A_36 : i32
    %convert_element_type3A = arith.extui %lt3A_37 : i1 to i32
    %cond3A = arith.constant 0 : i32
    %cond3A_38 = arith.cmpi ne, %convert_element_type3A, %cond3A : i32
    scf.if %cond3A_38 {
      %add3A_51 = arith.constant 78 : i32
      %add3A_52 = arith.addi %add3A_10, %add3A_51 : i32
      %run_scoped3A_53 = arith.constant 1 : i32
      %run_scoped3A_54 = arith.constant 78 : i32
      "tpu.region"() ({
        %run_scoped3A_55 = tpu.sem_alloc : memref<!tpu.dma_semaphore, #tpu.memory_space<semaphore_mem>>
        %dma_start3A = arith.constant 0 : i32
        %dma_start3A_56 = tpu.memref_slice %arg4[%run_scoped3A_54, %dma_start3A] : memref<79x128xi32, #tpu.memory_space<vmem>> -> memref<1x128xi32, #tpu.memory_space<vmem>>
        %dma_start3A_57 = tpu.memref_squeeze %dma_start3A_56 : memref<1x128xi32, #tpu.memory_space<vmem>> -> memref<128xi32, #tpu.memory_space<vmem>>
        %dma_start3A_58 = arith.constant 0 : i32
        %dma_start3A_59 = tpu.memref_slice %arg2[%add3A_52, %run_scoped3A_53, %dma_start3A_58] : memref<2500x2x128xi32, #tpu.memory_space<hbm>> -> memref<1x1x128xi32, #tpu.memory_space<hbm>>
        %dma_start3A_60 = tpu.memref_squeeze %dma_start3A_59 : memref<1x1x128xi32, #tpu.memory_space<hbm>> -> memref<128xi32, #tpu.memory_space<hbm>>
        %dma_start3A_61 = arith.constant 0 : i32
        %dma_start3A_62 = tpu.memref_slice %arg4[%run_scoped3A_54, %dma_start3A_61] : memref<79x128xi32, #tpu.memory_space<vmem>> -> memref<1x128xi32, #tpu.memory_space<vmem>>
        %dma_start3A_63 = tpu.memref_squeeze %dma_start3A_62 : memref<1x128xi32, #tpu.memory_space<vmem>> -> memref<128xi32, #tpu.memory_space<vmem>>
        %dma_start3A_64 = arith.constant 0 : i32
        %dma_start3A_65 = tpu.memref_slice %arg2[%add3A_52, %run_scoped3A_53, %dma_start3A_64] : memref<2500x2x128xi32, #tpu.memory_space<hbm>> -> memref<1x1x128xi32, #tpu.memory_space<hbm>>
        %dma_start3A_66 = tpu.memref_squeeze %dma_start3A_65 : memref<1x1x128xi32, #tpu.memory_space<hbm>> -> memref<128xi32, #tpu.memory_space<hbm>>
        tpu.enqueue_dma source(%dma_start3A_66 : memref<128xi32, #tpu.memory_space<hbm>>) target(%dma_start3A_63 : memref<128xi32, #tpu.memory_space<vmem>>) target_semaphore(%run_scoped3A_55 : memref<!tpu.dma_semaphore, #tpu.memory_space<semaphore_mem>>)
        %dma_wait3A = arith.constant 0 : i32
        %dma_wait3A_67 = tpu.memref_slice %arg4[%run_scoped3A_54, %dma_wait3A] : memref<79x128xi32, #tpu.memory_space<vmem>> -> memref<1x128xi32, #tpu.memory_space<vmem>>
        %dma_wait3A_68 = tpu.memref_squeeze %dma_wait3A_67 : memref<1x128xi32, #tpu.memory_space<vmem>> -> memref<128xi32, #tpu.memory_space<vmem>>
        %dma_wait3A_69 = arith.constant 0 : i32
        %dma_wait3A_70 = tpu.memref_slice %arg2[%add3A_52, %run_scoped3A_53, %dma_wait3A_69] : memref<2500x2x128xi32, #tpu.memory_space<hbm>> -> memref<1x1x128xi32, #tpu.memory_space<hbm>>
        %dma_wait3A_71 = tpu.memref_squeeze %dma_wait3A_70 : memref<1x1x128xi32, #tpu.memory_space<hbm>> -> memref<128xi32, #tpu.memory_space<hbm>>
        %dma_wait3A_72 = arith.constant 0 : i32
        %dma_wait3A_73 = tpu.memref_slice %arg4[%run_scoped3A_54, %dma_wait3A_72] : memref<79x128xi32, #tpu.memory_space<vmem>> -> memref<1x128xi32, #tpu.memory_space<vmem>>
        %dma_wait3A_74 = tpu.memref_squeeze %dma_wait3A_73 : memref<1x128xi32, #tpu.memory_space<vmem>> -> memref<128xi32, #tpu.memory_space<vmem>>
        %dma_wait3A_75 = arith.constant 0 : i32
        %dma_wait3A_76 = tpu.memref_slice %arg2[%add3A_52, %run_scoped3A_53, %dma_wait3A_75] : memref<2500x2x128xi32, #tpu.memory_space<hbm>> -> memref<1x1x128xi32, #tpu.memory_space<hbm>>
        %dma_wait3A_77 = tpu.memref_squeeze %dma_wait3A_76 : memref<1x1x128xi32, #tpu.memory_space<hbm>> -> memref<128xi32, #tpu.memory_space<hbm>>
        tpu.wait_dma2 semaphore(%run_scoped3A_55 : memref<!tpu.dma_semaphore, #tpu.memory_space<semaphore_mem>>) src(%dma_wait3A_77 : memref<128xi32, #tpu.memory_space<hbm>>) dst(%dma_wait3A_74 : memref<128xi32, #tpu.memory_space<vmem>>)
        tpu.yield
      }) : () -> ()
    } else {
    }
    %barrier3A = arith.constant 0 : index
    tpu.barrier barrier_id(%barrier3A)
    %while3A = arith.constant 0 : i32
    %while3A_39 = arith.constant 0 : i32
    %while3A_40 = arith.subi %add3A_6, %while3A : i32
    %while3A_41 = arith.addi %while3A, %while3A_40 : i32
    %while3A_42 = arith.constant 1 : i32
    %while3A_43 = arith.divsi %while3A_40, %while3A_42 : i32
    %while3A_44 = arith.muli %while3A_43, %while3A_42 : i32
    %while3A_45 = arith.addi %while3A, %while3A_44 : i32
    %while3A_46 = arith.constant 1 : i32
    %while3A_47 = scf.for %while3A_51 = %while3A to %while3A_45 step %while3A_46 iter_args(%while3A_52 = %while3A_39) -> (i32)  : i32 {
      "tpu.region"() ({
        %run_scoped3A_54 = tpu.sem_alloc : memref<!tpu.dma_semaphore, #tpu.memory_space<semaphore_mem>>
        %dma_start3A = arith.constant 0 : i32
        %dma_start3A_55 = tpu.memref_slice %arg4[%while3A_51, %dma_start3A] : memref<79x128xi32, #tpu.memory_space<vmem>> -> memref<1x128xi32, #tpu.memory_space<vmem>>
        %dma_start3A_56 = tpu.memref_squeeze %dma_start3A_55 : memref<1x128xi32, #tpu.memory_space<vmem>> -> memref<128xi32, #tpu.memory_space<vmem>>
        %dma_start3A_57 = arith.constant 0 : i32
        %dma_start3A_58 = arith.constant 0 : i32
        %dma_start3A_59 = tpu.memref_slice %arg7[%dma_start3A_57, %dma_start3A_58] : memref<10112x16xf32, #tpu.memory_space<vmem_shared>> -> memref<10112x16xf32, #tpu.memory_space<vmem_shared>>
        tpu.enqueue_indirect_dma source(%arg5 : memref<128x16xf32, #tpu.memory_space<vmem>>) target(%dma_start3A_59 : memref<10112x16xf32, #tpu.memory_space<vmem_shared>>) offsets(%dma_start3A_56 : memref<128xi32, #tpu.memory_space<vmem>>) semaphore(%run_scoped3A_54 : memref<!tpu.dma_semaphore, #tpu.memory_space<semaphore_mem>>) {add = true}
        %dma_wait3A = arith.constant 0 : i32
        %dma_wait3A_60 = tpu.memref_slice %arg4[%while3A_51, %dma_wait3A] : memref<79x128xi32, #tpu.memory_space<vmem>> -> memref<1x128xi32, #tpu.memory_space<vmem>>
        %dma_wait3A_61 = tpu.memref_squeeze %dma_wait3A_60 : memref<1x128xi32, #tpu.memory_space<vmem>> -> memref<128xi32, #tpu.memory_space<vmem>>
        %dma_wait3A_62 = arith.constant 0 : i32
        %dma_wait3A_63 = arith.constant 0 : i32
        %dma_wait3A_64 = tpu.memref_slice %arg7[%dma_wait3A_62, %dma_wait3A_63] : memref<10112x16xf32, #tpu.memory_space<vmem_shared>> -> memref<10112x16xf32, #tpu.memory_space<vmem_shared>>
        tpu.wait_indirect_dma semaphore(%run_scoped3A_54 : memref<!tpu.dma_semaphore, #tpu.memory_space<semaphore_mem>>) src(%arg5 : memref<128x16xf32, #tpu.memory_space<vmem>>) dst(%dma_wait3A_64 : memref<10112x16xf32, #tpu.memory_space<vmem_shared>>)
        tpu.yield
      }) : () -> ()
      %while3A_53 = arith.constant 0 : i32
      scf.yield %while3A_53 : i32
    }
    %while3A_48 = arith.constant 1 : i32
    %while3A_49 = scf.for %while3A_51 = %while3A_45 to %while3A_41 step %while3A_48 iter_args(%while3A_52 = %while3A_47) -> (i32)  : i32 {
      "tpu.region"() ({
        %run_scoped3A_54 = tpu.sem_alloc : memref<!tpu.dma_semaphore, #tpu.memory_space<semaphore_mem>>
        %dma_start3A = arith.constant 0 : i32
        %dma_start3A_55 = tpu.memref_slice %arg4[%while3A_51, %dma_start3A] : memref<79x128xi32, #tpu.memory_space<vmem>> -> memref<1x128xi32, #tpu.memory_space<vmem>>
        %dma_start3A_56 = tpu.memref_squeeze %dma_start3A_55 : memref<1x128xi32, #tpu.memory_space<vmem>> -> memref<128xi32, #tpu.memory_space<vmem>>
        %dma_start3A_57 = arith.constant 0 : i32
        %dma_start3A_58 = arith.constant 0 : i32
        %dma_start3A_59 = tpu.memref_slice %arg7[%dma_start3A_57, %dma_start3A_58] : memref<10112x16xf32, #tpu.memory_space<vmem_shared>> -> memref<10112x16xf32, #tpu.memory_space<vmem_shared>>
        tpu.enqueue_indirect_dma source(%arg5 : memref<128x16xf32, #tpu.memory_space<vmem>>) target(%dma_start3A_59 : memref<10112x16xf32, #tpu.memory_space<vmem_shared>>) offsets(%dma_start3A_56 : memref<128xi32, #tpu.memory_space<vmem>>) semaphore(%run_scoped3A_54 : memref<!tpu.dma_semaphore, #tpu.memory_space<semaphore_mem>>) {add = true}
        %dma_wait3A = arith.constant 0 : i32
        %dma_wait3A_60 = tpu.memref_slice %arg4[%while3A_51, %dma_wait3A] : memref<79x128xi32, #tpu.memory_space<vmem>> -> memref<1x128xi32, #tpu.memory_space<vmem>>
        %dma_wait3A_61 = tpu.memref_squeeze %dma_wait3A_60 : memref<1x128xi32, #tpu.memory_space<vmem>> -> memref<128xi32, #tpu.memory_space<vmem>>
        %dma_wait3A_62 = arith.constant 0 : i32
        %dma_wait3A_63 = arith.constant 0 : i32
        %dma_wait3A_64 = tpu.memref_slice %arg7[%dma_wait3A_62, %dma_wait3A_63] : memref<10112x16xf32, #tpu.memory_space<vmem_shared>> -> memref<10112x16xf32, #tpu.memory_space<vmem_shared>>
        tpu.wait_indirect_dma semaphore(%run_scoped3A_54 : memref<!tpu.dma_semaphore, #tpu.memory_space<semaphore_mem>>) src(%arg5 : memref<128x16xf32, #tpu.memory_space<vmem>>) dst(%dma_wait3A_64 : memref<10112x16xf32, #tpu.memory_space<vmem_shared>>)
        tpu.yield
      }) : () -> ()
      %while3A_53 = arith.constant 0 : i32
      scf.yield %while3A_53 : i32
    }
    %barrier3A_50 = arith.constant 0 : index
    tpu.barrier barrier_id(%barrier3A_50)
    "tpu.region"() ({
      %run_scoped3A_51 = tpu.sem_alloc : memref<!tpu.dma_semaphore, #tpu.memory_space<semaphore_mem>>
      %dma_start3A = arith.constant 0 : i32
      %dma_start3A_52 = tpu.memref_slice %arg3[%arg0, %mul3A_2, %dma_start3A] : memref<2x10112x128xf32, #tpu.memory_space<hbm>> -> memref<1x632x16xf32, #tpu.memory_space<hbm>>
      %dma_start3A_53 = tpu.memref_squeeze %dma_start3A_52 : memref<1x632x16xf32, #tpu.memory_space<hbm>> -> memref<632x16xf32, #tpu.memory_space<hbm>>
      %dma_start3A_54 = arith.constant 0 : i32
      %dma_start3A_55 = tpu.memref_slice %arg7[%mul3A_2, %dma_start3A_54] : memref<10112x16xf32, #tpu.memory_space<vmem_shared>> -> memref<632x16xf32, #tpu.memory_space<vmem_shared>>
      tpu.enqueue_dma source(%dma_start3A_55 : memref<632x16xf32, #tpu.memory_space<vmem_shared>>) target(%dma_start3A_53 : memref<632x16xf32, #tpu.memory_space<hbm>>) target_semaphore(%run_scoped3A_51 : memref<!tpu.dma_semaphore, #tpu.memory_space<semaphore_mem>>)
      %dma_wait3A = arith.constant 0 : i32
      %dma_wait3A_56 = tpu.memref_slice %arg3[%arg0, %mul3A_2, %dma_wait3A] : memref<2x10112x128xf32, #tpu.memory_space<hbm>> -> memref<1x632x16xf32, #tpu.memory_space<hbm>>
      %dma_wait3A_57 = tpu.memref_squeeze %dma_wait3A_56 : memref<1x632x16xf32, #tpu.memory_space<hbm>> -> memref<632x16xf32, #tpu.memory_space<hbm>>
      %dma_wait3A_58 = arith.constant 0 : i32
      %dma_wait3A_59 = tpu.memref_slice %arg7[%mul3A_2, %dma_wait3A_58] : memref<10112x16xf32, #tpu.memory_space<vmem_shared>> -> memref<632x16xf32, #tpu.memory_space<vmem_shared>>
      tpu.wait_dma2 semaphore(%run_scoped3A_51 : memref<!tpu.dma_semaphore, #tpu.memory_space<semaphore_mem>>) src(%dma_wait3A_59 : memref<632x16xf32, #tpu.memory_space<vmem_shared>>) dst(%dma_wait3A_57 : memref<632x16xf32, #tpu.memory_space<hbm>>)
      tpu.yield
    }) : () -> ()
    return
  }
}

#map = affine_map<(d0, d1) -> (0, 0)>
#map1 = affine_map<(d0, d1) -> (0, 0, 0)>
module attributes {stable_mosaic.version = 14 : i64} {
  func.func @_sc_scatter_body(%arg0: i32, %arg1: i32, %arg2: memref<10112x128xf32, #tpu.memory_space<hbm>>, %arg3: memref<2500x2x128xi32, #tpu.memory_space<hbm>>, %arg4: memref<2x10112x128xf32, #tpu.memory_space<hbm>>, %arg5: memref<79x128xi32, #tpu.memory_space<vmem>>, %arg6: memref<79x128xi32, #tpu.memory_space<vmem>>, %arg7: memref<2x128x64xf32, #tpu.memory_space<vmem>>, %arg8: memref<128x64xf32, #tpu.memory_space<vmem>>, %arg9: memref<10112x64xf32, #tpu.memory_space<vmem_shared>>, %arg10: memref<10112x64xf32, #tpu.memory_space<vmem_shared>>, %arg11: memref<!tpu.dma_semaphore, #tpu.memory_space<semaphore_mem>>, %arg12: memref<!tpu.dma_semaphore, #tpu.memory_space<semaphore_mem>>) attributes {dimension_semantics = [#tpu.dimension_semantics<core_parallel>, #tpu.dimension_semantics<subcore_parallel>], iteration_bounds = array<i64: 2, 16>, scalar_prefetch = 0 : i64, scratch_operands = 8 : i64, tpu.core_type = #tpu.core_type<sc_vector_subcore>, window_params = [{transform_indices = #map}, {transform_indices = #map1}, {transform_indices = #map1}]} {
    %mul3A = arith.constant 2 : i32
    %mul3A_0 = arith.muli %arg1, %mul3A : i32
    %add3A = arith.addi %mul3A_0, %arg0 : i32
    %mul3A_1 = arith.constant 632 : i32
    %mul3A_2 = arith.muli %arg1, %mul3A_1 : i32
    %lt3A = arith.constant 4 : i32
    %lt3A_3 = arith.cmpi slt, %add3A, %lt3A : i32
    %jit3A = arith.constant 1 : i32
    %jit3A_4 = arith.constant 0 : i32
    %select_n3A = arith.select %lt3A_3, %jit3A, %jit3A_4 : i32
    %add3A_5 = arith.constant 78 : i32
    %add3A_6 = arith.addi %add3A_5, %select_n3A : i32
    %mul3A_7 = arith.constant 78 : i32
    %mul3A_8 = arith.muli %mul3A_7, %add3A : i32
    %min3A = arith.constant 4 : i32
    %min3A_9 = arith.minsi %add3A, %min3A : i32
    %add3A_10 = arith.addi %mul3A_8, %min3A_9 : i32
    %dma_start3A = arith.constant 0 : i32
    %dma_start3A_11 = tpu.memref_slice %arg10[%mul3A_2, %dma_start3A] : memref<10112x64xf32, #tpu.memory_space<vmem_shared>> -> memref<632x64xf32, #tpu.memory_space<vmem_shared>>
    %dma_start3A_12 = arith.constant 0 : i32
    %dma_start3A_13 = tpu.memref_slice %arg2[%mul3A_2, %dma_start3A_12] : memref<10112x128xf32, #tpu.memory_space<hbm>> -> memref<632x64xf32, #tpu.memory_space<hbm>>
    tpu.enqueue_dma source(%dma_start3A_13 : memref<632x64xf32, #tpu.memory_space<hbm>>) target(%dma_start3A_11 : memref<632x64xf32, #tpu.memory_space<vmem_shared>>) target_semaphore(%arg12 : memref<!tpu.dma_semaphore, #tpu.memory_space<semaphore_mem>>)
    %broadcast_in_dim3A = arith.constant 0.000000e+00 : f32
    %broadcast_in_dim3A_14 = vector.broadcast %broadcast_in_dim3A : f32 to vector<16xf32>
    %scan3A = arith.constant 0 : i32
    %scan3A_15 = arith.constant 0 : i32
    %scan3A_16 = arith.constant 512 : i32
    %scan3A_17 = arith.addi %scan3A_15, %scan3A_16 : i32
    %scan3A_18 = arith.constant 1 : i32
    %scan3A_19 = scf.for %scan3A_66 = %scan3A_15 to %scan3A_17 step %scan3A_18 iter_args(%scan3A_67 = %scan3A) -> (i32)  : i32 {
      %jit3A_68 = arith.constant 4 : i32
      %div3A = arith.divsi %scan3A_66, %jit3A_68 : i32
      %sign3A = arith.constant 0 : i32
      %sign3A_69 = arith.cmpi sgt, %scan3A_66, %sign3A : i32
      %sign3A_70 = arith.extui %sign3A_69 : i1 to i32
      %sign3A_71 = arith.constant 0 : i32
      %sign3A_72 = arith.cmpi slt, %scan3A_66, %sign3A_71 : i32
      %sign3A_73 = arith.extui %sign3A_72 : i1 to i32
      %sign3A_74 = arith.subi %sign3A_70, %sign3A_73 : i32
      %sign3A_75 = arith.constant 0 : i32
      %sign3A_76 = arith.cmpi sgt, %jit3A_68, %sign3A_75 : i32
      %sign3A_77 = arith.extui %sign3A_76 : i1 to i32
      %sign3A_78 = arith.constant 0 : i32
      %sign3A_79 = arith.cmpi slt, %jit3A_68, %sign3A_78 : i32
      %sign3A_80 = arith.extui %sign3A_79 : i1 to i32
      %sign3A_81 = arith.subi %sign3A_77, %sign3A_80 : i32
      %ne3A = arith.cmpi ne, %sign3A_74, %sign3A_81 : i32
      %rem3A = arith.remsi %scan3A_66, %jit3A_68 : i32
      %ne3A_82 = arith.constant 0 : i32
      %ne3A_83 = arith.cmpi ne, %rem3A, %ne3A_82 : i32
      %and3A = arith.andi %ne3A, %ne3A_83 : i1
      %sub3A = arith.constant 1 : i32
      %sub3A_84 = arith.subi %div3A, %sub3A : i32
      %select_n3A_85 = arith.select %and3A, %sub3A_84, %div3A : i32
      %jit3A_86 = arith.constant 4 : i32
      %eq3A = arith.constant 0 : i32
      %eq3A_87 = arith.cmpi eq, %jit3A_86, %eq3A : i32
      %jit3A_88 = arith.constant 1 : i32
      %select_n3A_89 = arith.select %eq3A_87, %jit3A_88, %jit3A_86 : i32
      %rem3A_90 = arith.remsi %scan3A_66, %select_n3A_89 : i32
      %ne3A_91 = arith.constant 0 : i32
      %ne3A_92 = arith.cmpi ne, %rem3A_90, %ne3A_91 : i32
      %lt3A_93 = arith.constant 0 : i32
      %lt3A_94 = arith.cmpi slt, %rem3A_90, %lt3A_93 : i32
      %lt3A_95 = arith.constant 0 : i32
      %lt3A_96 = arith.cmpi slt, %select_n3A_89, %lt3A_95 : i32
      %ne3A_97 = arith.xori %lt3A_94, %lt3A_96 : i1
      %and3A_98 = arith.andi %ne3A_97, %ne3A_92 : i1
      %add3A_99 = arith.addi %rem3A_90, %select_n3A_89 : i32
      %select_n3A_100 = arith.select %and3A_98, %add3A_99, %rem3A_90 : i32
      %mul3A_101 = arith.constant 16 : i32
      %mul3A_102 = arith.muli %select_n3A_100, %mul3A_101 : i32
      %swap3A = arith.index_cast %select_n3A_85 : i32 to index
      %swap3A_103 = arith.index_cast %mul3A_102 : i32 to index
      %swap3A_104 = tpu.vector_load %arg8[%swap3A, %swap3A_103] {strides = array<i32>} : memref<128x64xf32, #tpu.memory_space<vmem>>, vector<1x16xf32>,
      %swap3A_105 = vector.shape_cast %swap3A_104 : vector<1x16xf32> to vector<16xf32>
      %swap3A_106 = vector.shape_cast %broadcast_in_dim3A_14 : vector<16xf32> to vector<1x16xf32>
      tpu.vector_store %arg8[%swap3A, %swap3A_103], %swap3A_106 {strides = array<i32>} : memref<128x64xf32, #tpu.memory_space<vmem>>, vector<1x16xf32>,
      %scan3A_107 = arith.constant 0 : i32
      scf.yield %scan3A_107 : i32
    }
    %scan3A_20 = arith.constant 512 : i32
    %scan3A_21 = arith.constant 0 : i32
    %scan3A_22 = arith.constant 0 : i32
    %scan3A_23 = arith.constant 4 : i32
    %scan3A_24 = arith.addi %scan3A_22, %scan3A_23 : i32
    %scan3A_25 = arith.constant 1 : i32
    %scan3A_26 = scf.for %scan3A_66 = %scan3A_22 to %scan3A_24 step %scan3A_25 iter_args(%scan3A_67 = %scan3A_21) -> (i32)  : i32 {
      %mul3A_68 = arith.constant 128 : i32
      %mul3A_69 = arith.muli %scan3A_66, %mul3A_68 : i32
      %add3A_70 = arith.addi %mul3A_2, %mul3A_69 : i32
      "tpu.region"() ({
        %run_scoped3A_72 = tpu.sem_alloc : memref<!tpu.dma_semaphore, #tpu.memory_space<semaphore_mem>>
        %dma_start3A_73 = arith.constant 0 : i32
        %dma_start3A_74 = tpu.memref_slice %arg9[%add3A_70, %dma_start3A_73] : memref<10112x64xf32, #tpu.memory_space<vmem_shared>> -> memref<128x64xf32, #tpu.memory_space<vmem_shared>>
        %dma_start3A_75 = arith.constant 0 : i32
        %dma_start3A_76 = tpu.memref_slice %arg9[%add3A_70, %dma_start3A_75] : memref<10112x64xf32, #tpu.memory_space<vmem_shared>> -> memref<128x64xf32, #tpu.memory_space<vmem_shared>>
        tpu.enqueue_dma source(%arg8 : memref<128x64xf32, #tpu.memory_space<vmem>>) target(%dma_start3A_76 : memref<128x64xf32, #tpu.memory_space<vmem_shared>>) target_semaphore(%run_scoped3A_72 : memref<!tpu.dma_semaphore, #tpu.memory_space<semaphore_mem>>)
        %dma_wait3A_77 = arith.constant 0 : i32
        %dma_wait3A_78 = tpu.memref_slice %arg9[%add3A_70, %dma_wait3A_77] : memref<10112x64xf32, #tpu.memory_space<vmem_shared>> -> memref<128x64xf32, #tpu.memory_space<vmem_shared>>
        %dma_wait3A_79 = arith.constant 0 : i32
        %dma_wait3A_80 = tpu.memref_slice %arg9[%add3A_70, %dma_wait3A_79] : memref<10112x64xf32, #tpu.memory_space<vmem_shared>> -> memref<128x64xf32, #tpu.memory_space<vmem_shared>>
        tpu.wait_dma2 semaphore(%run_scoped3A_72 : memref<!tpu.dma_semaphore, #tpu.memory_space<semaphore_mem>>) src(%arg8 : memref<128x64xf32, #tpu.memory_space<vmem>>) dst(%dma_wait3A_80 : memref<128x64xf32, #tpu.memory_space<vmem_shared>>)
        tpu.yield
      }) : () -> ()
      %scan3A_71 = arith.constant 0 : i32
      scf.yield %scan3A_71 : i32
    }
    %scan3A_27 = arith.constant 4 : i32
    %add3A_28 = arith.constant 512 : i32
    %add3A_29 = arith.addi %mul3A_2, %add3A_28 : i32
    "tpu.region"() ({
      %run_scoped3A_66 = tpu.sem_alloc : memref<!tpu.dma_semaphore, #tpu.memory_space<semaphore_mem>>
      %dma_start3A_67 = arith.constant 0 : i32
      %dma_start3A_68 = arith.constant 0 : i32
      %dma_start3A_69 = tpu.memref_slice %arg8[%dma_start3A_67, %dma_start3A_68] : memref<128x64xf32, #tpu.memory_space<vmem>> -> memref<120x64xf32, #tpu.memory_space<vmem>>
      %dma_start3A_70 = arith.constant 0 : i32
      %dma_start3A_71 = tpu.memref_slice %arg9[%add3A_29, %dma_start3A_70] : memref<10112x64xf32, #tpu.memory_space<vmem_shared>> -> memref<120x64xf32, #tpu.memory_space<vmem_shared>>
      %dma_start3A_72 = arith.constant 0 : i32
      %dma_start3A_73 = tpu.memref_slice %arg9[%add3A_29, %dma_start3A_72] : memref<10112x64xf32, #tpu.memory_space<vmem_shared>> -> memref<120x64xf32, #tpu.memory_space<vmem_shared>>
      %dma_start3A_74 = arith.constant 0 : i32
      %dma_start3A_75 = arith.constant 0 : i32
      %dma_start3A_76 = tpu.memref_slice %arg8[%dma_start3A_74, %dma_start3A_75] : memref<128x64xf32, #tpu.memory_space<vmem>> -> memref<120x64xf32, #tpu.memory_space<vmem>>
      tpu.enqueue_dma source(%dma_start3A_76 : memref<120x64xf32, #tpu.memory_space<vmem>>) target(%dma_start3A_73 : memref<120x64xf32, #tpu.memory_space<vmem_shared>>) target_semaphore(%run_scoped3A_66 : memref<!tpu.dma_semaphore, #tpu.memory_space<semaphore_mem>>)
      %dma_wait3A_77 = arith.constant 0 : i32
      %dma_wait3A_78 = arith.constant 0 : i32
      %dma_wait3A_79 = tpu.memref_slice %arg8[%dma_wait3A_77, %dma_wait3A_78] : memref<128x64xf32, #tpu.memory_space<vmem>> -> memref<120x64xf32, #tpu.memory_space<vmem>>
      %dma_wait3A_80 = arith.constant 0 : i32
      %dma_wait3A_81 = tpu.memref_slice %arg9[%add3A_29, %dma_wait3A_80] : memref<10112x64xf32, #tpu.memory_space<vmem_shared>> -> memref<120x64xf32, #tpu.memory_space<vmem_shared>>
      %dma_wait3A_82 = arith.constant 0 : i32
      %dma_wait3A_83 = tpu.memref_slice %arg9[%add3A_29, %dma_wait3A_82] : memref<10112x64xf32, #tpu.memory_space<vmem_shared>> -> memref<120x64xf32, #tpu.memory_space<vmem_shared>>
      %dma_wait3A_84 = arith.constant 0 : i32
      %dma_wait3A_85 = arith.constant 0 : i32
      %dma_wait3A_86 = tpu.memref_slice %arg8[%dma_wait3A_84, %dma_wait3A_85] : memref<128x64xf32, #tpu.memory_space<vmem>> -> memref<120x64xf32, #tpu.memory_space<vmem>>
      tpu.wait_dma2 semaphore(%run_scoped3A_66 : memref<!tpu.dma_semaphore, #tpu.memory_space<semaphore_mem>>) src(%dma_wait3A_86 : memref<120x64xf32, #tpu.memory_space<vmem>>) dst(%dma_wait3A_83 : memref<120x64xf32, #tpu.memory_space<vmem_shared>>)
      tpu.yield
    }) : () -> ()
    %run_scoped3A = arith.constant 0 : i32
    "tpu.region"() ({
      %run_scoped3A_66 = tpu.sem_alloc : memref<!tpu.dma_semaphore, #tpu.memory_space<semaphore_mem>>
      %dma_start3A_67 = arith.constant 0 : i32
      %dma_start3A_68 = arith.constant 0 : i32
      %dma_start3A_69 = tpu.memref_slice %arg5[%dma_start3A_67, %dma_start3A_68] : memref<79x128xi32, #tpu.memory_space<vmem>> -> memref<78x128xi32, #tpu.memory_space<vmem>>
      %dma_start3A_70 = arith.constant 0 : i32
      %dma_start3A_71 = tpu.memref_slice %arg3[%add3A_10, %run_scoped3A, %dma_start3A_70] : memref<2500x2x128xi32, #tpu.memory_space<hbm>> -> memref<78x1x128xi32, #tpu.memory_space<hbm>>
      %dma_start3A_72 = tpu.memref_squeeze %dma_start3A_71 : memref<78x1x128xi32, #tpu.memory_space<hbm>> -> memref<78x128xi32, #tpu.memory_space<hbm>>
      %dma_start3A_73 = arith.constant 0 : i32
      %dma_start3A_74 = arith.constant 0 : i32
      %dma_start3A_75 = tpu.memref_slice %arg5[%dma_start3A_73, %dma_start3A_74] : memref<79x128xi32, #tpu.memory_space<vmem>> -> memref<78x128xi32, #tpu.memory_space<vmem>>
      %dma_start3A_76 = arith.constant 0 : i32
      %dma_start3A_77 = tpu.memref_slice %arg3[%add3A_10, %run_scoped3A, %dma_start3A_76] : memref<2500x2x128xi32, #tpu.memory_space<hbm>> -> memref<78x1x128xi32, #tpu.memory_space<hbm>>
      %dma_start3A_78 = tpu.memref_squeeze %dma_start3A_77 : memref<78x1x128xi32, #tpu.memory_space<hbm>> -> memref<78x128xi32, #tpu.memory_space<hbm>>
      tpu.enqueue_dma source(%dma_start3A_78 : memref<78x128xi32, #tpu.memory_space<hbm>>) target(%dma_start3A_75 : memref<78x128xi32, #tpu.memory_space<vmem>>) target_semaphore(%run_scoped3A_66 : memref<!tpu.dma_semaphore, #tpu.memory_space<semaphore_mem>>)
      %dma_wait3A_79 = arith.constant 0 : i32
      %dma_wait3A_80 = arith.constant 0 : i32
      %dma_wait3A_81 = tpu.memref_slice %arg5[%dma_wait3A_79, %dma_wait3A_80] : memref<79x128xi32, #tpu.memory_space<vmem>> -> memref<78x128xi32, #tpu.memory_space<vmem>>
      %dma_wait3A_82 = arith.constant 0 : i32
      %dma_wait3A_83 = tpu.memref_slice %arg3[%add3A_10, %run_scoped3A, %dma_wait3A_82] : memref<2500x2x128xi32, #tpu.memory_space<hbm>> -> memref<78x1x128xi32, #tpu.memory_space<hbm>>
      %dma_wait3A_84 = tpu.memref_squeeze %dma_wait3A_83 : memref<78x1x128xi32, #tpu.memory_space<hbm>> -> memref<78x128xi32, #tpu.memory_space<hbm>>
      %dma_wait3A_85 = arith.constant 0 : i32
      %dma_wait3A_86 = arith.constant 0 : i32
      %dma_wait3A_87 = tpu.memref_slice %arg5[%dma_wait3A_85, %dma_wait3A_86] : memref<79x128xi32, #tpu.memory_space<vmem>> -> memref<78x128xi32, #tpu.memory_space<vmem>>
      %dma_wait3A_88 = arith.constant 0 : i32
      %dma_wait3A_89 = tpu.memref_slice %arg3[%add3A_10, %run_scoped3A, %dma_wait3A_88] : memref<2500x2x128xi32, #tpu.memory_space<hbm>> -> memref<78x1x128xi32, #tpu.memory_space<hbm>>
      %dma_wait3A_90 = tpu.memref_squeeze %dma_wait3A_89 : memref<78x1x128xi32, #tpu.memory_space<hbm>> -> memref<78x128xi32, #tpu.memory_space<hbm>>
      tpu.wait_dma2 semaphore(%run_scoped3A_66 : memref<!tpu.dma_semaphore, #tpu.memory_space<semaphore_mem>>) src(%dma_wait3A_90 : memref<78x128xi32, #tpu.memory_space<hbm>>) dst(%dma_wait3A_87 : memref<78x128xi32, #tpu.memory_space<vmem>>)
      tpu.yield
    }) : () -> ()
    %lt3A_30 = arith.constant 4 : i32
    %lt3A_31 = arith.cmpi slt, %add3A, %lt3A_30 : i32
    %convert_element_type3A = arith.extui %lt3A_31 : i1 to i32
    %cond3A = arith.constant 0 : i32
    %cond3A_32 = arith.cmpi ne, %convert_element_type3A, %cond3A : i32
    scf.if %cond3A_32 {
      %add3A_66 = arith.constant 78 : i32
      %add3A_67 = arith.addi %add3A_10, %add3A_66 : i32
      %run_scoped3A_68 = arith.constant 0 : i32
      %run_scoped3A_69 = arith.constant 78 : i32
      "tpu.region"() ({
        %run_scoped3A_70 = tpu.sem_alloc : memref<!tpu.dma_semaphore, #tpu.memory_space<semaphore_mem>>
        %dma_start3A_71 = arith.constant 0 : i32
        %dma_start3A_72 = tpu.memref_slice %arg5[%run_scoped3A_69, %dma_start3A_71] : memref<79x128xi32, #tpu.memory_space<vmem>> -> memref<1x128xi32, #tpu.memory_space<vmem>>
        %dma_start3A_73 = tpu.memref_squeeze %dma_start3A_72 : memref<1x128xi32, #tpu.memory_space<vmem>> -> memref<128xi32, #tpu.memory_space<vmem>>
        %dma_start3A_74 = arith.constant 0 : i32
        %dma_start3A_75 = tpu.memref_slice %arg3[%add3A_67, %run_scoped3A_68, %dma_start3A_74] : memref<2500x2x128xi32, #tpu.memory_space<hbm>> -> memref<1x1x128xi32, #tpu.memory_space<hbm>>
        %dma_start3A_76 = tpu.memref_squeeze %dma_start3A_75 : memref<1x1x128xi32, #tpu.memory_space<hbm>> -> memref<128xi32, #tpu.memory_space<hbm>>
        %dma_start3A_77 = arith.constant 0 : i32
        %dma_start3A_78 = tpu.memref_slice %arg5[%run_scoped3A_69, %dma_start3A_77] : memref<79x128xi32, #tpu.memory_space<vmem>> -> memref<1x128xi32, #tpu.memory_space<vmem>>
        %dma_start3A_79 = tpu.memref_squeeze %dma_start3A_78 : memref<1x128xi32, #tpu.memory_space<vmem>> -> memref<128xi32, #tpu.memory_space<vmem>>
        %dma_start3A_80 = arith.constant 0 : i32
        %dma_start3A_81 = tpu.memref_slice %arg3[%add3A_67, %run_scoped3A_68, %dma_start3A_80] : memref<2500x2x128xi32, #tpu.memory_space<hbm>> -> memref<1x1x128xi32, #tpu.memory_space<hbm>>
        %dma_start3A_82 = tpu.memref_squeeze %dma_start3A_81 : memref<1x1x128xi32, #tpu.memory_space<hbm>> -> memref<128xi32, #tpu.memory_space<hbm>>
        tpu.enqueue_dma source(%dma_start3A_82 : memref<128xi32, #tpu.memory_space<hbm>>) target(%dma_start3A_79 : memref<128xi32, #tpu.memory_space<vmem>>) target_semaphore(%run_scoped3A_70 : memref<!tpu.dma_semaphore, #tpu.memory_space<semaphore_mem>>)
        %dma_wait3A_83 = arith.constant 0 : i32
        %dma_wait3A_84 = tpu.memref_slice %arg5[%run_scoped3A_69, %dma_wait3A_83] : memref<79x128xi32, #tpu.memory_space<vmem>> -> memref<1x128xi32, #tpu.memory_space<vmem>>
        %dma_wait3A_85 = tpu.memref_squeeze %dma_wait3A_84 : memref<1x128xi32, #tpu.memory_space<vmem>> -> memref<128xi32, #tpu.memory_space<vmem>>
        %dma_wait3A_86 = arith.constant 0 : i32
        %dma_wait3A_87 = tpu.memref_slice %arg3[%add3A_67, %run_scoped3A_68, %dma_wait3A_86] : memref<2500x2x128xi32, #tpu.memory_space<hbm>> -> memref<1x1x128xi32, #tpu.memory_space<hbm>>
        %dma_wait3A_88 = tpu.memref_squeeze %dma_wait3A_87 : memref<1x1x128xi32, #tpu.memory_space<hbm>> -> memref<128xi32, #tpu.memory_space<hbm>>
        %dma_wait3A_89 = arith.constant 0 : i32
        %dma_wait3A_90 = tpu.memref_slice %arg5[%run_scoped3A_69, %dma_wait3A_89] : memref<79x128xi32, #tpu.memory_space<vmem>> -> memref<1x128xi32, #tpu.memory_space<vmem>>
        %dma_wait3A_91 = tpu.memref_squeeze %dma_wait3A_90 : memref<1x128xi32, #tpu.memory_space<vmem>> -> memref<128xi32, #tpu.memory_space<vmem>>
        %dma_wait3A_92 = arith.constant 0 : i32
        %dma_wait3A_93 = tpu.memref_slice %arg3[%add3A_67, %run_scoped3A_68, %dma_wait3A_92] : memref<2500x2x128xi32, #tpu.memory_space<hbm>> -> memref<1x1x128xi32, #tpu.memory_space<hbm>>
        %dma_wait3A_94 = tpu.memref_squeeze %dma_wait3A_93 : memref<1x1x128xi32, #tpu.memory_space<hbm>> -> memref<128xi32, #tpu.memory_space<hbm>>
        tpu.wait_dma2 semaphore(%run_scoped3A_70 : memref<!tpu.dma_semaphore, #tpu.memory_space<semaphore_mem>>) src(%dma_wait3A_94 : memref<128xi32, #tpu.memory_space<hbm>>) dst(%dma_wait3A_91 : memref<128xi32, #tpu.memory_space<vmem>>)
        tpu.yield
      }) : () -> ()
    } else {
    }
    %run_scoped3A_33 = arith.constant 1 : i32
    "tpu.region"() ({
      %run_scoped3A_66 = tpu.sem_alloc : memref<!tpu.dma_semaphore, #tpu.memory_space<semaphore_mem>>
      %dma_start3A_67 = arith.constant 0 : i32
      %dma_start3A_68 = arith.constant 0 : i32
      %dma_start3A_69 = tpu.memref_slice %arg6[%dma_start3A_67, %dma_start3A_68] : memref<79x128xi32, #tpu.memory_space<vmem>> -> memref<78x128xi32, #tpu.memory_space<vmem>>
      %dma_start3A_70 = arith.constant 0 : i32
      %dma_start3A_71 = tpu.memref_slice %arg3[%add3A_10, %run_scoped3A_33, %dma_start3A_70] : memref<2500x2x128xi32, #tpu.memory_space<hbm>> -> memref<78x1x128xi32, #tpu.memory_space<hbm>>
      %dma_start3A_72 = tpu.memref_squeeze %dma_start3A_71 : memref<78x1x128xi32, #tpu.memory_space<hbm>> -> memref<78x128xi32, #tpu.memory_space<hbm>>
      %dma_start3A_73 = arith.constant 0 : i32
      %dma_start3A_74 = arith.constant 0 : i32
      %dma_start3A_75 = tpu.memref_slice %arg6[%dma_start3A_73, %dma_start3A_74] : memref<79x128xi32, #tpu.memory_space<vmem>> -> memref<78x128xi32, #tpu.memory_space<vmem>>
      %dma_start3A_76 = arith.constant 0 : i32
      %dma_start3A_77 = tpu.memref_slice %arg3[%add3A_10, %run_scoped3A_33, %dma_start3A_76] : memref<2500x2x128xi32, #tpu.memory_space<hbm>> -> memref<78x1x128xi32, #tpu.memory_space<hbm>>
      %dma_start3A_78 = tpu.memref_squeeze %dma_start3A_77 : memref<78x1x128xi32, #tpu.memory_space<hbm>> -> memref<78x128xi32, #tpu.memory_space<hbm>>
      tpu.enqueue_dma source(%dma_start3A_78 : memref<78x128xi32, #tpu.memory_space<hbm>>) target(%dma_start3A_75 : memref<78x128xi32, #tpu.memory_space<vmem>>) target_semaphore(%run_scoped3A_66 : memref<!tpu.dma_semaphore, #tpu.memory_space<semaphore_mem>>)
      %dma_wait3A_79 = arith.constant 0 : i32
      %dma_wait3A_80 = arith.constant 0 : i32
      %dma_wait3A_81 = tpu.memref_slice %arg6[%dma_wait3A_79, %dma_wait3A_80] : memref<79x128xi32, #tpu.memory_space<vmem>> -> memref<78x128xi32, #tpu.memory_space<vmem>>
      %dma_wait3A_82 = arith.constant 0 : i32
      %dma_wait3A_83 = tpu.memref_slice %arg3[%add3A_10, %run_scoped3A_33, %dma_wait3A_82] : memref<2500x2x128xi32, #tpu.memory_space<hbm>> -> memref<78x1x128xi32, #tpu.memory_space<hbm>>
      %dma_wait3A_84 = tpu.memref_squeeze %dma_wait3A_83 : memref<78x1x128xi32, #tpu.memory_space<hbm>> -> memref<78x128xi32, #tpu.memory_space<hbm>>
      %dma_wait3A_85 = arith.constant 0 : i32
      %dma_wait3A_86 = arith.constant 0 : i32
      %dma_wait3A_87 = tpu.memref_slice %arg6[%dma_wait3A_85, %dma_wait3A_86] : memref<79x128xi32, #tpu.memory_space<vmem>> -> memref<78x128xi32, #tpu.memory_space<vmem>>
      %dma_wait3A_88 = arith.constant 0 : i32
      %dma_wait3A_89 = tpu.memref_slice %arg3[%add3A_10, %run_scoped3A_33, %dma_wait3A_88] : memref<2500x2x128xi32, #tpu.memory_space<hbm>> -> memref<78x1x128xi32, #tpu.memory_space<hbm>>
      %dma_wait3A_90 = tpu.memref_squeeze %dma_wait3A_89 : memref<78x1x128xi32, #tpu.memory_space<hbm>> -> memref<78x128xi32, #tpu.memory_space<hbm>>
      tpu.wait_dma2 semaphore(%run_scoped3A_66 : memref<!tpu.dma_semaphore, #tpu.memory_space<semaphore_mem>>) src(%dma_wait3A_90 : memref<78x128xi32, #tpu.memory_space<hbm>>) dst(%dma_wait3A_87 : memref<78x128xi32, #tpu.memory_space<vmem>>)
      tpu.yield
    }) : () -> ()
    %lt3A_34 = arith.constant 4 : i32
    %lt3A_35 = arith.cmpi slt, %add3A, %lt3A_34 : i32
    %convert_element_type3A_36 = arith.extui %lt3A_35 : i1 to i32
    %cond3A_37 = arith.constant 0 : i32
    %cond3A_38 = arith.cmpi ne, %convert_element_type3A_36, %cond3A_37 : i32
    scf.if %cond3A_38 {
      %add3A_66 = arith.constant 78 : i32
      %add3A_67 = arith.addi %add3A_10, %add3A_66 : i32
      %run_scoped3A_68 = arith.constant 1 : i32
      %run_scoped3A_69 = arith.constant 78 : i32
      "tpu.region"() ({
        %run_scoped3A_70 = tpu.sem_alloc : memref<!tpu.dma_semaphore, #tpu.memory_space<semaphore_mem>>
        %dma_start3A_71 = arith.constant 0 : i32
        %dma_start3A_72 = tpu.memref_slice %arg6[%run_scoped3A_69, %dma_start3A_71] : memref<79x128xi32, #tpu.memory_space<vmem>> -> memref<1x128xi32, #tpu.memory_space<vmem>>
        %dma_start3A_73 = tpu.memref_squeeze %dma_start3A_72 : memref<1x128xi32, #tpu.memory_space<vmem>> -> memref<128xi32, #tpu.memory_space<vmem>>
        %dma_start3A_74 = arith.constant 0 : i32
        %dma_start3A_75 = tpu.memref_slice %arg3[%add3A_67, %run_scoped3A_68, %dma_start3A_74] : memref<2500x2x128xi32, #tpu.memory_space<hbm>> -> memref<1x1x128xi32, #tpu.memory_space<hbm>>
        %dma_start3A_76 = tpu.memref_squeeze %dma_start3A_75 : memref<1x1x128xi32, #tpu.memory_space<hbm>> -> memref<128xi32, #tpu.memory_space<hbm>>
        %dma_start3A_77 = arith.constant 0 : i32
        %dma_start3A_78 = tpu.memref_slice %arg6[%run_scoped3A_69, %dma_start3A_77] : memref<79x128xi32, #tpu.memory_space<vmem>> -> memref<1x128xi32, #tpu.memory_space<vmem>>
        %dma_start3A_79 = tpu.memref_squeeze %dma_start3A_78 : memref<1x128xi32, #tpu.memory_space<vmem>> -> memref<128xi32, #tpu.memory_space<vmem>>
        %dma_start3A_80 = arith.constant 0 : i32
        %dma_start3A_81 = tpu.memref_slice %arg3[%add3A_67, %run_scoped3A_68, %dma_start3A_80] : memref<2500x2x128xi32, #tpu.memory_space<hbm>> -> memref<1x1x128xi32, #tpu.memory_space<hbm>>
        %dma_start3A_82 = tpu.memref_squeeze %dma_start3A_81 : memref<1x1x128xi32, #tpu.memory_space<hbm>> -> memref<128xi32, #tpu.memory_space<hbm>>
        tpu.enqueue_dma source(%dma_start3A_82 : memref<128xi32, #tpu.memory_space<hbm>>) target(%dma_start3A_79 : memref<128xi32, #tpu.memory_space<vmem>>) target_semaphore(%run_scoped3A_70 : memref<!tpu.dma_semaphore, #tpu.memory_space<semaphore_mem>>)
        %dma_wait3A_83 = arith.constant 0 : i32
        %dma_wait3A_84 = tpu.memref_slice %arg6[%run_scoped3A_69, %dma_wait3A_83] : memref<79x128xi32, #tpu.memory_space<vmem>> -> memref<1x128xi32, #tpu.memory_space<vmem>>
        %dma_wait3A_85 = tpu.memref_squeeze %dma_wait3A_84 : memref<1x128xi32, #tpu.memory_space<vmem>> -> memref<128xi32, #tpu.memory_space<vmem>>
        %dma_wait3A_86 = arith.constant 0 : i32
        %dma_wait3A_87 = tpu.memref_slice %arg3[%add3A_67, %run_scoped3A_68, %dma_wait3A_86] : memref<2500x2x128xi32, #tpu.memory_space<hbm>> -> memref<1x1x128xi32, #tpu.memory_space<hbm>>
        %dma_wait3A_88 = tpu.memref_squeeze %dma_wait3A_87 : memref<1x1x128xi32, #tpu.memory_space<hbm>> -> memref<128xi32, #tpu.memory_space<hbm>>
        %dma_wait3A_89 = arith.constant 0 : i32
        %dma_wait3A_90 = tpu.memref_slice %arg6[%run_scoped3A_69, %dma_wait3A_89] : memref<79x128xi32, #tpu.memory_space<vmem>> -> memref<1x128xi32, #tpu.memory_space<vmem>>
        %dma_wait3A_91 = tpu.memref_squeeze %dma_wait3A_90 : memref<1x128xi32, #tpu.memory_space<vmem>> -> memref<128xi32, #tpu.memory_space<vmem>>
        %dma_wait3A_92 = arith.constant 0 : i32
        %dma_wait3A_93 = tpu.memref_slice %arg3[%add3A_67, %run_scoped3A_68, %dma_wait3A_92] : memref<2500x2x128xi32, #tpu.memory_space<hbm>> -> memref<1x1x128xi32, #tpu.memory_space<hbm>>
        %dma_wait3A_94 = tpu.memref_squeeze %dma_wait3A_93 : memref<1x1x128xi32, #tpu.memory_space<hbm>> -> memref<128xi32, #tpu.memory_space<hbm>>
        tpu.wait_dma2 semaphore(%run_scoped3A_70 : memref<!tpu.dma_semaphore, #tpu.memory_space<semaphore_mem>>) src(%dma_wait3A_94 : memref<128xi32, #tpu.memory_space<hbm>>) dst(%dma_wait3A_91 : memref<128xi32, #tpu.memory_space<vmem>>)
        tpu.yield
      }) : () -> ()
    } else {
    }
    %dma_wait3A = arith.constant 0 : i32
    %dma_wait3A_39 = tpu.memref_slice %arg10[%mul3A_2, %dma_wait3A] : memref<10112x64xf32, #tpu.memory_space<vmem_shared>> -> memref<632x64xf32, #tpu.memory_space<vmem_shared>>
    %dma_wait3A_40 = arith.constant 0 : i32
    %dma_wait3A_41 = tpu.memref_slice %arg2[%mul3A_2, %dma_wait3A_40] : memref<10112x128xf32, #tpu.memory_space<hbm>> -> memref<632x64xf32, #tpu.memory_space<hbm>>
    tpu.wait_dma2 semaphore(%arg12 : memref<!tpu.dma_semaphore, #tpu.memory_space<semaphore_mem>>) src(%dma_wait3A_41 : memref<632x64xf32, #tpu.memory_space<hbm>>) dst(%dma_wait3A_39 : memref<632x64xf32, #tpu.memory_space<vmem_shared>>)
    %barrier3A = arith.constant 0 : index
    tpu.barrier barrier_id(%barrier3A)
    %dma_start3A_42 = arith.constant 0 : i32
    %dma_start3A_43 = arith.constant 0 : i32
    %dma_start3A_44 = arith.constant 0 : i32
    %dma_start3A_45 = arith.constant 0 : i32
    %dma_start3A_46 = tpu.memref_slice %arg7[%dma_start3A_43, %dma_start3A_44, %dma_start3A_45] : memref<2x128x64xf32, #tpu.memory_space<vmem>> -> memref<1x128x64xf32, #tpu.memory_space<vmem>>
    %dma_start3A_47 = tpu.memref_squeeze %dma_start3A_46 : memref<1x128x64xf32, #tpu.memory_space<vmem>> -> memref<128x64xf32, #tpu.memory_space<vmem>>
    %dma_start3A_48 = arith.constant 0 : i32
    %dma_start3A_49 = tpu.memref_slice %arg5[%dma_start3A_42, %dma_start3A_48] : memref<79x128xi32, #tpu.memory_space<vmem>> -> memref<1x128xi32, #tpu.memory_space<vmem>>
    %dma_start3A_50 = tpu.memref_squeeze %dma_start3A_49 : memref<1x128xi32, #tpu.memory_space<vmem>> -> memref<128xi32, #tpu.memory_space<vmem>>
    %dma_start3A_51 = arith.constant 0 : i32
    %dma_start3A_52 = arith.constant 0 : i32
    %dma_start3A_53 = tpu.memref_slice %arg10[%dma_start3A_51, %dma_start3A_52] : memref<10112x64xf32, #tpu.memory_space<vmem_shared>> -> memref<10112x64xf32, #tpu.memory_space<vmem_shared>>
    tpu.enqueue_indirect_dma source(%dma_start3A_53 : memref<10112x64xf32, #tpu.memory_space<vmem_shared>>) target(%dma_start3A_47 : memref<128x64xf32, #tpu.memory_space<vmem>>) offsets(%dma_start3A_50 : memref<128xi32, #tpu.memory_space<vmem>>) semaphore(%arg11 : memref<!tpu.dma_semaphore, #tpu.memory_space<semaphore_mem>>)
    %while3A = arith.constant 0 : i32
    %while3A_54 = arith.constant 0 : i32
    %while3A_55 = arith.subi %add3A_6, %while3A : i32
    %while3A_56 = arith.addi %while3A, %while3A_55 : i32
    %while3A_57 = arith.constant 1 : i32
    %while3A_58 = arith.divsi %while3A_55, %while3A_57 : i32
    %while3A_59 = arith.muli %while3A_58, %while3A_57 : i32
    %while3A_60 = arith.addi %while3A, %while3A_59 : i32
    %while3A_61 = arith.constant 1 : i32
    %while3A_62 = scf.for %while3A_66 = %while3A to %while3A_60 step %while3A_61 iter_args(%while3A_67 = %while3A_54) -> (i32)  : i32 {
      %jit3A_68 = arith.constant 2 : i32
      %eq3A = arith.constant 0 : i32
      %eq3A_69 = arith.cmpi eq, %jit3A_68, %eq3A : i32
      %jit3A_70 = arith.constant 1 : i32
      %select_n3A_71 = arith.select %eq3A_69, %jit3A_70, %jit3A_68 : i32
      %rem3A = arith.remsi %while3A_66, %select_n3A_71 : i32
      %ne3A = arith.constant 0 : i32
      %ne3A_72 = arith.cmpi ne, %rem3A, %ne3A : i32
      %lt3A_73 = arith.constant 0 : i32
      %lt3A_74 = arith.cmpi slt, %rem3A, %lt3A_73 : i32
      %lt3A_75 = arith.constant 0 : i32
      %lt3A_76 = arith.cmpi slt, %select_n3A_71, %lt3A_75 : i32
      %ne3A_77 = arith.xori %lt3A_74, %lt3A_76 : i1
      %and3A = arith.andi %ne3A_77, %ne3A_72 : i1
      %add3A_78 = arith.addi %rem3A, %select_n3A_71 : i32
      %select_n3A_79 = arith.select %and3A, %add3A_78, %rem3A : i32
      %eq3A_80 = arith.constant 0 : i32
      %eq3A_81 = arith.cmpi eq, %select_n3A_79, %eq3A_80 : i32
      %convert_element_type3A_82 = arith.extui %eq3A_81 : i1 to i32
      %cond3A_83 = arith.constant 0 : i32
      %cond3A_84 = arith.cmpi ne, %convert_element_type3A_82, %cond3A_83 : i32
      scf.if %cond3A_84 {
        %dma_wait3A_97 = arith.constant 0 : i32
        %dma_wait3A_98 = arith.constant 0 : i32
        %dma_wait3A_99 = arith.constant 0 : i32
        %dma_wait3A_100 = tpu.memref_slice %arg7[%dma_wait3A_97, %dma_wait3A_98, %dma_wait3A_99] : memref<2x128x64xf32, #tpu.memory_space<vmem>> -> memref<1x128x64xf32, #tpu.memory_space<vmem>>
        %dma_wait3A_101 = tpu.memref_squeeze %dma_wait3A_100 : memref<1x128x64xf32, #tpu.memory_space<vmem>> -> memref<128x64xf32, #tpu.memory_space<vmem>>
        %dma_wait3A_102 = arith.constant 0 : i32
        %dma_wait3A_103 = tpu.memref_slice %arg5[%while3A_66, %dma_wait3A_102] : memref<79x128xi32, #tpu.memory_space<vmem>> -> memref<1x128xi32, #tpu.memory_space<vmem>>
        %dma_wait3A_104 = tpu.memref_squeeze %dma_wait3A_103 : memref<1x128xi32, #tpu.memory_space<vmem>> -> memref<128xi32, #tpu.memory_space<vmem>>
        %dma_wait3A_105 = arith.constant 0 : i32
        %dma_wait3A_106 = arith.constant 0 : i32
        %dma_wait3A_107 = tpu.memref_slice %arg10[%dma_wait3A_105, %dma_wait3A_106] : memref<10112x64xf32, #tpu.memory_space<vmem_shared>> -> memref<10112x64xf32, #tpu.memory_space<vmem_shared>>
        tpu.wait_indirect_dma semaphore(%arg11 : memref<!tpu.dma_semaphore, #tpu.memory_space<semaphore_mem>>) src(%dma_wait3A_107 : memref<10112x64xf32, #tpu.memory_space<vmem_shared>>) dst(%dma_wait3A_101 : memref<128x64xf32, #tpu.memory_space<vmem>>)
      } else {
      }
      %eq3A_85 = arith.constant 1 : i32
      %eq3A_86 = arith.cmpi eq, %select_n3A_79, %eq3A_85 : i32
      %convert_element_type3A_87 = arith.extui %eq3A_86 : i1 to i32
      %cond3A_88 = arith.constant 0 : i32
      %cond3A_89 = arith.cmpi ne, %convert_element_type3A_87, %cond3A_88 : i32
      scf.if %cond3A_89 {
        %dma_wait3A_97 = arith.constant 1 : i32
        %dma_wait3A_98 = arith.constant 0 : i32
        %dma_wait3A_99 = arith.constant 0 : i32
        %dma_wait3A_100 = tpu.memref_slice %arg7[%dma_wait3A_97, %dma_wait3A_98, %dma_wait3A_99] : memref<2x128x64xf32, #tpu.memory_space<vmem>> -> memref<1x128x64xf32, #tpu.memory_space<vmem>>
        %dma_wait3A_101 = tpu.memref_squeeze %dma_wait3A_100 : memref<1x128x64xf32, #tpu.memory_space<vmem>> -> memref<128x64xf32, #tpu.memory_space<vmem>>
        %dma_wait3A_102 = arith.constant 0 : i32
        %dma_wait3A_103 = tpu.memref_slice %arg5[%while3A_66, %dma_wait3A_102] : memref<79x128xi32, #tpu.memory_space<vmem>> -> memref<1x128xi32, #tpu.memory_space<vmem>>
        %dma_wait3A_104 = tpu.memref_squeeze %dma_wait3A_103 : memref<1x128xi32, #tpu.memory_space<vmem>> -> memref<128xi32, #tpu.memory_space<vmem>>
        %dma_wait3A_105 = arith.constant 0 : i32
        %dma_wait3A_106 = arith.constant 0 : i32
        %dma_wait3A_107 = tpu.memref_slice %arg10[%dma_wait3A_105, %dma_wait3A_106] : memref<10112x64xf32, #tpu.memory_space<vmem_shared>> -> memref<10112x64xf32, #tpu.memory_space<vmem_shared>>
        tpu.wait_indirect_dma semaphore(%arg12 : memref<!tpu.dma_semaphore, #tpu.memory_space<semaphore_mem>>) src(%dma_wait3A_107 : memref<10112x64xf32, #tpu.memory_space<vmem_shared>>) dst(%dma_wait3A_101 : memref<128x64xf32, #tpu.memory_space<vmem>>)
      } else {
      }
      %add3A_90 = arith.constant 1 : i32
      %add3A_91 = arith.addi %while3A_66, %add3A_90 : i32
      %lt3A_92 = arith.cmpi slt, %add3A_91, %add3A_6 : i32
      %convert_element_type3A_93 = arith.extui %lt3A_92 : i1 to i32
      %cond3A_94 = arith.constant 0 : i32
      %cond3A_95 = arith.cmpi ne, %convert_element_type3A_93, %cond3A_94 : i32
      scf.if %cond3A_95 {
        %add3A_97 = arith.constant 1 : i32
        %add3A_98 = arith.addi %while3A_66, %add3A_97 : i32
        %jit3A_99 = arith.constant 2 : i32
        %eq3A_100 = arith.constant 0 : i32
        %eq3A_101 = arith.cmpi eq, %jit3A_99, %eq3A_100 : i32
        %jit3A_102 = arith.constant 1 : i32
        %select_n3A_103 = arith.select %eq3A_101, %jit3A_102, %jit3A_99 : i32
        %rem3A_104 = arith.remsi %add3A_98, %select_n3A_103 : i32
        %ne3A_105 = arith.constant 0 : i32
        %ne3A_106 = arith.cmpi ne, %rem3A_104, %ne3A_105 : i32
        %lt3A_107 = arith.constant 0 : i32
        %lt3A_108 = arith.cmpi slt, %rem3A_104, %lt3A_107 : i32
        %lt3A_109 = arith.constant 0 : i32
        %lt3A_110 = arith.cmpi slt, %select_n3A_103, %lt3A_109 : i32
        %ne3A_111 = arith.xori %lt3A_108, %lt3A_110 : i1
        %and3A_112 = arith.andi %ne3A_111, %ne3A_106 : i1
        %add3A_113 = arith.addi %rem3A_104, %select_n3A_103 : i32
        %select_n3A_114 = arith.select %and3A_112, %add3A_113, %rem3A_104 : i32
        %eq3A_115 = arith.constant 0 : i32
        %eq3A_116 = arith.cmpi eq, %select_n3A_114, %eq3A_115 : i32
        %convert_element_type3A_117 = arith.extui %eq3A_116 : i1 to i32
        %cond3A_118 = arith.constant 0 : i32
        %cond3A_119 = arith.cmpi ne, %convert_element_type3A_117, %cond3A_118 : i32
        scf.if %cond3A_119 {
          %add3A_125 = arith.constant 1 : i32
          %add3A_126 = arith.addi %while3A_66, %add3A_125 : i32
          %dma_start3A_127 = arith.constant 0 : i32
          %dma_start3A_128 = arith.constant 0 : i32
          %dma_start3A_129 = arith.constant 0 : i32
          %dma_start3A_130 = tpu.memref_slice %arg7[%dma_start3A_127, %dma_start3A_128, %dma_start3A_129] : memref<2x128x64xf32, #tpu.memory_space<vmem>> -> memref<1x128x64xf32, #tpu.memory_space<vmem>>
          %dma_start3A_131 = tpu.memref_squeeze %dma_start3A_130 : memref<1x128x64xf32, #tpu.memory_space<vmem>> -> memref<128x64xf32, #tpu.memory_space<vmem>>
          %dma_start3A_132 = arith.constant 0 : i32
          %dma_start3A_133 = tpu.memref_slice %arg5[%add3A_126, %dma_start3A_132] : memref<79x128xi32, #tpu.memory_space<vmem>> -> memref<1x128xi32, #tpu.memory_space<vmem>>
          %dma_start3A_134 = tpu.memref_squeeze %dma_start3A_133 : memref<1x128xi32, #tpu.memory_space<vmem>> -> memref<128xi32, #tpu.memory_space<vmem>>
          %dma_start3A_135 = arith.constant 0 : i32
          %dma_start3A_136 = arith.constant 0 : i32
          %dma_start3A_137 = tpu.memref_slice %arg10[%dma_start3A_135, %dma_start3A_136] : memref<10112x64xf32, #tpu.memory_space<vmem_shared>> -> memref<10112x64xf32, #tpu.memory_space<vmem_shared>>
          tpu.enqueue_indirect_dma source(%dma_start3A_137 : memref<10112x64xf32, #tpu.memory_space<vmem_shared>>) target(%dma_start3A_131 : memref<128x64xf32, #tpu.memory_space<vmem>>) offsets(%dma_start3A_134 : memref<128xi32, #tpu.memory_space<vmem>>) semaphore(%arg11 : memref<!tpu.dma_semaphore, #tpu.memory_space<semaphore_mem>>)
        } else {
        }
        %eq3A_120 = arith.constant 1 : i32
        %eq3A_121 = arith.cmpi eq, %select_n3A_114, %eq3A_120 : i32
        %convert_element_type3A_122 = arith.extui %eq3A_121 : i1 to i32
        %cond3A_123 = arith.constant 0 : i32
        %cond3A_124 = arith.cmpi ne, %convert_element_type3A_122, %cond3A_123 : i32
        scf.if %cond3A_124 {
          %add3A_125 = arith.constant 1 : i32
          %add3A_126 = arith.addi %while3A_66, %add3A_125 : i32
          %dma_start3A_127 = arith.constant 1 : i32
          %dma_start3A_128 = arith.constant 0 : i32
          %dma_start3A_129 = arith.constant 0 : i32
          %dma_start3A_130 = tpu.memref_slice %arg7[%dma_start3A_127, %dma_start3A_128, %dma_start3A_129] : memref<2x128x64xf32, #tpu.memory_space<vmem>> -> memref<1x128x64xf32, #tpu.memory_space<vmem>>
          %dma_start3A_131 = tpu.memref_squeeze %dma_start3A_130 : memref<1x128x64xf32, #tpu.memory_space<vmem>> -> memref<128x64xf32, #tpu.memory_space<vmem>>
          %dma_start3A_132 = arith.constant 0 : i32
          %dma_start3A_133 = tpu.memref_slice %arg5[%add3A_126, %dma_start3A_132] : memref<79x128xi32, #tpu.memory_space<vmem>> -> memref<1x128xi32, #tpu.memory_space<vmem>>
          %dma_start3A_134 = tpu.memref_squeeze %dma_start3A_133 : memref<1x128xi32, #tpu.memory_space<vmem>> -> memref<128xi32, #tpu.memory_space<vmem>>
          %dma_start3A_135 = arith.constant 0 : i32
          %dma_start3A_136 = arith.constant 0 : i32
          %dma_start3A_137 = tpu.memref_slice %arg10[%dma_start3A_135, %dma_start3A_136] : memref<10112x64xf32, #tpu.memory_space<vmem_shared>> -> memref<10112x64xf32, #tpu.memory_space<vmem_shared>>
          tpu.enqueue_indirect_dma source(%dma_start3A_137 : memref<10112x64xf32, #tpu.memory_space<vmem_shared>>) target(%dma_start3A_131 : memref<128x64xf32, #tpu.memory_space<vmem>>) offsets(%dma_start3A_134 : memref<128xi32, #tpu.memory_space<vmem>>) semaphore(%arg12 : memref<!tpu.dma_semaphore, #tpu.memory_space<semaphore_mem>>)
        } else {
        }
      } else {
      }
      "tpu.region"() ({
        %run_scoped3A_97 = tpu.sem_alloc : memref<!tpu.dma_semaphore, #tpu.memory_space<semaphore_mem>>
        %dma_start3A_98 = arith.constant 0 : i32
        %dma_start3A_99 = arith.constant 0 : i32
        %dma_start3A_100 = tpu.memref_slice %arg7[%select_n3A_79, %dma_start3A_98, %dma_start3A_99] : memref<2x128x64xf32, #tpu.memory_space<vmem>> -> memref<1x128x64xf32, #tpu.memory_space<vmem>>
        %dma_start3A_101 = tpu.memref_squeeze %dma_start3A_100 : memref<1x128x64xf32, #tpu.memory_space<vmem>> -> memref<128x64xf32, #tpu.memory_space<vmem>>
        %dma_start3A_102 = arith.constant 0 : i32
        %dma_start3A_103 = tpu.memref_slice %arg6[%while3A_66, %dma_start3A_102] : memref<79x128xi32, #tpu.memory_space<vmem>> -> memref<1x128xi32, #tpu.memory_space<vmem>>
        %dma_start3A_104 = tpu.memref_squeeze %dma_start3A_103 : memref<1x128xi32, #tpu.memory_space<vmem>> -> memref<128xi32, #tpu.memory_space<vmem>>
        %dma_start3A_105 = arith.constant 0 : i32
        %dma_start3A_106 = arith.constant 0 : i32
        %dma_start3A_107 = tpu.memref_slice %arg9[%dma_start3A_105, %dma_start3A_106] : memref<10112x64xf32, #tpu.memory_space<vmem_shared>> -> memref<10112x64xf32, #tpu.memory_space<vmem_shared>>
        tpu.enqueue_indirect_dma source(%dma_start3A_101 : memref<128x64xf32, #tpu.memory_space<vmem>>) target(%dma_start3A_107 : memref<10112x64xf32, #tpu.memory_space<vmem_shared>>) offsets(%dma_start3A_104 : memref<128xi32, #tpu.memory_space<vmem>>) semaphore(%run_scoped3A_97 : memref<!tpu.dma_semaphore, #tpu.memory_space<semaphore_mem>>) {add = true}
        %dma_wait3A_108 = arith.constant 0 : i32
        %dma_wait3A_109 = arith.constant 0 : i32
        %dma_wait3A_110 = tpu.memref_slice %arg7[%select_n3A_79, %dma_wait3A_108, %dma_wait3A_109] : memref<2x128x64xf32, #tpu.memory_space<vmem>> -> memref<1x128x64xf32, #tpu.memory_space<vmem>>
        %dma_wait3A_111 = tpu.memref_squeeze %dma_wait3A_110 : memref<1x128x64xf32, #tpu.memory_space<vmem>> -> memref<128x64xf32, #tpu.memory_space<vmem>>
        %dma_wait3A_112 = arith.constant 0 : i32
        %dma_wait3A_113 = tpu.memref_slice %arg6[%while3A_66, %dma_wait3A_112] : memref<79x128xi32, #tpu.memory_space<vmem>> -> memref<1x128xi32, #tpu.memory_space<vmem>>
        %dma_wait3A_114 = tpu.memref_squeeze %dma_wait3A_113 : memref<1x128xi32, #tpu.memory_space<vmem>> -> memref<128xi32, #tpu.memory_space<vmem>>
        %dma_wait3A_115 = arith.constant 0 : i32
        %dma_wait3A_116 = arith.constant 0 : i32
        %dma_wait3A_117 = tpu.memref_slice %arg9[%dma_wait3A_115, %dma_wait3A_116] : memref<10112x64xf32, #tpu.memory_space<vmem_shared>> -> memref<10112x64xf32, #tpu.memory_space<vmem_shared>>
        tpu.wait_indirect_dma semaphore(%run_scoped3A_97 : memref<!tpu.dma_semaphore, #tpu.memory_space<semaphore_mem>>) src(%dma_wait3A_111 : memref<128x64xf32, #tpu.memory_space<vmem>>) dst(%dma_wait3A_117 : memref<10112x64xf32, #tpu.memory_space<vmem_shared>>)
        tpu.yield
      }) : () -> ()
      %while3A_96 = arith.constant 0 : i32
      scf.yield %while3A_96 : i32
    }
    %while3A_63 = arith.constant 1 : i32
    %while3A_64 = scf.for %while3A_66 = %while3A_60 to %while3A_56 step %while3A_63 iter_args(%while3A_67 = %while3A_62) -> (i32)  : i32 {
      %jit3A_68 = arith.constant 2 : i32
      %eq3A = arith.constant 0 : i32
      %eq3A_69 = arith.cmpi eq, %jit3A_68, %eq3A : i32
      %jit3A_70 = arith.constant 1 : i32
      %select_n3A_71 = arith.select %eq3A_69, %jit3A_70, %jit3A_68 : i32
      %rem3A = arith.remsi %while3A_66, %select_n3A_71 : i32
      %ne3A = arith.constant 0 : i32
      %ne3A_72 = arith.cmpi ne, %rem3A, %ne3A : i32
      %lt3A_73 = arith.constant 0 : i32
      %lt3A_74 = arith.cmpi slt, %rem3A, %lt3A_73 : i32
      %lt3A_75 = arith.constant 0 : i32
      %lt3A_76 = arith.cmpi slt, %select_n3A_71, %lt3A_75 : i32
      %ne3A_77 = arith.xori %lt3A_74, %lt3A_76 : i1
      %and3A = arith.andi %ne3A_77, %ne3A_72 : i1
      %add3A_78 = arith.addi %rem3A, %select_n3A_71 : i32
      %select_n3A_79 = arith.select %and3A, %add3A_78, %rem3A : i32
      %eq3A_80 = arith.constant 0 : i32
      %eq3A_81 = arith.cmpi eq, %select_n3A_79, %eq3A_80 : i32
      %convert_element_type3A_82 = arith.extui %eq3A_81 : i1 to i32
      %cond3A_83 = arith.constant 0 : i32
      %cond3A_84 = arith.cmpi ne, %convert_element_type3A_82, %cond3A_83 : i32
      scf.if %cond3A_84 {
        %dma_wait3A_97 = arith.constant 0 : i32
        %dma_wait3A_98 = arith.constant 0 : i32
        %dma_wait3A_99 = arith.constant 0 : i32
        %dma_wait3A_100 = tpu.memref_slice %arg7[%dma_wait3A_97, %dma_wait3A_98, %dma_wait3A_99] : memref<2x128x64xf32, #tpu.memory_space<vmem>> -> memref<1x128x64xf32, #tpu.memory_space<vmem>>
        %dma_wait3A_101 = tpu.memref_squeeze %dma_wait3A_100 : memref<1x128x64xf32, #tpu.memory_space<vmem>> -> memref<128x64xf32, #tpu.memory_space<vmem>>
        %dma_wait3A_102 = arith.constant 0 : i32
        %dma_wait3A_103 = tpu.memref_slice %arg5[%while3A_66, %dma_wait3A_102] : memref<79x128xi32, #tpu.memory_space<vmem>> -> memref<1x128xi32, #tpu.memory_space<vmem>>
        %dma_wait3A_104 = tpu.memref_squeeze %dma_wait3A_103 : memref<1x128xi32, #tpu.memory_space<vmem>> -> memref<128xi32, #tpu.memory_space<vmem>>
        %dma_wait3A_105 = arith.constant 0 : i32
        %dma_wait3A_106 = arith.constant 0 : i32
        %dma_wait3A_107 = tpu.memref_slice %arg10[%dma_wait3A_105, %dma_wait3A_106] : memref<10112x64xf32, #tpu.memory_space<vmem_shared>> -> memref<10112x64xf32, #tpu.memory_space<vmem_shared>>
        tpu.wait_indirect_dma semaphore(%arg11 : memref<!tpu.dma_semaphore, #tpu.memory_space<semaphore_mem>>) src(%dma_wait3A_107 : memref<10112x64xf32, #tpu.memory_space<vmem_shared>>) dst(%dma_wait3A_101 : memref<128x64xf32, #tpu.memory_space<vmem>>)
      } else {
      }
      %eq3A_85 = arith.constant 1 : i32
      %eq3A_86 = arith.cmpi eq, %select_n3A_79, %eq3A_85 : i32
      %convert_element_type3A_87 = arith.extui %eq3A_86 : i1 to i32
      %cond3A_88 = arith.constant 0 : i32
      %cond3A_89 = arith.cmpi ne, %convert_element_type3A_87, %cond3A_88 : i32
      scf.if %cond3A_89 {
        %dma_wait3A_97 = arith.constant 1 : i32
        %dma_wait3A_98 = arith.constant 0 : i32
        %dma_wait3A_99 = arith.constant 0 : i32
        %dma_wait3A_100 = tpu.memref_slice %arg7[%dma_wait3A_97, %dma_wait3A_98, %dma_wait3A_99] : memref<2x128x64xf32, #tpu.memory_space<vmem>> -> memref<1x128x64xf32, #tpu.memory_space<vmem>>
        %dma_wait3A_101 = tpu.memref_squeeze %dma_wait3A_100 : memref<1x128x64xf32, #tpu.memory_space<vmem>> -> memref<128x64xf32, #tpu.memory_space<vmem>>
        %dma_wait3A_102 = arith.constant 0 : i32
        %dma_wait3A_103 = tpu.memref_slice %arg5[%while3A_66, %dma_wait3A_102] : memref<79x128xi32, #tpu.memory_space<vmem>> -> memref<1x128xi32, #tpu.memory_space<vmem>>
        %dma_wait3A_104 = tpu.memref_squeeze %dma_wait3A_103 : memref<1x128xi32, #tpu.memory_space<vmem>> -> memref<128xi32, #tpu.memory_space<vmem>>
        %dma_wait3A_105 = arith.constant 0 : i32
        %dma_wait3A_106 = arith.constant 0 : i32
        %dma_wait3A_107 = tpu.memref_slice %arg10[%dma_wait3A_105, %dma_wait3A_106] : memref<10112x64xf32, #tpu.memory_space<vmem_shared>> -> memref<10112x64xf32, #tpu.memory_space<vmem_shared>>
        tpu.wait_indirect_dma semaphore(%arg12 : memref<!tpu.dma_semaphore, #tpu.memory_space<semaphore_mem>>) src(%dma_wait3A_107 : memref<10112x64xf32, #tpu.memory_space<vmem_shared>>) dst(%dma_wait3A_101 : memref<128x64xf32, #tpu.memory_space<vmem>>)
      } else {
      }
      %add3A_90 = arith.constant 1 : i32
      %add3A_91 = arith.addi %while3A_66, %add3A_90 : i32
      %lt3A_92 = arith.cmpi slt, %add3A_91, %add3A_6 : i32
      %convert_element_type3A_93 = arith.extui %lt3A_92 : i1 to i32
      %cond3A_94 = arith.constant 0 : i32
      %cond3A_95 = arith.cmpi ne, %convert_element_type3A_93, %cond3A_94 : i32
      scf.if %cond3A_95 {
        %add3A_97 = arith.constant 1 : i32
        %add3A_98 = arith.addi %while3A_66, %add3A_97 : i32
        %jit3A_99 = arith.constant 2 : i32
        %eq3A_100 = arith.constant 0 : i32
        %eq3A_101 = arith.cmpi eq, %jit3A_99, %eq3A_100 : i32
        %jit3A_102 = arith.constant 1 : i32
        %select_n3A_103 = arith.select %eq3A_101, %jit3A_102, %jit3A_99 : i32
        %rem3A_104 = arith.remsi %add3A_98, %select_n3A_103 : i32
        %ne3A_105 = arith.constant 0 : i32
        %ne3A_106 = arith.cmpi ne, %rem3A_104, %ne3A_105 : i32
        %lt3A_107 = arith.constant 0 : i32
        %lt3A_108 = arith.cmpi slt, %rem3A_104, %lt3A_107 : i32
        %lt3A_109 = arith.constant 0 : i32
        %lt3A_110 = arith.cmpi slt, %select_n3A_103, %lt3A_109 : i32
        %ne3A_111 = arith.xori %lt3A_108, %lt3A_110 : i1
        %and3A_112 = arith.andi %ne3A_111, %ne3A_106 : i1
        %add3A_113 = arith.addi %rem3A_104, %select_n3A_103 : i32
        %select_n3A_114 = arith.select %and3A_112, %add3A_113, %rem3A_104 : i32
        %eq3A_115 = arith.constant 0 : i32
        %eq3A_116 = arith.cmpi eq, %select_n3A_114, %eq3A_115 : i32
        %convert_element_type3A_117 = arith.extui %eq3A_116 : i1 to i32
        %cond3A_118 = arith.constant 0 : i32
        %cond3A_119 = arith.cmpi ne, %convert_element_type3A_117, %cond3A_118 : i32
        scf.if %cond3A_119 {
          %add3A_125 = arith.constant 1 : i32
          %add3A_126 = arith.addi %while3A_66, %add3A_125 : i32
          %dma_start3A_127 = arith.constant 0 : i32
          %dma_start3A_128 = arith.constant 0 : i32
          %dma_start3A_129 = arith.constant 0 : i32
          %dma_start3A_130 = tpu.memref_slice %arg7[%dma_start3A_127, %dma_start3A_128, %dma_start3A_129] : memref<2x128x64xf32, #tpu.memory_space<vmem>> -> memref<1x128x64xf32, #tpu.memory_space<vmem>>
          %dma_start3A_131 = tpu.memref_squeeze %dma_start3A_130 : memref<1x128x64xf32, #tpu.memory_space<vmem>> -> memref<128x64xf32, #tpu.memory_space<vmem>>
          %dma_start3A_132 = arith.constant 0 : i32
          %dma_start3A_133 = tpu.memref_slice %arg5[%add3A_126, %dma_start3A_132] : memref<79x128xi32, #tpu.memory_space<vmem>> -> memref<1x128xi32, #tpu.memory_space<vmem>>
          %dma_start3A_134 = tpu.memref_squeeze %dma_start3A_133 : memref<1x128xi32, #tpu.memory_space<vmem>> -> memref<128xi32, #tpu.memory_space<vmem>>
          %dma_start3A_135 = arith.constant 0 : i32
          %dma_start3A_136 = arith.constant 0 : i32
          %dma_start3A_137 = tpu.memref_slice %arg10[%dma_start3A_135, %dma_start3A_136] : memref<10112x64xf32, #tpu.memory_space<vmem_shared>> -> memref<10112x64xf32, #tpu.memory_space<vmem_shared>>
          tpu.enqueue_indirect_dma source(%dma_start3A_137 : memref<10112x64xf32, #tpu.memory_space<vmem_shared>>) target(%dma_start3A_131 : memref<128x64xf32, #tpu.memory_space<vmem>>) offsets(%dma_start3A_134 : memref<128xi32, #tpu.memory_space<vmem>>) semaphore(%arg11 : memref<!tpu.dma_semaphore, #tpu.memory_space<semaphore_mem>>)
        } else {
        }
        %eq3A_120 = arith.constant 1 : i32
        %eq3A_121 = arith.cmpi eq, %select_n3A_114, %eq3A_120 : i32
        %convert_element_type3A_122 = arith.extui %eq3A_121 : i1 to i32
        %cond3A_123 = arith.constant 0 : i32
        %cond3A_124 = arith.cmpi ne, %convert_element_type3A_122, %cond3A_123 : i32
        scf.if %cond3A_124 {
          %add3A_125 = arith.constant 1 : i32
          %add3A_126 = arith.addi %while3A_66, %add3A_125 : i32
          %dma_start3A_127 = arith.constant 1 : i32
          %dma_start3A_128 = arith.constant 0 : i32
          %dma_start3A_129 = arith.constant 0 : i32
          %dma_start3A_130 = tpu.memref_slice %arg7[%dma_start3A_127, %dma_start3A_128, %dma_start3A_129] : memref<2x128x64xf32, #tpu.memory_space<vmem>> -> memref<1x128x64xf32, #tpu.memory_space<vmem>>
          %dma_start3A_131 = tpu.memref_squeeze %dma_start3A_130 : memref<1x128x64xf32, #tpu.memory_space<vmem>> -> memref<128x64xf32, #tpu.memory_space<vmem>>
          %dma_start3A_132 = arith.constant 0 : i32
          %dma_start3A_133 = tpu.memref_slice %arg5[%add3A_126, %dma_start3A_132] : memref<79x128xi32, #tpu.memory_space<vmem>> -> memref<1x128xi32, #tpu.memory_space<vmem>>
          %dma_start3A_134 = tpu.memref_squeeze %dma_start3A_133 : memref<1x128xi32, #tpu.memory_space<vmem>> -> memref<128xi32, #tpu.memory_space<vmem>>
          %dma_start3A_135 = arith.constant 0 : i32
          %dma_start3A_136 = arith.constant 0 : i32
          %dma_start3A_137 = tpu.memref_slice %arg10[%dma_start3A_135, %dma_start3A_136] : memref<10112x64xf32, #tpu.memory_space<vmem_shared>> -> memref<10112x64xf32, #tpu.memory_space<vmem_shared>>
          tpu.enqueue_indirect_dma source(%dma_start3A_137 : memref<10112x64xf32, #tpu.memory_space<vmem_shared>>) target(%dma_start3A_131 : memref<128x64xf32, #tpu.memory_space<vmem>>) offsets(%dma_start3A_134 : memref<128xi32, #tpu.memory_space<vmem>>) semaphore(%arg12 : memref<!tpu.dma_semaphore, #tpu.memory_space<semaphore_mem>>)
        } else {
        }
      } else {
      }
      "tpu.region"() ({
        %run_scoped3A_97 = tpu.sem_alloc : memref<!tpu.dma_semaphore, #tpu.memory_space<semaphore_mem>>
        %dma_start3A_98 = arith.constant 0 : i32
        %dma_start3A_99 = arith.constant 0 : i32
        %dma_start3A_100 = tpu.memref_slice %arg7[%select_n3A_79, %dma_start3A_98, %dma_start3A_99] : memref<2x128x64xf32, #tpu.memory_space<vmem>> -> memref<1x128x64xf32, #tpu.memory_space<vmem>>
        %dma_start3A_101 = tpu.memref_squeeze %dma_start3A_100 : memref<1x128x64xf32, #tpu.memory_space<vmem>> -> memref<128x64xf32, #tpu.memory_space<vmem>>
        %dma_start3A_102 = arith.constant 0 : i32
        %dma_start3A_103 = tpu.memref_slice %arg6[%while3A_66, %dma_start3A_102] : memref<79x128xi32, #tpu.memory_space<vmem>> -> memref<1x128xi32, #tpu.memory_space<vmem>>
        %dma_start3A_104 = tpu.memref_squeeze %dma_start3A_103 : memref<1x128xi32, #tpu.memory_space<vmem>> -> memref<128xi32, #tpu.memory_space<vmem>>
        %dma_start3A_105 = arith.constant 0 : i32
        %dma_start3A_106 = arith.constant 0 : i32
        %dma_start3A_107 = tpu.memref_slice %arg9[%dma_start3A_105, %dma_start3A_106] : memref<10112x64xf32, #tpu.memory_space<vmem_shared>> -> memref<10112x64xf32, #tpu.memory_space<vmem_shared>>
        tpu.enqueue_indirect_dma source(%dma_start3A_101 : memref<128x64xf32, #tpu.memory_space<vmem>>) target(%dma_start3A_107 : memref<10112x64xf32, #tpu.memory_space<vmem_shared>>) offsets(%dma_start3A_104 : memref<128xi32, #tpu.memory_space<vmem>>) semaphore(%run_scoped3A_97 : memref<!tpu.dma_semaphore, #tpu.memory_space<semaphore_mem>>) {add = true}
        %dma_wait3A_108 = arith.constant 0 : i32
        %dma_wait3A_109 = arith.constant 0 : i32
        %dma_wait3A_110 = tpu.memref_slice %arg7[%select_n3A_79, %dma_wait3A_108, %dma_wait3A_109] : memref<2x128x64xf32, #tpu.memory_space<vmem>> -> memref<1x128x64xf32, #tpu.memory_space<vmem>>
        %dma_wait3A_111 = tpu.memref_squeeze %dma_wait3A_110 : memref<1x128x64xf32, #tpu.memory_space<vmem>> -> memref<128x64xf32, #tpu.memory_space<vmem>>
        %dma_wait3A_112 = arith.constant 0 : i32
        %dma_wait3A_113 = tpu.memref_slice %arg6[%while3A_66, %dma_wait3A_112] : memref<79x128xi32, #tpu.memory_space<vmem>> -> memref<1x128xi32, #tpu.memory_space<vmem>>
        %dma_wait3A_114 = tpu.memref_squeeze %dma_wait3A_113 : memref<1x128xi32, #tpu.memory_space<vmem>> -> memref<128xi32, #tpu.memory_space<vmem>>
        %dma_wait3A_115 = arith.constant 0 : i32
        %dma_wait3A_116 = arith.constant 0 : i32
        %dma_wait3A_117 = tpu.memref_slice %arg9[%dma_wait3A_115, %dma_wait3A_116] : memref<10112x64xf32, #tpu.memory_space<vmem_shared>> -> memref<10112x64xf32, #tpu.memory_space<vmem_shared>>
        tpu.wait_indirect_dma semaphore(%run_scoped3A_97 : memref<!tpu.dma_semaphore, #tpu.memory_space<semaphore_mem>>) src(%dma_wait3A_111 : memref<128x64xf32, #tpu.memory_space<vmem>>) dst(%dma_wait3A_117 : memref<10112x64xf32, #tpu.memory_space<vmem_shared>>)
        tpu.yield
      }) : () -> ()
      %while3A_96 = arith.constant 0 : i32
      scf.yield %while3A_96 : i32
    }
    %barrier3A_65 = arith.constant 0 : index
    tpu.barrier barrier_id(%barrier3A_65)
    "tpu.region"() ({
      %run_scoped3A_66 = tpu.sem_alloc : memref<!tpu.dma_semaphore, #tpu.memory_space<semaphore_mem>>
      %dma_start3A_67 = arith.constant 0 : i32
      %dma_start3A_68 = tpu.memref_slice %arg4[%arg0, %mul3A_2, %dma_start3A_67] : memref<2x10112x128xf32, #tpu.memory_space<hbm>> -> memref<1x632x64xf32, #tpu.memory_space<hbm>>
      %dma_start3A_69 = tpu.memref_squeeze %dma_start3A_68 : memref<1x632x64xf32, #tpu.memory_space<hbm>> -> memref<632x64xf32, #tpu.memory_space<hbm>>
      %dma_start3A_70 = arith.constant 0 : i32
      %dma_start3A_71 = tpu.memref_slice %arg9[%mul3A_2, %dma_start3A_70] : memref<10112x64xf32, #tpu.memory_space<vmem_shared>> -> memref<632x64xf32, #tpu.memory_space<vmem_shared>>
      tpu.enqueue_dma source(%dma_start3A_71 : memref<632x64xf32, #tpu.memory_space<vmem_shared>>) target(%dma_start3A_69 : memref<632x64xf32, #tpu.memory_space<hbm>>) target_semaphore(%run_scoped3A_66 : memref<!tpu.dma_semaphore, #tpu.memory_space<semaphore_mem>>)
      %dma_wait3A_72 = arith.constant 0 : i32
      %dma_wait3A_73 = tpu.memref_slice %arg4[%arg0, %mul3A_2, %dma_wait3A_72] : memref<2x10112x128xf32, #tpu.memory_space<hbm>> -> memref<1x632x64xf32, #tpu.memory_space<hbm>>
      %dma_wait3A_74 = tpu.memref_squeeze %dma_wait3A_73 : memref<1x632x64xf32, #tpu.memory_space<hbm>> -> memref<632x64xf32, #tpu.memory_space<hbm>>
      %dma_wait3A_75 = arith.constant 0 : i32
      %dma_wait3A_76 = tpu.memref_slice %arg9[%mul3A_2, %dma_wait3A_75] : memref<10112x64xf32, #tpu.memory_space<vmem_shared>> -> memref<632x64xf32, #tpu.memory_space<vmem_shared>>
      tpu.wait_dma2 semaphore(%run_scoped3A_66 : memref<!tpu.dma_semaphore, #tpu.memory_space<semaphore_mem>>) src(%dma_wait3A_76 : memref<632x64xf32, #tpu.memory_space<vmem_shared>>) dst(%dma_wait3A_74 : memref<632x64xf32, #tpu.memory_space<hbm>>)
      tpu.yield
    }) : () -> ()
    return
  }
}

module attributes {stable_mosaic.version = 14 : i64} {
  func.func @_tc_fin_body(%arg0: i32, %arg1: memref<2x5120x128xf32, #tpu.memory_space<vmem>>, %arg2: memref<5120x128xf32, #tpu.memory_space<vmem>>, %arg3: memref<1x64xf32, #tpu.memory_space<vmem>>, %arg4: memref<64x5120xf32, #tpu.memory_space<vmem>>) attributes {dimension_semantics = [#tpu.dimension_semantics<arbitrary>], iteration_bounds = array<i64: 2>, scalar_prefetch = 0 : i64, scratch_operands = 0 : i64, tpu.core_type = #tpu.core_type<tc>, window_params = [{transform_indices = @transform_0, window_bounds = array<i64: 2, 5120, 128>}, {transform_indices = @transform_1, window_bounds = array<i64: 5120, 128>}, {pipeline_mode = #tpu.pipeline_mode<synchronous>, transform_indices = @transform_2, window_bounds = array<i64: 1, 64>}, {transform_indices = @transform_3, window_bounds = array<i64: 64, 5120>}]} {
    %get3A = arith.constant 0 : index
    %get3A_0 = arith.constant 64 : index
    %get3A_1 = vector.load %arg2[%get3A, %get3A_0] : memref<5120x128xf32, #tpu.memory_space<vmem>>, vector<5120x1xf32>
    %get3A_2 = arith.constant 0 : index
    %get3A_3 = arith.constant 0 : index
    %get3A_4 = arith.constant 0 : index
    %get3A_5 = vector.load %arg1[%get3A_2, %get3A_3, %get3A_4] : memref<2x5120x128xf32, #tpu.memory_space<vmem>>, vector<1x5120x64xf32>
    %get3A_6 = vector.shape_cast %get3A_5 : vector<1x5120x64xf32> to vector<5120x64xf32>
    %get3A_7 = arith.constant 1 : index
    %get3A_8 = arith.constant 0 : index
    %get3A_9 = arith.constant 0 : index
    %get3A_10 = vector.load %arg1[%get3A_7, %get3A_8, %get3A_9] : memref<2x5120x128xf32, #tpu.memory_space<vmem>>, vector<1x5120x64xf32>
    %get3A_11 = vector.shape_cast %get3A_10 : vector<1x5120x64xf32> to vector<5120x64xf32>
    %add3A = arith.addf %get3A_6, %get3A_11 : vector<5120x64xf32>
    %get3A_12 = arith.constant 0 : index
    %get3A_13 = arith.constant 0 : index
    %get3A_14 = vector.load %arg2[%get3A_12, %get3A_13] : memref<5120x128xf32, #tpu.memory_space<vmem>>, vector<5120x64xf32>
    %add3A_15 = arith.addf %add3A, %get3A_14 : vector<5120x64xf32>
    %mul3A = vector.broadcast %get3A_1 : vector<5120x1xf32> to vector<5120x64xf32>
    %mul3A_16 = arith.mulf %mul3A, %add3A_15 : vector<5120x64xf32>
    %get3A_17 = arith.constant 0 : index
    %get3A_18 = arith.constant 0 : index
    %get3A_19 = vector.load %arg3[%get3A_17, %get3A_18] : memref<1x64xf32, #tpu.memory_space<vmem>>, vector<1x64xf32>
    %add3A_20 = vector.broadcast %get3A_19 : vector<1x64xf32> to vector<5120x64xf32>
    %add3A_21 = arith.addf %mul3A_16, %add3A_20 : vector<5120x64xf32>
    %ge3A = arith.constant 0.000000e+00 : f32
    %ge3A_22 = vector.broadcast %ge3A : f32 to vector<5120x64xf32>
    %ge3A_23 = arith.cmpf oge, %add3A_21, %ge3A_22 : vector<5120x64xf32>
    %mul3A_24 = arith.constant 0.00999999977 : f32
    %mul3A_25 = vector.broadcast %mul3A_24 : f32 to vector<5120x64xf32>
    %mul3A_26 = arith.mulf %mul3A_25, %add3A_21 : vector<5120x64xf32>
    %select_n3A = arith.select %ge3A_23, %add3A_21, %mul3A_26 : vector<5120x64xi1>, vector<5120x64xf32>
    %transpose3A = tpu.transpose %select_n3A, [1, 0] : vector<5120x64xf32> -> vector<64x5120xf32>
    %swap3A = arith.constant 0 : index
    %swap3A_27 = arith.constant 0 : index
    %swap3A_28 = vector.load %arg4[%swap3A, %swap3A_27] : memref<64x5120xf32, #tpu.memory_space<vmem>>, vector<64x5120xf32>
    tpu.vector_store %arg4[%swap3A, %swap3A_27], %transpose3A {strides = array<i32>} : memref<64x5120xf32, #tpu.memory_space<vmem>>, vector<64x5120xf32>,
    return
  }
  func.func @transform_0(%arg0: i32) -> (i32, i32, i32) {
    %c0_i32 = arith.constant 0 : i32
    %c0_i32_0 = arith.constant 0 : i32
    %c0_i32_1 = arith.constant 0 : i32
    return %c0_i32, %arg0, %c0_i32_0 : i32, i32, i32
  }
  func.func @transform_1(%arg0: i32) -> (i32, i32) {
    %c0_i32 = arith.constant 0 : i32
    %c0_i32_0 = arith.constant 0 : i32
    return %arg0, %c0_i32 : i32, i32
  }
  func.func @transform_2(%arg0: i32) -> (i32, i32) {
    %c0_i32 = arith.constant 0 : i32
    %c0_i32_0 = arith.constant 0 : i32
    %c0_i32_1 = arith.constant 0 : i32
    return %c0_i32, %c0_i32_0 : i32, i32
  }
  func.func @transform_3(%arg0: i32) -> (i32, i32) {
    %c0_i32 = arith.constant 0 : i32
    %c0_i32_0 = arith.constant 0 : i32
    return %c0_i32, %arg0 : i32, i32
  }
}

module attributes {stable_mosaic.version = 14 : i64} {
  func.func @_tc_mid_body(%arg0: i32, %arg1: memref<2x5120x128xf32, #tpu.memory_space<vmem>>, %arg2: memref<5120x128xf32, #tpu.memory_space<vmem>>, %arg3: memref<1x64xf32, #tpu.memory_space<vmem>>, %arg4: memref<64x64xf32, #tpu.memory_space<vmem>>, %arg5: memref<5120x128xf32, #tpu.memory_space<vmem>>) attributes {dimension_semantics = [#tpu.dimension_semantics<arbitrary>], iteration_bounds = array<i64: 2>, scalar_prefetch = 0 : i64, scratch_operands = 0 : i64, tpu.core_type = #tpu.core_type<tc>, window_params = [{transform_indices = @transform_0, window_bounds = array<i64: 2, 5120, 128>}, {transform_indices = @transform_1, window_bounds = array<i64: 5120, 128>}, {pipeline_mode = #tpu.pipeline_mode<synchronous>, transform_indices = @transform_2, window_bounds = array<i64: 1, 64>}, {pipeline_mode = #tpu.pipeline_mode<synchronous>, transform_indices = @transform_3, window_bounds = array<i64: 64, 64>}, {transform_indices = @transform_4, window_bounds = array<i64: 5120, 128>}]} {
    %get3A = arith.constant 0 : index
    %get3A_0 = arith.constant 64 : index
    %get3A_1 = vector.load %arg2[%get3A, %get3A_0] : memref<5120x128xf32, #tpu.memory_space<vmem>>, vector<5120x1xf32>
    %get3A_2 = arith.constant 0 : index
    %get3A_3 = arith.constant 0 : index
    %get3A_4 = arith.constant 0 : index
    %get3A_5 = vector.load %arg1[%get3A_2, %get3A_3, %get3A_4] : memref<2x5120x128xf32, #tpu.memory_space<vmem>>, vector<1x5120x64xf32>
    %get3A_6 = vector.shape_cast %get3A_5 : vector<1x5120x64xf32> to vector<5120x64xf32>
    %get3A_7 = arith.constant 1 : index
    %get3A_8 = arith.constant 0 : index
    %get3A_9 = arith.constant 0 : index
    %get3A_10 = vector.load %arg1[%get3A_7, %get3A_8, %get3A_9] : memref<2x5120x128xf32, #tpu.memory_space<vmem>>, vector<1x5120x64xf32>
    %get3A_11 = vector.shape_cast %get3A_10 : vector<1x5120x64xf32> to vector<5120x64xf32>
    %add3A = arith.addf %get3A_6, %get3A_11 : vector<5120x64xf32>
    %get3A_12 = arith.constant 0 : index
    %get3A_13 = arith.constant 0 : index
    %get3A_14 = vector.load %arg2[%get3A_12, %get3A_13] : memref<5120x128xf32, #tpu.memory_space<vmem>>, vector<5120x64xf32>
    %add3A_15 = arith.addf %add3A, %get3A_14 : vector<5120x64xf32>
    %mul3A = vector.broadcast %get3A_1 : vector<5120x1xf32> to vector<5120x64xf32>
    %mul3A_16 = arith.mulf %mul3A, %add3A_15 : vector<5120x64xf32>
    %get3A_17 = arith.constant 0 : index
    %get3A_18 = arith.constant 0 : index
    %get3A_19 = vector.load %arg3[%get3A_17, %get3A_18] : memref<1x64xf32, #tpu.memory_space<vmem>>, vector<1x64xf32>
    %add3A_20 = vector.broadcast %get3A_19 : vector<1x64xf32> to vector<5120x64xf32>
    %add3A_21 = arith.addf %mul3A_16, %add3A_20 : vector<5120x64xf32>
    %ge3A = arith.constant 0.000000e+00 : f32
    %ge3A_22 = vector.broadcast %ge3A : f32 to vector<5120x64xf32>
    %ge3A_23 = arith.cmpf oge, %add3A_21, %ge3A_22 : vector<5120x64xf32>
    %mul3A_24 = arith.constant 0.00999999977 : f32
    %mul3A_25 = vector.broadcast %mul3A_24 : f32 to vector<5120x64xf32>
    %mul3A_26 = arith.mulf %mul3A_25, %add3A_21 : vector<5120x64xf32>
    %select_n3A = arith.select %ge3A_23, %add3A_21, %mul3A_26 : vector<5120x64xi1>, vector<5120x64xf32>
    %get3A_27 = arith.constant 0 : index
    %get3A_28 = arith.constant 0 : index
    %get3A_29 = vector.load %arg4[%get3A_27, %get3A_28] : memref<64x64xf32, #tpu.memory_space<vmem>>, vector<64x64xf32>
    %dot_general3A = arith.constant dense<0.000000e+00> : vector<5120x64xf32>
    %dot_general3A_30 = tpu.matmul %select_n3A, %get3A_29, %dot_general3A {dimension_numbers = #tpu.dot_dimension_numbers<[1], [0], [0], [1], [0, 0, 1, 1], [], []>, transpose_lhs_hint = false} : vector<5120x64xf32>, vector<64x64xf32>, vector<5120x64xf32> -> vector<5120x64xf32>
    %mul3A_31 = vector.broadcast %get3A_1 : vector<5120x1xf32> to vector<5120x64xf32>
    %mul3A_32 = arith.mulf %mul3A_31, %dot_general3A_30 : vector<5120x64xf32>
    %broadcast_in_dim3A = vector.shape_cast %get3A_1 : vector<5120x1xf32> to vector<5120x1xf32>
    %broadcast_in_dim3A_33 = vector.broadcast %broadcast_in_dim3A : vector<5120x1xf32> to vector<5120x64xf32>
    %concatenate3A = tpu.concatenate %mul3A_32, %broadcast_in_dim3A_33 in 1 : vector<5120x64xf32>, vector<5120x64xf32> -> vector<5120x128xf32>
    %swap3A = arith.constant 0 : index
    %swap3A_34 = arith.constant 0 : index
    %swap3A_35 = vector.load %arg5[%swap3A, %swap3A_34] : memref<5120x128xf32, #tpu.memory_space<vmem>>, vector<5120x128xf32>
    tpu.vector_store %arg5[%swap3A, %swap3A_34], %concatenate3A {strides = array<i32>} : memref<5120x128xf32, #tpu.memory_space<vmem>>, vector<5120x128xf32>,
    return
  }
  func.func @transform_0(%arg0: i32) -> (i32, i32, i32) {
    %c0_i32 = arith.constant 0 : i32
    %c0_i32_0 = arith.constant 0 : i32
    %c0_i32_1 = arith.constant 0 : i32
    return %c0_i32, %arg0, %c0_i32_0 : i32, i32, i32
  }
  func.func @transform_1(%arg0: i32) -> (i32, i32) {
    %c0_i32 = arith.constant 0 : i32
    %c0_i32_0 = arith.constant 0 : i32
    return %arg0, %c0_i32 : i32, i32
  }
  func.func @transform_2(%arg0: i32) -> (i32, i32) {
    %c0_i32 = arith.constant 0 : i32
    %c0_i32_0 = arith.constant 0 : i32
    %c0_i32_1 = arith.constant 0 : i32
    return %c0_i32, %c0_i32_0 : i32, i32
  }
  func.func @transform_3(%arg0: i32) -> (i32, i32) {
    %c0_i32 = arith.constant 0 : i32
    %c0_i32_0 = arith.constant 0 : i32
    %c0_i32_1 = arith.constant 0 : i32
    return %c0_i32, %c0_i32_0 : i32, i32
  }
  func.func @transform_4(%arg0: i32) -> (i32, i32) {
    %c0_i32 = arith.constant 0 : i32
    %c0_i32_0 = arith.constant 0 : i32
    return %arg0, %c0_i32 : i32, i32
  }
}

module attributes {stable_mosaic.version = 14 : i64} {
  func.func @_tc_first_body(%arg0: i32, %arg1: memref<5120x128xf32, #tpu.memory_space<vmem>>, %arg2: memref<128x64xf32, #tpu.memory_space<vmem>>, %arg3: memref<2x5120x128xf32, #tpu.memory_space<vmem>>, %arg4: memref<5120x128xf32, #tpu.memory_space<vmem>>) attributes {dimension_semantics = [#tpu.dimension_semantics<arbitrary>], iteration_bounds = array<i64: 2>, scalar_prefetch = 0 : i64, scratch_operands = 0 : i64, tpu.core_type = #tpu.core_type<tc>, window_params = [{transform_indices = @transform_0, window_bounds = array<i64: 5120, 128>}, {pipeline_mode = #tpu.pipeline_mode<synchronous>, transform_indices = @transform_1, window_bounds = array<i64: 128, 64>}, {transform_indices = @transform_2, window_bounds = array<i64: 2, 5120, 128>}, {transform_indices = @transform_3, window_bounds = array<i64: 5120, 128>}]} {
    %get3A = arith.constant 0 : index
    %get3A_0 = arith.constant 0 : index
    %get3A_1 = arith.constant 0 : index
    %get3A_2 = vector.load %arg3[%get3A, %get3A_0, %get3A_1] : memref<2x5120x128xf32, #tpu.memory_space<vmem>>, vector<2x5120x128xf32>
    %slice3A = vector.extract_strided_slice %get3A_2 {offsets = [0, 0, 0], sizes = [1, 5120, 1], strides = [1, 1, 1]} : vector<2x5120x128xf32> to vector<1x5120x1xf32>
    %squeeze3A = vector.shape_cast %slice3A : vector<1x5120x1xf32> to vector<5120x1xf32>
    %slice3A_3 = vector.extract_strided_slice %get3A_2 {offsets = [1, 0, 0], sizes = [1, 5120, 1], strides = [1, 1, 1]} : vector<2x5120x128xf32> to vector<1x5120x1xf32>
    %squeeze3A_4 = vector.shape_cast %slice3A_3 : vector<1x5120x1xf32> to vector<5120x1xf32>
    %add3A = arith.addf %squeeze3A, %squeeze3A_4 : vector<5120x1xf32>
    %add3A_5 = arith.constant 1.000000e+00 : f32
    %add3A_6 = vector.broadcast %add3A_5 : f32 to vector<5120x1xf32>
    %add3A_7 = arith.addf %add3A, %add3A_6 : vector<5120x1xf32>
    %rsqrt3A = math.rsqrt %add3A_7 : vector<5120x1xf32>
    %get3A_8 = arith.constant 0 : index
    %get3A_9 = arith.constant 0 : index
    %get3A_10 = vector.load %arg1[%get3A_8, %get3A_9] : memref<5120x128xf32, #tpu.memory_space<vmem>>, vector<5120x128xf32>
    %get3A_11 = arith.constant 0 : index
    %get3A_12 = arith.constant 0 : index
    %get3A_13 = vector.load %arg2[%get3A_11, %get3A_12] : memref<128x64xf32, #tpu.memory_space<vmem>>, vector<128x64xf32>
    %dot_general3A = arith.constant dense<0.000000e+00> : vector<5120x64xf32>
    %dot_general3A_14 = tpu.matmul %get3A_10, %get3A_13, %dot_general3A {dimension_numbers = #tpu.dot_dimension_numbers<[1], [0], [0], [1], [0, 0, 1, 1], [], []>, transpose_lhs_hint = false} : vector<5120x128xf32>, vector<128x64xf32>, vector<5120x64xf32> -> vector<5120x64xf32>
    %mul3A = vector.broadcast %rsqrt3A : vector<5120x1xf32> to vector<5120x64xf32>
    %mul3A_15 = arith.mulf %mul3A, %dot_general3A_14 : vector<5120x64xf32>
    %broadcast_in_dim3A = vector.shape_cast %rsqrt3A : vector<5120x1xf32> to vector<5120x1xf32>
    %broadcast_in_dim3A_16 = vector.broadcast %broadcast_in_dim3A : vector<5120x1xf32> to vector<5120x64xf32>
    %concatenate3A = tpu.concatenate %mul3A_15, %broadcast_in_dim3A_16 in 1 : vector<5120x64xf32>, vector<5120x64xf32> -> vector<5120x128xf32>
    %swap3A = arith.constant 0 : index
    %swap3A_17 = arith.constant 0 : index
    %swap3A_18 = vector.load %arg4[%swap3A, %swap3A_17] : memref<5120x128xf32, #tpu.memory_space<vmem>>, vector<5120x128xf32>
    tpu.vector_store %arg4[%swap3A, %swap3A_17], %concatenate3A {strides = array<i32>} : memref<5120x128xf32, #tpu.memory_space<vmem>>, vector<5120x128xf32>,
    return
  }
  func.func @transform_0(%arg0: i32) -> (i32, i32) {
    %c0_i32 = arith.constant 0 : i32
    %c0_i32_0 = arith.constant 0 : i32
    return %arg0, %c0_i32 : i32, i32
  }
  func.func @transform_1(%arg0: i32) -> (i32, i32) {
    %c0_i32 = arith.constant 0 : i32
    %c0_i32_0 = arith.constant 0 : i32
    %c0_i32_1 = arith.constant 0 : i32
    return %c0_i32, %c0_i32_0 : i32, i32
  }
  func.func @transform_2(%arg0: i32) -> (i32, i32, i32) {
    %c0_i32 = arith.constant 0 : i32
    %c0_i32_0 = arith.constant 0 : i32
    %c0_i32_1 = arith.constant 0 : i32
    return %c0_i32, %arg0, %c0_i32_0 : i32, i32, i32
  }
  func.func @transform_3(%arg0: i32) -> (i32, i32) {
    %c0_i32 = arith.constant 0 : i32
    %c0_i32_0 = arith.constant 0 : i32
    return %arg0, %c0_i32 : i32, i32
  }
}

</mosaic_0001>

<sc_bundles>
// kernel: kernel.10.cloned.1.call-start
scs
__scs_entry_jumppad:
0x0: {  	(pc) =	sbr.rel $0x88, $3  }
0x1: {  	(tag) =	ssettag $0x0;
	lr =	simm.s32 $0x1  }
0x2: {  	[smem:$0x3F99] =	sst lr;
	_ =	strace $0xD0000000  }
0x3: {  	_ = 	snop  }
0x4: {  	_ = 	snop  }
0x5: {  	_ = 	snop  }
0x6: {  	_ = 	snop  }
0x7: {  	_ = 	snop  }
__scs_overlays_trampoline_lowered:
0x8: {  	[smem:$0x3FA8] =	sst s0  }
0x9: {  	[smem:$0x3FA9] =	sst s1  }
0xa: {  	[smem:$0x3FAA] =	sst s2  }
0xb: {  	[smem:$0x3FAB] =	sst s3  }
0xc: {  	[smem:$0x3FAC] =	sst s4  }
0xd: {  	[smem:$0x3FAD] =	sst s5  }
0xe: {  	[smem:$0x3FAE] =	sst s6  }
0xf: {  	[smem:$0x3FAF] =	sst s7  }
0x10: {  	[smem:$0x3FB0] =	sst s8  }
0x11: {  	[smem:$0x3FB1] =	sst s9;
	s0 =	simm.s32 @!p0 $0x0  }
0x12: {  	s1 =	sld [smem:$0x3F97];
	s0 =	simm.s32 @p0 $0x1  }
0x13: {  	[smem:$0x3FB2] =	sst s0;
	s0 =	simm.s32 @!p1 $0x0  }
0x14: {  	s2 =	sld [smem:$0x3F96];
	s0 =	simm.s32 @p1 $0x1  }
0x15: {  	[smem:$0x3FB3] =	sst s0;
	s0 =	simm.s32 @!p2 $0x0  }
0x16: {  	s3 =	sld [smem:$0x3FDB];
	s0 =	simm.s32 @p2 $0x1  }
0x17: {  	s4 =	simm.s32 $0x1BF5;
	[smem:$0x3FB5] =	sst s0  }
0x18: {  	s0 =	sld [smem:$0x3F98];
	_ =	swait.ge [sflag:s4], $0x0  }
0x19: {  	s7 =	sld [smem:$0x3F99]  }
0x1a: {  	s8 =	sadd.s32 $0xFFFFE003, lr  }
0x1b: {  	s9 =	sadd.s32 $0xFFFFFEF7, lr;
	s5 =	simm.s32 $0xFFFFFFFF;
	p2 =	slt.u32 s8, $0xFFFFF086  }
0x1c: {  	p1 =	slt.u32 s9, $0xF7A;
	s5 =	simm.s32 @!p2 $0x0  }
0x1d: {  	s5 =	simm.s32 @p1 $0x1;
	p0 =	seq.s32 s7, s2  }
0x1e: {  	s7 =	smul.u32 @!p0 $0xF7A, s2;
	p2 =	seq.s32 @!p0 s5, $0x0  }
0x1f: {  	s9 =	smul.u32 $0xF7A, s1;
	s8 =	simm.s32 @!p0 $0x1BF5;
	p2 =	por !p2, p0  }
0x20: {  	[sflag:s8] =	ssyncset.s32 @!p0 $0xFFFFF086;
	s6 =	sadd.s32 @!p0 s3, s7;
	s7 =	simm.s32 @!p0 $0x108  }
0x21: {  	s3 =	sadd.s32 s3, s9;
	s6 =	sadd.s32 @!p0 $0x88, s6;
	s7 =	simm.s32 @p2 $0x1082  }
0x22: {  	[simem:s7], [sflag:s8] =	dma.local @!p0 [hbm:s6], $0xF7A  }
0x23: {  	s9 =	sor.u32 $0xD0000000, s2;
	s6 =	simm.s32 $0x108;
	_ =	swait.ge @!p0 [sflag:s8], $0x0  }
0x24: {  	s3 =	sadd.s32 $0x88, s3;
	s6 =	simm.s32 @!p1 $0x1082;
	[sflag:s4] =	ssyncset.s32 $0xFFFFF086  }
0x25: {  	[simem:s6], [sflag:s4] =	dma.local [hbm:s3], $0xF7A  }
0x26: {  	[smem:$0x3F99] =	sst s1;
	(tag) =	ssettag s2;
	_ =	strace s9  }
0x27: {  	s1 =	sld [smem:$0x3FA9]  }
0x28: {  	s2 =	sld [smem:$0x3FAA]  }
0x29: {  	s4 =	sld [smem:$0x3FAC]  }
0x2a: {  	p0 =	seq.s32 s5, $0x0;
	s5 =	sld [smem:$0x3FAD]  }
0x2b: {  	s6 =	sld [smem:$0x3FAE]  }
0x2c: {  	s7 =	sld [smem:$0x3FAF]  }
0x2d: {  	s3 =	simm.s32 $0x108;
	s8 =	sld [smem:$0x3FB0]  }
0x2e: {  	s3 =	simm.s32 @!p0 $0x1082;
	s9 =	sld [smem:$0x3FB1]  }
0x2f: {  	lr =	sadd.s32 s0, s3;
	s0 =	sld [smem:$0x3FA8]  }
0x30: {  	s3 =	sld [smem:$0x3FAB]  }
0x31: {  	[smem:$0x3FB4] =	sst s10  }
0x32: {  	s10 =	sld [smem:$0x3FB2];
	_ =	sdelay $0x3  }
0x33: {  	p0 =	seq.s32 s10, $0x1;
	s10 =	sld [smem:$0x3FB4];
	_ =	sdelay $0x3  }
0x34: {  	[smem:$0x3FB4] =	sst s10  }
0x35: {  	s10 =	sld [smem:$0x3FB3];
	_ =	sdelay $0x3  }
0x36: {  	p1 =	seq.s32 s10, $0x1;
	s10 =	sld [smem:$0x3FB4];
	_ =	sdelay $0x3  }
0x37: {  	[smem:$0x3FB4] =	sst s10  }
0x38: {  	s10 =	sld [smem:$0x3FB5]  }
0x39: {  	_ = 	snop;
	(pc) =	sbr.ind lr, $3  }
0x3a: {  	_ = 	snop  }
0x3b: {  	_ = 	snop  }
0x3c: {  	p2 =	seq.s32 s10, $0x1;
	s10 =	sld [smem:$0x3FB4]  }
0x3d: {  	_ =	shalt  }
0x3e: {  	_ =	shalt  }
0x3f: {  	_ =	shalt  }
0x40: {  	_ =	shalt  }
0x41: {  	_ =	shalt  }
0x42: {  	_ =	shalt  }
0x43: {  	_ =	shalt  }
0x44: {  	_ =	shalt  }
0x45: {  	_ =	shalt  }
0x46: {  	_ =	shalt  }
0x47: {  	_ =	shalt  }
0x48: {  	_ =	shalt  }
0x49: {  	_ =	shalt  }
0x4a: {  	_ =	shalt  }
0x4b: {  	_ =	shalt  }
0x4c: {  	_ =	shalt  }
0x4d: {  	_ =	shalt  }
0x4e: {  	_ =	shalt  }
0x4f: {  	_ =	shalt  }
0x50: {  	_ =	shalt  }
0x51: {  	_ =	shalt  }
0x52: {  	_ =	shalt  }
0x53: {  	_ =	shalt  }
0x54: {  	_ =	shalt  }
0x55: {  	_ =	shalt  }
0x56: {  	_ =	shalt  }
0x57: {  	_ =	shalt  }
0x58: {  	_ =	shalt  }
0x59: {  	_ =	shalt  }
0x5a: {  	_ =	shalt  }
0x5b: {  	_ =	shalt  }
0x5c: {  	_ =	shalt  }
0x5d: {  	_ =	shalt  }
0x5e: {  	_ =	shalt  }
0x5f: {  	_ =	shalt  }
0x60: {  	_ =	shalt  }
0x61: {  	_ =	shalt  }
0x62: {  	_ =	shalt  }
0x63: {  	_ =	shalt  }
0x64: {  	_ =	shalt  }
0x65: {  	_ =	shalt  }
0x66: {  	_ =	shalt  }
0x67: {  	_ =	shalt  }
0x68: {  	_ =	shalt  }
0x69: {  	_ =	shalt  }
0x6a: {  	_ =	shalt  }
0x6b: {  	_ =	shalt  }
0x6c: {  	_ =	shalt  }
0x6d: {  	_ =	shalt  }
0x6e: {  	_ =	shalt  }
0x6f: {  	_ =	shalt  }
0x70: {  	_ =	shalt  }
0x71: {  	_ =	shalt  }
0x72: {  	_ =	shalt  }
0x73: {  	_ =	shalt  }
0x74: {  	_ =	shalt  }
0x75: {  	_ =	shalt  }
0x76: {  	_ =	shalt  }
0x77: {  	_ =	shalt  }
0x78: {  	_ =	shalt  }
0x79: {  	_ =	shalt  }
0x7a: {  	_ =	shalt  }
0x7b: {  	_ =	shalt  }
0x7c: {  	_ =	shalt  }
0x7d: {  	_ =	shalt  }
0x7e: {  	_ =	shalt  }
0x7f: {  	_ =	shalt  }
0x80: {  	_ =	shalt  }
0x81: {  	_ =	shalt  }
0x82: {  	_ =	shalt  }
0x83: {  	_ =	shalt  }
0x84: {  	_ =	shalt  }
0x85: {  	_ =	shalt  }
0x86: {  	_ =	shalt  }
0x87: {  	_ =	shalt  }
.Lfunc_end0:
.L_simem_size_0:
called_computation_lowered:
.L_overlay_start_0:
0x88: {  	s2 =	sld [smem:$0x3FD9]  }
0x89: {  	s3 =	sld [smem:$0x3FFE];
	_ =	sdelay $0x1  }
0x8a: {  	s1 =	srdreg.scid  }
0x8b: {  	s0 =	sand.u32 $0x1, s1  }
0x8c: {  	s17 =	sshll.u32 s0, $0xA;
	s2 =	sadd.s32 s3, s2  }
0x8d: {  	s2 =	sadd.s32 s2, s17  }
0x8e: {  	[smem:$0x3FC0] =	sst s2  }
0x8f: {  	_ = 	snop  }
0x90: {  	s2 =	sld [smem:$0x3FC8];
	(tm) =	ssettm $0x1  }
0x91: {  	s18 =	sld [smem:$0x3FFB];
	_ =	sdelay $0x3  }
0x92: {  	_ =	strace s18  }
0x93: {  	s3 =	sld [smem:$0x3FFC];
	_ =	sdelay $0x3  }
0x94: {  	_ =	strace s3  }
0x95: {  	s3 =	sld [smem:$0x3FFD];
	_ =	sdelay $0x3  }
0x96: {  	_ =	strace s3  }
0x97: {  	_ =	strace $0x8FFFFFFF  }
0x98: {  	s19 =	sld [smem:$0x3FDB];
	_ =	sdelay $0x1  }
0x99: {  	s4 =	simm.s32 $_scs_section_size  }
0x9a: {  	s5 =	simm.s32 $_size__tile_overlayer_lowered;
	s6 =	simm.s32 $_tile_overlayer_lowered  }
0x9b: {  	s22 =	simm.s32 $0x1BFF;
	s21 =	sshll.u32 s6, $0x1;
	s3 =	sadd.s32 s4, s19  }
0x9c: {  	s7 =	simm.s32 $0x0;
	s20 =	sshll.u32 s5, $0x1;
	s5 =	sadd.s32 s21, s3  }
0x9d: {  	[timem:s7], [sflag:s22] =	dma.local [hbm:s5], s20  }
0x9e: {  	_ =	swait.ge [sflag:s22], s20  }
0x9f: {  	s4 =	ssub.s32 $0x0, s20;
	[sflag:s22] =	ssyncset.done $0x0  }
0xa0: {  	[sflag:s22] =	ssyncadd.s32 s4;
	_ =	sdelay $0x1  }
0xa1: {  	s23 =	simm.s32 $0x1B8B  }
0xa2: {  	_ =	swait.ge [sflag:s23], $0x1  }
0xa3: {  	[sflag:s23] =	ssyncset.done $0x0  }
0xa4: {  	s25 =	simm.s32 $0x1B8E;
	s24 =	sld [smem:$0x3FFE];
	[sflag:s23] =	ssyncadd.s32 $0xFFFFFFFF  }
0xa5: {  	s26 =	simm.s32 $execute0_lowered;
	[smem:$0x3FD2] =	sst s25  }
0xa6: {  	s5 =	sshll.u32 s26, $0x1;
	_ =	strace $0x80000046;
	[dreg:$0x1] =	wrdreg $0xFFFFFFFF  }
0xa7: {  	s28 =	simm.s32 $_size_execute0_lowered;
	s3 =	sadd.s32 s3, s5;
	[dreg:$0x0] =	wrdreg $0x0  }
0xa8: {  	s5 =	sshll.u32 s28, $0x1;
	[dreg:$0x2] =	wrdreg s3  }
0xa9: {  	[dreg:$0x3] =	wrdreg s5  }
0xaa: {  	[dreg:$0x4] =	wrdreg $0xC0  }
0xab: {  	_ =	task [dreg:s7], $0x5FFFF  }
0xac: {  	[dreg:$0x1] =	wrdreg $0xFFFFFFFF  }
0xad: {  	[dreg:$0x0] =	wrdreg $0x60  }
0xae: {  	[dreg:$0x2] =	wrdreg s2  }
0xaf: {  	[dreg:$0x3] =	wrdreg s24  }
0xb0: {  	[dreg:$0x4] =	wrdreg $0x37800  }
0xb1: {  	[dreg:$0x5] =	wrdreg $0x9  }
0xb2: {  	_ =	task.clear_ibuf [dreg:s7], $0x6FFFF;
	_ =	strace $0x90000046  }
0xb3: {  	s29 =	simm.s32 $0x9;
	_ =	strace $0x80000048  }
0xb4: {  	_ =	swait.ge [sflag:s29], $0x1  }
0xb5: {  	[sflag:s29] =	ssyncadd.s32 $0xFFFFFFFF  }
0xb6: {  	_ =	strace $0x90000048  }
0xb7: {  	_ =	sfence  }
0xb8: {  	s30 =	sld [smem:$0x0];
	_ =	sdelay $0x2  }
0xb9: {  	s31 =	sshll.u32 s1, $0xD;
	s1 =	sshrl.u32 s1, $0x2  }
0xba: {  	s3 =	sand.u32 $0x4000, s31;
	s1 =	sadd.s32 s1, s30  }
0xbb: {  	s0 =	sor.u32 s3, s0;
	s1 =	sshll.u32 s1, $0x11  }
0xbc: {  	s0 =	sor.u32 s1, s0  }
0xbd: {  	s0 =	sadd.s32 $0x8F2B, s0  }
0xbe: {  	[sflag:s0] =	ssyncadd.remote.s32 $0x1  }
0xbf: {  	_ =	sfence.sel $0xFFFF  }
0xc0: {  	[dreg:$0x0] =	wrdreg $0xFFFFFFFF;
	(pc) =	sbr.abs _section_cstart, $3  }
0xc1: {  	[dreg:$0x1] =	wrdreg $0xFFFFFFFF  }
0xc2: {  	_ =	task.clear_ibuf [dreg:s7], $0x2FFFF;
	_ =	strace $0x9FFFFFFF  }
0xc3: {  	(tm) =	ssettm $0x7FFFFFFF  }
tec
execute0_lowered:
.L_overlay_start_1:
0x0: {  	(tag) =	ssettag $0x1  }
0x1: {  	s7 =	rddreg [dreg:$0x0]  }
0x2: {  	s4 =	rddreg [dreg:$0x1]  }
0x3: {  	s1 =	rddreg [dreg:$0x2]  }
0x4: {  	s2 =	srdreg.scid;
	s0 =	rddreg [dreg:$0x3]  }
0x5: {  	s3 =	simm.s32 $0x0;
	s14 =	simm.s32 $0x2F80;
	s15 =	simm.s32 $0x1  }
0x6: {  	s16 =	simm.s32 $0x80;
	s17 =	simm.s32 $0x100;
	s18 =	simm.s32 $0x2780  }
0x7: {  	s20 =	simm.s32 $0x10;
	s21 =	simm.s32 $0x2;
	s5 =	sand.u32 $0x1, s2  }
0x8: {  	s22 =	simm.s32 $0x0;
	s2 =	stileid.u32;
	s6 =	smul.u32 $0x13C000, s5  }
0x9: {  	[smem:$0x7FF] =	sst s3;
	s8 =	smul.u32 $0x13C00, s2;
	s9 =	sshll.u32 s2, $0x1  }
0xa: {  	_ =	strace $0x80000047;
	s11 =	smul.u32 $0x9E00, s2;
	p0 =	slt.u32 s2, $0x2  }
0xb: {  	s19 =	sshll.u32 s2, $0x6;
	s9 =	sor.u32 s5, s9;
	s5 =	ssub.s32 $0x2, s5  }
0xc: {  	s19 =	sor.u32 $0x1C01, s19;
	s6 =	sadd.s32 s8, s6;
	s28 =	smul.u32 $0x4E, s9  }
0xd: {  	s10 =	sshrl.u32 s5, $0x1;
	s29 =	smin.u32 s9, $0x4;
	s31 =	sshrl.u32 s11, $0x2  }
0xe: {  	s6 =	sshrl.u32 s6, $0x3;
	s10 =	ssub.s32 s5, s10;
	s5 =	sadd.s32 s31, s1  }
0xf: {  	s12 =	sadd.s32 s6, s4;
	s30 =	sadd.s32 s29, s28;
	s4 =	simm.s32 $0x4F  }
0x10: {  	s6 =	sadd.s32 $0x2000, s5;
	s10 =	smax.u32 s10, $0x1;
	s11 =	sadd.s32 $0x800, s5  }
0x11: {  	s13 =	sadd.s32 $0x1800, s5;
	s8 =	sshll.u32 s30, $0x5;
	s4 =	simm.s32 @!p0 $0x4E  }
0x12: {  	s9 =	sadd.s32 $0x3200, s12;
	s12 =	sadd.s32 $0x1000, s5;
	s8 =	sadd.s32 s8, s7  }
0x13: {  	v0 =	vimm.f32 $1.000000000e+00;
	v1 =	vimm.f32 $0.0e+00;
	p0 =	sgt.u32 s2, $0x1;
	s7 =	sadd.s32 $0x10, s8;
	s8 =	sadd.s32 $0x9D0, s8  }
.LBB2_1:
0x14: {  	s23 =	simm.s32 $0x0  }
.LBB2_2:
0x15: {  	p1 =	sne.s32 s23, $0x1FC0  }
.Ltmp0:
0x16: {  	_ = 	snop;
	(pc) =	sbr.rel @p1 .LBB2_2-.Ltmp0, $3  }
0x17: {  	_ =	sdelay $0x1  }
0x18: {  	s24 =	sshra.s32 s23, $0x2  }
0x19: {  	s23 =	sadd.s32 $0x40, s23;
	[tilespmem:s24+$0x2780] =	vst v0  }
0x1a: {  	s23 =	simm.s32 $0x40;
	s24 =	simm.s32 $0x0  }
.LBB2_4:
0x1b: {  	p1 =	sne.s32 s23, $0x1FC0;
	[tilespmem:s24+$0x2F80] =	vst v1;
	s24 =	smov.u32 s23;
	s23 =	sadd.s32 $0x40, s23  }
.Ltmp1:
0x1c: {  	(pc) =	sbr.rel @p1 .LBB2_4-.Ltmp1, $2  }
0x1d: {  	_ =	sdelay $0x2  }
0x1e: {  	s24 =	sshra.s32 s24, $0x2  }
0x1f: {  	[tilespmem:s24+$0x2F80] =	vst v1  }
0x20: {  	[spmem:s5] =	stream.linear.scatter [tilespmem:s14], [sflag:$0x1], $0x800, $0x38;
	[tilespmem:$0x5F00] =	vst v63  }
0x21: {  	_ =	swait.ge [sflag:s15], $0x800  }
0x22: {  	[sflag:s15] =	ssyncset.done $0x0  }
0x23: {  	[sflag:s15] =	ssyncadd.s32 $0xFFFFF800  }
0x24: {  	[spmem:s11] =	stream.linear.scatter [tilespmem:s14], [sflag:$0x1], $0x800, $0x38;
	[tilespmem:$0x5F00] =	vst v63  }
0x25: {  	_ =	swait.ge [sflag:s15], $0x800  }
0x26: {  	[sflag:s15] =	ssyncset.done $0x0  }
0x27: {  	[sflag:s15] =	ssyncadd.s32 $0xFFFFF800  }
0x28: {  	[spmem:s12] =	stream.linear.scatter [tilespmem:s14], [sflag:$0x1], $0x800, $0x38;
	[tilespmem:$0x5F00] =	vst v63  }
0x29: {  	_ =	swait.ge [sflag:s15], $0x800  }
0x2a: {  	[sflag:s15] =	ssyncset.done $0x0  }
0x2b: {  	[sflag:s15] =	ssyncadd.s32 $0xFFFFF800  }
0x2c: {  	[spmem:s13] =	stream.linear.scatter [tilespmem:s14], [sflag:$0x1], $0x800, $0x38;
	[tilespmem:$0x5F00] =	vst v63  }
0x2d: {  	_ =	swait.ge [sflag:s15], $0x800  }
0x2e: {  	[sflag:s15] =	ssyncset.done $0x0  }
0x2f: {  	[sflag:s15] =	ssyncadd.s32 $0xFFFFF800  }
0x30: {  	[spmem:s6] =	stream.linear.scatter [tilespmem:s14], [sflag:$0x1], $0x780, $0x38;
	[tilespmem:$0x5F00] =	vst v63  }
0x31: {  	_ =	swait.ge [sflag:s15], $0x780  }
0x32: {  	[sflag:s15] =	ssyncset.done $0x0  }
0x33: {  	[sflag:s15] =	ssyncadd.s32 $0xFFFFF880  }
0x34: {  	[tilespmem:s3], [sflag:$0x1] =	stream.strided.gather [hbm4b:s7+s16], $0x2700, s17, s16, $0x38;
	[tilespmem:$0x5F00] =	vst v63  }
0x35: {  	_ =	swait.ge [sflag:s15], $0x2700  }
0x36: {  	[sflag:s15] =	ssyncset.done $0x0  }
0x37: {  	s23 =	simm.s32 @!p0 $0x0;
	s24 =	simm.s32 @!p0 $0x2700;
	[sflag:s15] =	ssyncadd.s32 $0xFFFFD900  }
0x38: {  	[tilespmem:s24], [sflag:$0x1] =	stream.linear.gather @!p0 [hbm4b:s8+s23], $0x80, $0x38;
	[tilespmem:$0x5F00] =	vst v63  }
0x39: {  	s23 =	simm.s32 @!p0 $0x1  }
0x3a: {  	_ =	swait.ge @!p0 [sflag:s23], $0x80  }
0x3b: {  	p1 =	sne.s32 s4, $0x1;
	[sflag:s23] =	ssyncset.done @!p0 $0x0  }
.Ltmp2:
0x3c: {  	[sflag:s23] =	ssyncadd.s32 @!p0 $0xFFFFFF80;
	(pc) =	sbr.rel @!p1 .LBB2_7-.Ltmp2, $4  }
0x3d: {  	s23 =	simm.s32 $0x0;
	[bflag:$0x0] =	sbarrier.arrive $0xFFFF  }
0x3e: {  	[spmem:s1] =	stream.indirect.scatter.add.f32 [tilespmem:s18], [sflag:$0x1], $0x10, s23, s16, $0xb8;
	[tilespmem:$0x5F00] =	vst v63  }
0x3f: {  	_ =	swait.ge [sflag:s15], $0x800  }
0x40: {  	s24 =	sadd.s32 $0xFFFFFFFF, s4;
	[sflag:s15] =	ssyncset.done $0x0  }
.LBB2_6:
0x41: {  	p1 =	sne.s32 s24, $0x1;
	[sflag:s15] =	ssyncadd.s32 $0xFFFFF800;
	s23 =	sadd.s32 $0x80, s23  }
.Ltmp3:
0x42: {  	s24 =	sadd.s32 $0xFFFFFFFF, s24;
	(pc) =	sbr.rel @p1 .LBB2_6-.Ltmp3, $4  }
0x43: {  	_ = 	snop  }
0x44: {  	[spmem:s1] =	stream.indirect.scatter.add.f32 [tilespmem:s18], [sflag:$0x1], $0x10, s23, s16, $0xb8;
	[tilespmem:$0x5F00] =	vst v63  }
0x45: {  	_ =	swait.ge [sflag:s15], $0x800  }
0x46: {  	[sflag:s15] =	ssyncset.done $0x0  }
.LBB2_7:
0x47: {  	s22 =	sadd.s32 $0x1, s22  }
0x48: {  	[sflag:s15] =	ssyncadd.s32 $0xFFFFF800;
	p1 =	sne.s32 s22, s10  }
.Ltmp4:
0x49: {  	s23 =	sshrl.u32 s5, $0x3;
	[bflag:$0x0] =	sbarrier.arrive $0xFFFF;
	(pc) =	sbr.rel @p1 .LBB2_1-.Ltmp4, $4  }
0x4a: {  	[hbm:s9@s20], [sflag:s19] =	dma.strided [spmem:s23@s21], $0x4F0, s15, $0x2   }
0x4b: {  	_ =	swait.ge [sflag:s15], $0x4F0  }
0x4c: {  	[sflag:s15] =	ssyncset.done $0x0  }
0x4d: {  	[sflag:s15] =	ssyncadd.s32 $0xFFFFFB10  }
0x4e: {  	_ =	sfence.sel $0x180000  }
0x4f: {  	[bflag:$0x0] =	sbarrier.arrive $0xFFFF  }
0x50: {  	p0 =	sne.s32 s2, $0x0;
	_ =	strace $0x90000047  }
0x51: {  	s0 =	sadd.s32 @!p0 $0x100000, s0;
	[bflag:$0x2] =	sbarrier.arrive $0xFFFF  }
0x52: {  	[sflag:s0] =	ssyncadd.tile.s32 @!p0 $0x1;
	_ =	shalt  }
.Lfunc_end2:
_tile_overlayer_lowered:
.L_overlay_start_2:
0x53: {  	(tag) =	ssettag $0x2  }
0x54: {  	s0 =	rddreg [dreg:$0x0];
	s2 =	stileid.u32  }
0x55: {  	s1 =	rddreg [dreg:$0x1];
	p0 =	sne.s32 s2, $0x0  }
0x56: {  	s3 =	rddreg [dreg:$0x2];
	[bflag:$0x3] =	sbarrier.arrive $0xFFFF;
	s2 =	simm.s32 @!p0 $0x1C01  }
0x57: {  	[timem:s3], [sflag:s2] =	dma.local @!p0 [hbm:s0], s1  }
0x58: {  	s0 =	simm.s32 @!p0 $0x1  }
0x59: {  	_ =	swait.ge @!p0 [sflag:s0], s1  }
0x5a: {  	s1 =	ssub.s32 @!p0 $0x0, s1;
	[sflag:s0] =	ssyncset.done @!p0 $0x0  }
0x5b: {  	[sflag:s0] =	ssyncadd.s32 @!p0 s1  }
0x5c: {  	[bflag:$0x3] =	sbarrier.arrive $0xFFFF  }
0x5d: {  	_ =	shalt  }

// kernel: kernel.13.cloned.1.call-start
scs
__scs_entry_jumppad:
0x0: {  	(pc) =	sbr.rel $0x88, $3  }
0x1: {  	(tag) =	ssettag $0x0;
	lr =	simm.s32 $0x1  }
0x2: {  	[smem:$0x3F99] =	sst lr;
	_ =	strace $0xD0000000  }
0x3: {  	_ = 	snop  }
0x4: {  	_ = 	snop  }
0x5: {  	_ = 	snop  }
0x6: {  	_ = 	snop  }
0x7: {  	_ = 	snop  }
__scs_overlays_trampoline_lowered:
0x8: {  	[smem:$0x3FA8] =	sst s0  }
0x9: {  	[smem:$0x3FA9] =	sst s1  }
0xa: {  	[smem:$0x3FAA] =	sst s2  }
0xb: {  	[smem:$0x3FAB] =	sst s3  }
0xc: {  	[smem:$0x3FAC] =	sst s4  }
0xd: {  	[smem:$0x3FAD] =	sst s5  }
0xe: {  	[smem:$0x3FAE] =	sst s6  }
0xf: {  	[smem:$0x3FAF] =	sst s7  }
0x10: {  	[smem:$0x3FB0] =	sst s8  }
0x11: {  	[smem:$0x3FB1] =	sst s9;
	s0 =	simm.s32 @!p0 $0x0  }
0x12: {  	s1 =	sld [smem:$0x3F97];
	s0 =	simm.s32 @p0 $0x1  }
0x13: {  	[smem:$0x3FB2] =	sst s0;
	s0 =	simm.s32 @!p1 $0x0  }
0x14: {  	s2 =	sld [smem:$0x3F96];
	s0 =	simm.s32 @p1 $0x1  }
0x15: {  	[smem:$0x3FB3] =	sst s0;
	s0 =	simm.s32 @!p2 $0x0  }
0x16: {  	s3 =	sld [smem:$0x3FDB];
	s0 =	simm.s32 @p2 $0x1  }
0x17: {  	s4 =	simm.s32 $0x1BF5;
	[smem:$0x3FB5] =	sst s0  }
0x18: {  	s0 =	sld [smem:$0x3F98];
	_ =	swait.ge [sflag:s4], $0x0  }
0x19: {  	s7 =	sld [smem:$0x3F99]  }
0x1a: {  	s8 =	sadd.s32 $0xFFFFE003, lr  }
0x1b: {  	s9 =	sadd.s32 $0xFFFFFEF7, lr;
	s5 =	simm.s32 $0xFFFFFFFF;
	p2 =	slt.u32 s8, $0xFFFFF086  }
0x1c: {  	p1 =	slt.u32 s9, $0xF7A;
	s5 =	simm.s32 @!p2 $0x0  }
0x1d: {  	s5 =	simm.s32 @p1 $0x1;
	p0 =	seq.s32 s7, s2  }
0x1e: {  	s7 =	smul.u32 @!p0 $0xF7A, s2;
	p2 =	seq.s32 @!p0 s5, $0x0  }
0x1f: {  	s9 =	smul.u32 $0xF7A, s1;
	s8 =	simm.s32 @!p0 $0x1BF5;
	p2 =	por !p2, p0  }
0x20: {  	[sflag:s8] =	ssyncset.s32 @!p0 $0xFFFFF086;
	s6 =	sadd.s32 @!p0 s3, s7;
	s7 =	simm.s32 @!p0 $0x108  }
0x21: {  	s3 =	sadd.s32 s3, s9;
	s6 =	sadd.s32 @!p0 $0x88, s6;
	s7 =	simm.s32 @p2 $0x1082  }
0x22: {  	[simem:s7], [sflag:s8] =	dma.local @!p0 [hbm:s6], $0xF7A  }
0x23: {  	s9 =	sor.u32 $0xD0000000, s2;
	s6 =	simm.s32 $0x108;
	_ =	swait.ge @!p0 [sflag:s8], $0x0  }
0x24: {  	s3 =	sadd.s32 $0x88, s3;
	s6 =	simm.s32 @!p1 $0x1082;
	[sflag:s4] =	ssyncset.s32 $0xFFFFF086  }
0x25: {  	[simem:s6], [sflag:s4] =	dma.local [hbm:s3], $0xF7A  }
0x26: {  	[smem:$0x3F99] =	sst s1;
	(tag) =	ssettag s2;
	_ =	strace s9  }
0x27: {  	s1 =	sld [smem:$0x3FA9]  }
0x28: {  	s2 =	sld [smem:$0x3FAA]  }
0x29: {  	s4 =	sld [smem:$0x3FAC]  }
0x2a: {  	p0 =	seq.s32 s5, $0x0;
	s5 =	sld [smem:$0x3FAD]  }
0x2b: {  	s6 =	sld [smem:$0x3FAE]  }
0x2c: {  	s7 =	sld [smem:$0x3FAF]  }
0x2d: {  	s3 =	simm.s32 $0x108;
	s8 =	sld [smem:$0x3FB0]  }
0x2e: {  	s3 =	simm.s32 @!p0 $0x1082;
	s9 =	sld [smem:$0x3FB1]  }
0x2f: {  	lr =	sadd.s32 s0, s3;
	s0 =	sld [smem:$0x3FA8]  }
0x30: {  	s3 =	sld [smem:$0x3FAB]  }
0x31: {  	[smem:$0x3FB4] =	sst s10  }
0x32: {  	s10 =	sld [smem:$0x3FB2];
	_ =	sdelay $0x3  }
0x33: {  	p0 =	seq.s32 s10, $0x1;
	s10 =	sld [smem:$0x3FB4];
	_ =	sdelay $0x3  }
0x34: {  	[smem:$0x3FB4] =	sst s10  }
0x35: {  	s10 =	sld [smem:$0x3FB3];
	_ =	sdelay $0x3  }
0x36: {  	p1 =	seq.s32 s10, $0x1;
	s10 =	sld [smem:$0x3FB4];
	_ =	sdelay $0x3  }
0x37: {  	[smem:$0x3FB4] =	sst s10  }
0x38: {  	s10 =	sld [smem:$0x3FB5]  }
0x39: {  	_ = 	snop;
	(pc) =	sbr.ind lr, $3  }
0x3a: {  	_ = 	snop  }
0x3b: {  	_ = 	snop  }
0x3c: {  	p2 =	seq.s32 s10, $0x1;
	s10 =	sld [smem:$0x3FB4]  }
0x3d: {  	_ =	shalt  }
0x3e: {  	_ =	shalt  }
0x3f: {  	_ =	shalt  }
0x40: {  	_ =	shalt  }
0x41: {  	_ =	shalt  }
0x42: {  	_ =	shalt  }
0x43: {  	_ =	shalt  }
0x44: {  	_ =	shalt  }
0x45: {  	_ =	shalt  }
0x46: {  	_ =	shalt  }
0x47: {  	_ =	shalt  }
0x48: {  	_ =	shalt  }
0x49: {  	_ =	shalt  }
0x4a: {  	_ =	shalt  }
0x4b: {  	_ =	shalt  }
0x4c: {  	_ =	shalt  }
0x4d: {  	_ =	shalt  }
0x4e: {  	_ =	shalt  }
0x4f: {  	_ =	shalt  }
0x50: {  	_ =	shalt  }
0x51: {  	_ =	shalt  }
0x52: {  	_ =	shalt  }
0x53: {  	_ =	shalt  }
0x54: {  	_ =	shalt  }
0x55: {  	_ =	shalt  }
0x56: {  	_ =	shalt  }
0x57: {  	_ =	shalt  }
0x58: {  	_ =	shalt  }
0x59: {  	_ =	shalt  }
0x5a: {  	_ =	shalt  }
0x5b: {  	_ =	shalt  }
0x5c: {  	_ =	shalt  }
0x5d: {  	_ =	shalt  }
0x5e: {  	_ =	shalt  }
0x5f: {  	_ =	shalt  }
0x60: {  	_ =	shalt  }
0x61: {  	_ =	shalt  }
0x62: {  	_ =	shalt  }
0x63: {  	_ =	shalt  }
0x64: {  	_ =	shalt  }
0x65: {  	_ =	shalt  }
0x66: {  	_ =	shalt  }
0x67: {  	_ =	shalt  }
0x68: {  	_ =	shalt  }
0x69: {  	_ =	shalt  }
0x6a: {  	_ =	shalt  }
0x6b: {  	_ =	shalt  }
0x6c: {  	_ =	shalt  }
0x6d: {  	_ =	shalt  }
0x6e: {  	_ =	shalt  }
0x6f: {  	_ =	shalt  }
0x70: {  	_ =	shalt  }
0x71: {  	_ =	shalt  }
0x72: {  	_ =	shalt  }
0x73: {  	_ =	shalt  }
0x74: {  	_ =	shalt  }
0x75: {  	_ =	shalt  }
0x76: {  	_ =	shalt  }
0x77: {  	_ =	shalt  }
0x78: {  	_ =	shalt  }
0x79: {  	_ =	shalt  }
0x7a: {  	_ =	shalt  }
0x7b: {  	_ =	shalt  }
0x7c: {  	_ =	shalt  }
0x7d: {  	_ =	shalt  }
0x7e: {  	_ =	shalt  }
0x7f: {  	_ =	shalt  }
0x80: {  	_ =	shalt  }
0x81: {  	_ =	shalt  }
0x82: {  	_ =	shalt  }
0x83: {  	_ =	shalt  }
0x84: {  	_ =	shalt  }
0x85: {  	_ =	shalt  }
0x86: {  	_ =	shalt  }
0x87: {  	_ =	shalt  }
.Lfunc_end0:
.L_simem_size_0:
called_computation.1_lowered:
.L_overlay_start_0:
0x88: {  	s2 =	sld [smem:$0x3FD9]  }
0x89: {  	s3 =	sld [smem:$0x3FFE];
	_ =	sdelay $0x1  }
0x8a: {  	s1 =	srdreg.scid  }
0x8b: {  	s0 =	sand.u32 $0x1, s1  }
0x8c: {  	s17 =	sshll.u32 s0, $0xA;
	s2 =	sadd.s32 s3, s2  }
0x8d: {  	s2 =	sadd.s32 s2, s17  }
0x8e: {  	[smem:$0x3FC0] =	sst s2  }
0x8f: {  	_ = 	snop  }
0x90: {  	s2 =	sld [smem:$0x3FC8];
	(tm) =	ssettm $0x1  }
0x91: {  	s18 =	sld [smem:$0x3FFB];
	_ =	sdelay $0x3  }
0x92: {  	_ =	strace s18  }
0x93: {  	s3 =	sld [smem:$0x3FFC];
	_ =	sdelay $0x3  }
0x94: {  	_ =	strace s3  }
0x95: {  	s3 =	sld [smem:$0x3FFD];
	_ =	sdelay $0x3  }
0x96: {  	_ =	strace s3  }
0x97: {  	_ =	strace $0x8FFFFFFF  }
0x98: {  	s19 =	sld [smem:$0x3FDB];
	_ =	sdelay $0x1  }
0x99: {  	s4 =	simm.s32 $_scs_section_size  }
0x9a: {  	s5 =	simm.s32 $_size__tile_overlayer_lowered;
	s6 =	simm.s32 $_tile_overlayer_lowered  }
0x9b: {  	s22 =	simm.s32 $0x1BFF;
	s21 =	sshll.u32 s6, $0x1;
	s3 =	sadd.s32 s4, s19  }
0x9c: {  	s7 =	simm.s32 $0x0;
	s20 =	sshll.u32 s5, $0x1;
	s5 =	sadd.s32 s21, s3  }
0x9d: {  	[timem:s7], [sflag:s22] =	dma.local [hbm:s5], s20  }
0x9e: {  	_ =	swait.ge [sflag:s22], s20  }
0x9f: {  	s4 =	ssub.s32 $0x0, s20;
	[sflag:s22] =	ssyncset.done $0x0  }
0xa0: {  	[sflag:s22] =	ssyncadd.s32 s4;
	_ =	sdelay $0x1  }
0xa1: {  	s23 =	simm.s32 $0x1B8B  }
0xa2: {  	_ =	swait.ge [sflag:s23], $0x1  }
0xa3: {  	[sflag:s23] =	ssyncset.done $0x0  }
0xa4: {  	s25 =	simm.s32 $0x1B8E;
	s24 =	sld [smem:$0x3FFE];
	[sflag:s23] =	ssyncadd.s32 $0xFFFFFFFF  }
0xa5: {  	s26 =	simm.s32 $execute0_lowered;
	[smem:$0x3FD2] =	sst s25  }
0xa6: {  	s5 =	sshll.u32 s26, $0x1;
	_ =	strace $0x80000049;
	[dreg:$0x1] =	wrdreg $0xFFFFFFFF  }
0xa7: {  	s28 =	simm.s32 $_size_execute0_lowered;
	s3 =	sadd.s32 s3, s5;
	[dreg:$0x0] =	wrdreg $0x0  }
0xa8: {  	s5 =	sshll.u32 s28, $0x1;
	[dreg:$0x2] =	wrdreg s3  }
0xa9: {  	[dreg:$0x3] =	wrdreg s5  }
0xaa: {  	[dreg:$0x4] =	wrdreg $0xC0  }
0xab: {  	_ =	task [dreg:s7], $0x5FFFF  }
0xac: {  	[dreg:$0x1] =	wrdreg $0xFFFFFFFF  }
0xad: {  	[dreg:$0x0] =	wrdreg $0x60  }
0xae: {  	[dreg:$0x2] =	wrdreg s24  }
0xaf: {  	[dreg:$0x3] =	wrdreg s2  }
0xb0: {  	[dreg:$0x4] =	wrdreg $0x14D000  }
0xb1: {  	[dreg:$0x5] =	wrdreg $0xAF000  }
0xb2: {  	[dreg:$0x6] =	wrdreg $0x9  }
0xb3: {  	_ =	task.clear_ibuf [dreg:s7], $0x7FFFF;
	_ =	strace $0x90000049  }
0xb4: {  	s29 =	simm.s32 $0x9;
	_ =	strace $0x8000004B  }
0xb5: {  	_ =	swait.ge [sflag:s29], $0x1  }
0xb6: {  	[sflag:s29] =	ssyncadd.s32 $0xFFFFFFFF  }
0xb7: {  	_ =	strace $0x9000004B  }
0xb8: {  	_ =	sfence  }
0xb9: {  	s30 =	sld [smem:$0x0];
	_ =	sdelay $0x2  }
0xba: {  	s31 =	sshll.u32 s1, $0xD;
	s1 =	sshrl.u32 s1, $0x2  }
0xbb: {  	s3 =	sand.u32 $0x4000, s31;
	s1 =	sadd.s32 s1, s30  }
0xbc: {  	s0 =	sor.u32 s3, s0;
	s1 =	sshll.u32 s1, $0x11  }
0xbd: {  	s0 =	sor.u32 s1, s0  }
0xbe: {  	s0 =	sadd.s32 $0x8F2B, s0  }
0xbf: {  	[sflag:s0] =	ssyncadd.remote.s32 $0x1  }
0xc0: {  	_ =	sfence.sel $0xFFFF  }
0xc1: {  	[dreg:$0x0] =	wrdreg $0xFFFFFFFF;
	(pc) =	sbr.abs _section_cstart, $3  }
0xc2: {  	[dreg:$0x1] =	wrdreg $0xFFFFFFFF  }
0xc3: {  	_ =	task.clear_ibuf [dreg:s7], $0x2FFFF;
	_ =	strace $0x9FFFFFFF  }
0xc4: {  	(tm) =	ssettm $0x7FFFFFFF  }
0xc5: {  	_ =	shalt  }
tec
execute0_lowered:
.L_overlay_start_1:
0x0: {  	(tag) =	ssettag $0x1  }
0x1: {  	s0 =	rddreg [dreg:$0x0]  }
0x2: {  	s1 =	rddreg [dreg:$0x1]  }
0x3: {  	s2 =	rddreg [dreg:$0x2]  }
0x4: {  	s3 =	rddreg [dreg:$0x3]  }
0x5: {  	s11 =	stileid.u32;
	s6 =	srdreg.scid  }
0x6: {  	s4 =	simm.s32 $0x0;
	s28 =	simm.s32 $0x80;
	s5 =	smul.u32 $0x13C00, s11  }
0x7: {  	s30 =	simm.s32 $0x2;
	s6 =	sand.u32 $0x1, s6;
	s15 =	smul.u32 $0x9E00, s11  }
0x8: {  	[smem:$0x7FF] =	sst s4;
	s9 =	sshll.u32 s11, $0x1;
	s20 =	smul.u32 $0x27800, s11  }
0x9: {  	p0 =	slt.u32 s11, $0x2;
	s24 =	sshll.u32 s11, $0x6;
	s8 =	smul.u32 $0x13C000, s6  }
0xa: {  	_ =	strace $0x8000004A;
	s17 =	ssub.s32 $0x2, s6;
	s6 =	sor.u32 s6, s9  }
0xb: {  	[dreg:$0x6] =	wrdreg s24;
	s7 =	sshrl.u32 s5, $0x3;
	s18 =	sshrl.u32 s17, $0x1  }
0xc: {  	s10 =	smul.u32 $0x4E, s6;
	s6 =	smin.u32 s6, $0x4;
	s22 =	sadd.s32 s15, s2  }
0xd: {  	s25 =	sshrl.u32 s20, $0x2;
	s31 =	sadd.s32 s15, s3;
	s7 =	sadd.s32 s7, s0  }
0xe: {  	s5 =	sadd.s32 s5, s8;
	s19 =	ssub.s32 s17, s18;
	s8 =	sadd.s32 s25, s3  }
0xf: {  	s17 =	simm.s32 $0x9C000;
	s20 =	sshrl.u32 s22, $0x3;
	s22 =	simm.s32 $0x8  }
0x10: {  	s25 =	sshrl.u32 s31, $0x3;
	s5 =	sshrl.u32 s5, $0x3;
	s21 =	sadd.s32 s6, s10  }
0x11: {  	s23 =	sadd.s32 $0x3200, s7;
	s6 =	sor.u32 $0x1C02, s24;
	s26 =	sadd.s32 $0x8000, s8  }
0x12: {  	s15 =	smax.u32 s19, $0x1;
	s16 =	sadd.s32 $0x2000, s8;
	s18 =	sadd.s32 $0x4000, s8  }
0x13: {  	s19 =	sadd.s32 $0x6000, s8;
	s17 =	simm.s32 @!p0 $0x9A000;
	[dreg:$0x5] =	wrdreg s23  }
0x14: {  	s24 =	simm.s32 $0x8F00;
	s0 =	sadd.s32 s5, s0;
	[dreg:$0x7] =	wrdreg s6  }
0x15: {  	s9 =	sshll.u32 s21, $0x5;
	[dreg:$0x8] =	wrdreg s26;
	s21 =	simm.s32 $0x1  }
0x16: {  	s23 =	simm.s32 $0x10;
	s26 =	simm.s32 $0x3;
	s9 =	sadd.s32 s1, s9  }
0x17: {  	s14 =	sadd.s32 $0x2AA00, s0;
	s1 =	simm.s32 $0x0;
	s29 =	sadd.s32 $0x9C0, s9  }
0x18: {  	v0 =	vimm.f32 $0.0e+00;
	s11 =	sadd.s32 $0x10, s9;
	s13 =	sadd.s32 $0x9D0, s9;
	[dreg:$0x9] =	wrdreg s29  }
.LBB2_1:
0x19: {  	s0 =	rddreg [dreg:$0x5]  }
0x1a: {  	s5 =	rddreg [dreg:$0x7];
	s29 =	sand.u32 $0x7F00, s4  }
0x1b: {  	[spmem:s20@s22], [sflag:s5] =	dma.strided [hbm:s0@s23], $0x13C0, s21, $0x8   }
0x1c: {  	s31 =	sand.u32 $0x30, s4;
	s7 =	sshrl.u32 s29, $0x2  }
0x1d: {  	s0 =	simm.s32 $0x40;
	s5 =	simm.s32 $0x0;
	s7 =	sor.u32 s31, s7  }
.LBB2_2:
0x1e: {  	p1 =	seq.s32 s0, $0x7FC0  }
0x1f: {  	[tilespmem:s7+$0x8F00] =	vst v0;
	s5 =	sadd.s32 $0x10, s5;
	s7 =	smov.u32 s0;
	s0 =	sadd.s32 $0x40, s0  }
.Ltmp0:
0x20: {  	(pc) =	sbr.rel @!p1 .LBB2_2-.Ltmp0, $4  }
0x21: {  	_ = 	snop  }
0x22: {  	s7 =	sand.u32 $0x7F00, s7  }
0x23: {  	s10 =	sand.u32 $0x30, s5;
	s7 =	sshrl.u32 s7, $0x2  }
0x24: {  	s7 =	sor.u32 s10, s7  }
0x25: {  	[tilespmem:s7+$0x8F00] =	vst v0  }
0x26: {  	[spmem:s8] =	stream.linear.scatter [tilespmem:s24], [sflag:$0x3], $0x2000, $0x38;
	[tilespmem:$0x1EB00] =	vst v63  }
0x27: {  	_ =	swait.ge [sflag:s26], $0x2000  }
0x28: {  	[sflag:s26] =	ssyncset.done $0x0  }
0x29: {  	[sflag:s26] =	ssyncadd.s32 $0xFFFFE000  }
0x2a: {  	[spmem:s16] =	stream.linear.scatter [tilespmem:s24], [sflag:$0x3], $0x2000, $0x38;
	[tilespmem:$0x1EB00] =	vst v63  }
0x2b: {  	_ =	swait.ge [sflag:s26], $0x2000  }
0x2c: {  	[sflag:s26] =	ssyncset.done $0x0  }
0x2d: {  	[sflag:s26] =	ssyncadd.s32 $0xFFFFE000  }
0x2e: {  	[spmem:s18] =	stream.linear.scatter [tilespmem:s24], [sflag:$0x3], $0x2000, $0x38;
	[tilespmem:$0x1EB00] =	vst v63  }
0x2f: {  	_ =	swait.ge [sflag:s26], $0x2000  }
0x30: {  	[sflag:s26] =	ssyncset.done $0x0  }
0x31: {  	[sflag:s26] =	ssyncadd.s32 $0xFFFFE000  }
0x32: {  	[spmem:s19] =	stream.linear.scatter [tilespmem:s24], [sflag:$0x3], $0x2000, $0x38;
	[tilespmem:$0x1EB00] =	vst v63  }
0x33: {  	_ =	swait.ge [sflag:s26], $0x2000  }
0x34: {  	[sflag:s26] =	ssyncset.done $0x0  }
0x35: {  	s0 =	rddreg [dreg:$0x8];
	[sflag:s26] =	ssyncadd.s32 $0xFFFFE000  }
0x36: {  	[spmem:s0] =	stream.linear.scatter [tilespmem:s24], [sflag:$0x3], $0x1E00, $0x38;
	[tilespmem:$0x1EB00] =	vst v63  }
0x37: {  	_ =	swait.ge [sflag:s26], $0x1E00  }
0x38: {  	[sflag:s26] =	ssyncset.done $0x0  }
0x39: {  	s10 =	simm.s32 $0x100;
	[sflag:s26] =	ssyncadd.s32 $0xFFFFE200  }
0x3a: {  	[tilespmem:s4], [sflag:$0x3] =	stream.strided.gather [hbm4b:s9+s28], $0x2700, s10, s28, $0x38;
	[tilespmem:$0x1EB00] =	vst v63  }
0x3b: {  	_ =	swait.ge [sflag:s26], $0x2700  }
0x3c: {  	s5 =	simm.s32 @p0 $0x2700;
	[sflag:s26] =	ssyncset.done $0x0  }
0x3d: {  	s0 =	simm.s32 @p0 $0x0;
	s6 =	rddreg [dreg:$0x9];
	[sflag:s26] =	ssyncadd.s32 $0xFFFFD900  }
0x3e: {  	[tilespmem:s5], [sflag:$0x3] =	stream.linear.gather @p0 [hbm4b:s6+s0], $0x80, $0x38;
	[tilespmem:$0x1EB00] =	vst v63  }
0x3f: {  	s5 =	simm.s32 @p0 $0x3  }
0x40: {  	_ =	swait.ge @p0 [sflag:s5], $0x80  }
0x41: {  	s7 =	simm.s32 @p0 $0x80;
	[sflag:s5] =	ssyncset.done @p0 $0x0  }
0x42: {  	s29 =	simm.s32 @p0 $0x2780;
	s10 =	simm.s32 @p0 $0x100;
	[sflag:s5] =	ssyncadd.s32 @p0 $0xFFFFFF80  }
0x43: {  	[tilespmem:s29], [sflag:$0x3] =	stream.strided.gather @p0 [hbm4b:s11+s7], $0x2700, s10, s7, $0x38;
	[tilespmem:$0x1EB00] =	vst v63  }
0x44: {  	_ =	swait.ge @p0 [sflag:s5], $0x2700  }
0x45: {  	[sflag:s5] =	ssyncset.done @p0 $0x0  }
0x46: {  	s7 =	simm.s32 @p0 $0x4E80;
	[sflag:s5] =	ssyncadd.s32 @p0 $0xFFFFD900  }
0x47: {  	[tilespmem:s7], [sflag:$0x3] =	stream.linear.gather @p0 [hbm4b:s13+s0], $0x80, $0x38;
	[tilespmem:$0x1EB00] =	vst v63  }
0x48: {  	_ =	swait.ge @p0 [sflag:s5], $0x80  }
0x49: {  	s0 =	simm.s32 @!p0 $0x80;
	[sflag:s5] =	ssyncset.done @p0 $0x0  }
0x4a: {  	s7 =	simm.s32 @!p0 $0x2780;
	[sflag:s5] =	ssyncadd.s32 @p0 $0xFFFFFF80;
	s5 =	simm.s32 @!p0 $0x100  }
0x4b: {  	[tilespmem:s7], [sflag:$0x3] =	stream.strided.gather @!p0 [hbm4b:s11+s0], $0x2700, s5, s0, $0x38;
	[tilespmem:$0x1EB00] =	vst v63  }
0x4c: {  	s0 =	simm.s32 @!p0 $0x3  }
0x4d: {  	_ =	swait.ge @!p0 [sflag:s0], $0x2700  }
0x4e: {  	[sflag:s0] =	ssyncset.done @!p0 $0x0  }
0x4f: {  	s12 =	simm.s32 $0x4F00;
	p2 =	sne.s32 s17, $0x2000;
	[sflag:s0] =	ssyncadd.s32 @!p0 $0xFFFFD900  }
.Ltmp1:
0x50: {  	s31 =	simm.s32 $0x1;
	_ =	swait.ge [sflag:s30], $0x13C0;
	(pc) =	sbr.rel @!p2 .LBB2_4-.Ltmp1, $4  }
0x51: {  	p1 =	por $0x0, $0x0;
	s29 =	simm.s32 $0x80;
	[sflag:s30] =	ssyncset.done $0x0  }
0x52: {  	s10 =	sand.u32 $0x1, s31;
	s7 =	simm.s32 $0x0;
	[sflag:s30] =	ssyncadd.s32 $0xFFFFEC40  }
0x53: {  	s5 =	simm.s32 $0x2000;
	s0 =	simm.s32 $0x2780;
	[bflag:$0x0] =	sbarrier.arrive $0xFFFF  }
0x54: {  	[tilespmem:s12], [sflag:$0x1] =	stream.indirect.gather [spmem:s2], $0x40, s7, s29, $0xb8;
	[tilespmem:$0x1EB00] =	vst v63  }
0x55: {  	p1 =	seq.s32 s10, $0x1;
	s10 =	simm.s32 $0x1  }
0x56: {  	s10 =	simm.s32 @!p1 $0x2  }
0x57: {  	_ =	swait.ge [sflag:s10], $0x2000  }
0x58: {  	[sflag:s10] =	ssyncset.done $0x0  }
0x59: {  	s31 =	simm.s32 @p1 $0x6F00;
	[sflag:s10] =	ssyncadd.s32 $0xFFFFE000;
	s10 =	simm.s32 @p1 $0x80  }
0x5a: {  	[tilespmem:s31], [sflag:$0x2] =	stream.indirect.gather @p1 [spmem:s2], $0x40, s29, s10, $0xb8;
	[tilespmem:$0x1EB00] =	vst v63  }
0x5b: {  	p2 =	sne.s32 s17, $0x4000;
	s10 =	simm.s32 @!p1 $0x80;
	s31 =	simm.s32 @!p1 $0x4F00  }
0x5c: {  	[tilespmem:s31], [sflag:$0x1] =	stream.indirect.gather @!p1 [spmem:s2], $0x40, s29, s10, $0xb8;
	[tilespmem:$0x1EB00] =	vst v63  }
.Ltmp2:
0x5d: {  	s7 =	sand.u32 $0x2000, s7;
	(pc) =	sbr.rel @!p2 .LBB2_6-.Ltmp2, $4  }
0x5e: {  	s7 =	sor.u32 $0x4F00, s7;
	s31 =	simm.s32 $0x4000;
	s29 =	simm.s32 $0x100  }
0x5f: {  	[spmem:s3] =	stream.indirect.scatter.add.f32 [tilespmem:s7], [sflag:$0x3], $0x40, s0, s28, $0xb8;
	[tilespmem:$0x1EB00] =	vst v63  }
0x60: {  	p1 =	por $0x1, $0x1;
	s7 =	simm.s32 $0x2;
	_ =	swait.ge [sflag:s26], $0x2000  }
0x61: {  	s0 =	simm.s32 $0x2800;
	s10 =	sand.u32 $0x1, s7;
	[sflag:s26] =	ssyncset.done $0x0  }
.LBB2_7:
0x62: {  	p3 =	seq.s32 s10, $0x1;
	[sflag:s26] =	ssyncadd.s32 $0xFFFFE000  }
0x63: {  	s10 =	smov.u32 s31;
	s31 =	sadd.s32 $0x2000, s31;
	s6 =	simm.s32 $0x1  }
0x64: {  	p2 =	sne.s32 s17, s31;
	s6 =	simm.s32 @!p3 $0x2  }
0x65: {  	_ =	swait.ge [sflag:s6], $0x2000  }
0x66: {  	[sflag:s6] =	ssyncset.done $0x0  }
0x67: {  	s12 =	simm.s32 @p3 $0x6F00;
	[sflag:s6] =	ssyncadd.s32 $0xFFFFE000;
	s6 =	simm.s32 @p3 $0x80  }
0x68: {  	[tilespmem:s12], [sflag:$0x2] =	stream.indirect.gather @p3 [spmem:s2], $0x40, s29, s6, $0xb8;
	[tilespmem:$0x1EB00] =	vst v63  }
0x69: {  	s5 =	sand.u32 $0x2000, s5;
	s6 =	simm.s32 @!p3 $0x80;
	s12 =	simm.s32 @!p3 $0x4F00  }
0x6a: {  	[tilespmem:s12], [sflag:$0x1] =	stream.indirect.gather @!p3 [spmem:s2], $0x40, s29, s6, $0xb8;
	[tilespmem:$0x1EB00] =	vst v63  }
.Ltmp3:
0x6b: {  	_ = 	snop;
	(pc) =	sbr.rel @p2 .LBB2_7-.Ltmp3, $4  }
0x6c: {  	s6 =	sor.u32 $0x4F00, s5;
	s5 =	smov.u32 s10  }
0x6d: {  	[spmem:s3] =	stream.indirect.scatter.add.f32 [tilespmem:s6], [sflag:$0x3], $0x40, s0, s28, $0xb8;
	[tilespmem:$0x1EB00] =	vst v63  }
0x6e: {  	s7 =	sadd.s32 $0x1, s7;
	s29 =	sadd.s32 $0x80, s29;
	_ =	swait.ge [sflag:s26], $0x2000  }
0x6f: {  	s10 =	sand.u32 $0x1, s7;
	s0 =	sadd.s32 $0x80, s0;
	[sflag:s26] =	ssyncset.done $0x0  }
0x70: {  	s7 =	smov.u32 s5  }
.LBB2_9:
0x71: {  	p2 =	seq.s32 s10, $0x1;
	s5 =	simm.s32 $0x1  }
0x72: {  	[sflag:s26] =	ssyncadd.s32 @p1 $0xFFFFE000;
	s5 =	simm.s32 @!p2 $0x2  }
0x73: {  	_ =	swait.ge [sflag:s5], $0x2000  }
0x74: {  	[sflag:s5] =	ssyncset.done $0x0  }
0x75: {  	s6 =	simm.s32 @p2 $0x6F00;
	[sflag:s5] =	ssyncadd.s32 $0xFFFFE000;
	s5 =	simm.s32 @p2 $0x80  }
0x76: {  	[tilespmem:s6], [sflag:$0x2] =	stream.indirect.gather @p2 [spmem:s2], $0x40, s29, s5, $0xb8;
	[tilespmem:$0x1EB00] =	vst v63  }
0x77: {  	s7 =	sand.u32 $0x2000, s7;
	s5 =	simm.s32 @!p2 $0x80;
	s6 =	simm.s32 @!p2 $0x4F00  }
0x78: {  	[tilespmem:s6], [sflag:$0x1] =	stream.indirect.gather @!p2 [spmem:s2], $0x40, s29, s5, $0xb8;
	[tilespmem:$0x1EB00] =	vst v63  }
0x79: {  	s7 =	sor.u32 $0x4F00, s7  }
0x7a: {  	[spmem:s3] =	stream.indirect.scatter.add.f32 [tilespmem:s7], [sflag:$0x3], $0x40, s0, s28, $0xb8;
	[tilespmem:$0x1EB00] =	vst v63  }
0x7b: {  	_ =	swait.ge [sflag:s26], $0x2000  }
0x7c: {  	s5 =	simm.s32 $0x2;
	[sflag:s26] =	ssyncset.done $0x0  }
0x7d: {  	s5 =	simm.s32 @!p2 $0x1;
	[sflag:s26] =	ssyncadd.s32 $0xFFFFE000  }
0x7e: {  	_ =	swait.ge [sflag:s5], $0x2000  }
0x7f: {  	s10 =	sand.u32 $0x2000, s31;
	[sflag:s5] =	ssyncset.done $0x0  }
0x80: {  	s12 =	sadd.s32 $0x80, s0;
	s29 =	sor.u32 $0x4F00, s10;
	[sflag:s5] =	ssyncadd.s32 $0xFFFFE000  }
0x81: {  	[spmem:s3] =	stream.indirect.scatter.add.f32 [tilespmem:s29], [sflag:$0x3], $0x40, s12, s28, $0xb8;
	[tilespmem:$0x1EB00] =	vst v63  }
0x82: {  	_ =	swait.ge [sflag:s26], $0x2000  }
0x83: {  	[sflag:s26] =	ssyncset.done $0x0  }
0x84: {  	[sflag:s26] =	ssyncadd.s32 $0xFFFFE000  }
0x85: {  	[bflag:$0x0] =	sbarrier.arrive $0xFFFF  }
0x86: {  	s1 =	sadd.s32 $0x1, s1;
	s31 =	rddreg [dreg:$0x6]  }
0x87: {  	p1 =	sne.s32 s1, s15;
	s0 =	sor.u32 $0x1C03, s31  }
0x88: {  	[hbm:s14@s23], [sflag:s0] =	dma.strided [spmem:s25@s22], $0x13C0, s21, $0x8   }
.Ltmp4:
0x89: {  	_ = 	snop;
	(pc) =	sbr.rel @p1 .LBB2_1-.Ltmp4, $4  }
.Ltmp5:
0x8a: {  	_ = 	snop;
	(pc) =	sbr.rel @!p1 .LBB2_10-.Ltmp5, $4  }
0x8b: {  	_ =	swait.ge [sflag:s26], $0x13C0  }
0x8c: {  	[sflag:s26] =	ssyncset.done $0x0  }
0x8d: {  	[sflag:s26] =	ssyncadd.s32 $0xFFFFEC40  }
0x8e: {  	_ = 	snop  }
.LBB2_4:
.Ltmp6:
0x8f: {  	(pc) =	sbr.rel .LBB2_9-.Ltmp6, $2  }
0x90: {  	_ =	sdelay $0x2  }
0x91: {  	s31 =	simm.s32 $0x2000  }
.LBB2_6:
.Ltmp7:
0x92: {  	(pc) =	sbr.rel .LBB2_9-.Ltmp7, $2  }
0x93: {  	_ =	sdelay $0x2  }
0x94: {  	s7 =	simm.s32 $0x2000  }
.LBB2_10:
0x95: {  	_ =	sfence.sel $0x180000  }
0x96: {  	[bflag:$0x0] =	sbarrier.arrive $0xFFFF  }
0x97: {  	_ =	strace $0x9000004A  }
0x98: {  	s0 =	stileid.u32;
	[bflag:$0x2] =	sbarrier.arrive $0xFFFF  }
0x99: {  	p0 =	sne.s32 s0, $0x0;
	s0 =	rddreg [dreg:$0x4]  }
0x9a: {  	s0 =	sadd.s32 @!p0 $0x100000, s0  }
0x9b: {  	[sflag:s0] =	ssyncadd.tile.s32 @!p0 $0x1;
	_ =	shalt  }
.Lfunc_end2:
_tile_overlayer_lowered:
.L_overlay_start_2:
0x9c: {  	(tag) =	ssettag $0x2  }
0x9d: {  	s0 =	rddreg [dreg:$0x0];
	s2 =	stileid.u32  }
0x9e: {  	s1 =	rddreg [dreg:$0x1];
	p0 =	sne.s32 s2, $0x0  }
0x9f: {  	s3 =	rddreg [dreg:$0x2];
	[bflag:$0x3] =	sbarrier.arrive $0xFFFF;
	s2 =	simm.s32 @!p0 $0x1C03  }
0xa0: {  	[timem:s3], [sflag:s2] =	dma.local @!p0 [hbm:s0], s1  }
0xa1: {  	s0 =	simm.s32 @!p0 $0x3  }
0xa2: {  	_ =	swait.ge @!p0 [sflag:s0], s1  }
0xa3: {  	s1 =	ssub.s32 @!p0 $0x0, s1;
	[sflag:s0] =	ssyncset.done @!p0 $0x0  }
0xa4: {  	[sflag:s0] =	ssyncadd.s32 @!p0 s1  }
0xa5: {  	[bflag:$0x3] =	sbarrier.arrive $0xFFFF  }
0xa6: {  	_ =	shalt  }

// kernel: kernel.16.cloned.1.call-start
scs
__scs_entry_jumppad:
0x0: {  	(pc) =	sbr.rel $0x88, $3  }
0x1: {  	(tag) =	ssettag $0x0;
	lr =	simm.s32 $0x1  }
0x2: {  	[smem:$0x3F99] =	sst lr;
	_ =	strace $0xD0000000  }
0x3: {  	_ = 	snop  }
0x4: {  	_ = 	snop  }
0x5: {  	_ = 	snop  }
0x6: {  	_ = 	snop  }
0x7: {  	_ = 	snop  }
__scs_overlays_trampoline_lowered:
0x8: {  	[smem:$0x3FA8] =	sst s0  }
0x9: {  	[smem:$0x3FA9] =	sst s1  }
0xa: {  	[smem:$0x3FAA] =	sst s2  }
0xb: {  	[smem:$0x3FAB] =	sst s3  }
0xc: {  	[smem:$0x3FAC] =	sst s4  }
0xd: {  	[smem:$0x3FAD] =	sst s5  }
0xe: {  	[smem:$0x3FAE] =	sst s6  }
0xf: {  	[smem:$0x3FAF] =	sst s7  }
0x10: {  	[smem:$0x3FB0] =	sst s8  }
0x11: {  	[smem:$0x3FB1] =	sst s9;
	s0 =	simm.s32 @!p0 $0x0  }
0x12: {  	s1 =	sld [smem:$0x3F97];
	s0 =	simm.s32 @p0 $0x1  }
0x13: {  	[smem:$0x3FB2] =	sst s0;
	s0 =	simm.s32 @!p1 $0x0  }
0x14: {  	s2 =	sld [smem:$0x3F96];
	s0 =	simm.s32 @p1 $0x1  }
0x15: {  	[smem:$0x3FB3] =	sst s0;
	s0 =	simm.s32 @!p2 $0x0  }
0x16: {  	s3 =	sld [smem:$0x3FDB];
	s0 =	simm.s32 @p2 $0x1  }
0x17: {  	s4 =	simm.s32 $0x1BF5;
	[smem:$0x3FB5] =	sst s0  }
0x18: {  	s0 =	sld [smem:$0x3F98];
	_ =	swait.ge [sflag:s4], $0x0  }
0x19: {  	s7 =	sld [smem:$0x3F99]  }
0x1a: {  	s8 =	sadd.s32 $0xFFFFE003, lr  }
0x1b: {  	s9 =	sadd.s32 $0xFFFFFEF7, lr;
	s5 =	simm.s32 $0xFFFFFFFF;
	p2 =	slt.u32 s8, $0xFFFFF086  }
0x1c: {  	p1 =	slt.u32 s9, $0xF7A;
	s5 =	simm.s32 @!p2 $0x0  }
0x1d: {  	s5 =	simm.s32 @p1 $0x1;
	p0 =	seq.s32 s7, s2  }
0x1e: {  	s7 =	smul.u32 @!p0 $0xF7A, s2;
	p2 =	seq.s32 @!p0 s5, $0x0  }
0x1f: {  	s9 =	smul.u32 $0xF7A, s1;
	s8 =	simm.s32 @!p0 $0x1BF5;
	p2 =	por !p2, p0  }
0x20: {  	[sflag:s8] =	ssyncset.s32 @!p0 $0xFFFFF086;
	s6 =	sadd.s32 @!p0 s3, s7;
	s7 =	simm.s32 @!p0 $0x108  }
0x21: {  	s3 =	sadd.s32 s3, s9;
	s6 =	sadd.s32 @!p0 $0x88, s6;
	s7 =	simm.s32 @p2 $0x1082  }
0x22: {  	[simem:s7], [sflag:s8] =	dma.local @!p0 [hbm:s6], $0xF7A  }
0x23: {  	s9 =	sor.u32 $0xD0000000, s2;
	s6 =	simm.s32 $0x108;
	_ =	swait.ge @!p0 [sflag:s8], $0x0  }
0x24: {  	s3 =	sadd.s32 $0x88, s3;
	s6 =	simm.s32 @!p1 $0x1082;
	[sflag:s4] =	ssyncset.s32 $0xFFFFF086  }
0x25: {  	[simem:s6], [sflag:s4] =	dma.local [hbm:s3], $0xF7A  }
0x26: {  	[smem:$0x3F99] =	sst s1;
	(tag) =	ssettag s2;
	_ =	strace s9  }
0x27: {  	s1 =	sld [smem:$0x3FA9]  }
0x28: {  	s2 =	sld [smem:$0x3FAA]  }
0x29: {  	s4 =	sld [smem:$0x3FAC]  }
0x2a: {  	p0 =	seq.s32 s5, $0x0;
	s5 =	sld [smem:$0x3FAD]  }
0x2b: {  	s6 =	sld [smem:$0x3FAE]  }
0x2c: {  	s7 =	sld [smem:$0x3FAF]  }
0x2d: {  	s3 =	simm.s32 $0x108;
	s8 =	sld [smem:$0x3FB0]  }
0x2e: {  	s3 =	simm.s32 @!p0 $0x1082;
	s9 =	sld [smem:$0x3FB1]  }
0x2f: {  	lr =	sadd.s32 s0, s3;
	s0 =	sld [smem:$0x3FA8]  }
0x30: {  	s3 =	sld [smem:$0x3FAB]  }
0x31: {  	[smem:$0x3FB4] =	sst s10  }
0x32: {  	s10 =	sld [smem:$0x3FB2];
	_ =	sdelay $0x3  }
0x33: {  	p0 =	seq.s32 s10, $0x1;
	s10 =	sld [smem:$0x3FB4];
	_ =	sdelay $0x3  }
0x34: {  	[smem:$0x3FB4] =	sst s10  }
0x35: {  	s10 =	sld [smem:$0x3FB3];
	_ =	sdelay $0x3  }
0x36: {  	p1 =	seq.s32 s10, $0x1;
	s10 =	sld [smem:$0x3FB4];
	_ =	sdelay $0x3  }
0x37: {  	[smem:$0x3FB4] =	sst s10  }
0x38: {  	s10 =	sld [smem:$0x3FB5]  }
0x39: {  	_ = 	snop;
	(pc) =	sbr.ind lr, $3  }
0x3a: {  	_ = 	snop  }
0x3b: {  	_ = 	snop  }
0x3c: {  	p2 =	seq.s32 s10, $0x1;
	s10 =	sld [smem:$0x3FB4]  }
0x3d: {  	_ =	shalt  }
0x3e: {  	_ =	shalt  }
0x3f: {  	_ =	shalt  }
0x40: {  	_ =	shalt  }
0x41: {  	_ =	shalt  }
0x42: {  	_ =	shalt  }
0x43: {  	_ =	shalt  }
0x44: {  	_ =	shalt  }
0x45: {  	_ =	shalt  }
0x46: {  	_ =	shalt  }
0x47: {  	_ =	shalt  }
0x48: {  	_ =	shalt  }
0x49: {  	_ =	shalt  }
0x4a: {  	_ =	shalt  }
0x4b: {  	_ =	shalt  }
0x4c: {  	_ =	shalt  }
0x4d: {  	_ =	shalt  }
0x4e: {  	_ =	shalt  }
0x4f: {  	_ =	shalt  }
0x50: {  	_ =	shalt  }
0x51: {  	_ =	shalt  }
0x52: {  	_ =	shalt  }
0x53: {  	_ =	shalt  }
0x54: {  	_ =	shalt  }
0x55: {  	_ =	shalt  }
0x56: {  	_ =	shalt  }
0x57: {  	_ =	shalt  }
0x58: {  	_ =	shalt  }
0x59: {  	_ =	shalt  }
0x5a: {  	_ =	shalt  }
0x5b: {  	_ =	shalt  }
0x5c: {  	_ =	shalt  }
0x5d: {  	_ =	shalt  }
0x5e: {  	_ =	shalt  }
0x5f: {  	_ =	shalt  }
0x60: {  	_ =	shalt  }
0x61: {  	_ =	shalt  }
0x62: {  	_ =	shalt  }
0x63: {  	_ =	shalt  }
0x64: {  	_ =	shalt  }
0x65: {  	_ =	shalt  }
0x66: {  	_ =	shalt  }
0x67: {  	_ =	shalt  }
0x68: {  	_ =	shalt  }
0x69: {  	_ =	shalt  }
0x6a: {  	_ =	shalt  }
0x6b: {  	_ =	shalt  }
0x6c: {  	_ =	shalt  }
0x6d: {  	_ =	shalt  }
0x6e: {  	_ =	shalt  }
0x6f: {  	_ =	shalt  }
0x70: {  	_ =	shalt  }
0x71: {  	_ =	shalt  }
0x72: {  	_ =	shalt  }
0x73: {  	_ =	shalt  }
0x74: {  	_ =	shalt  }
0x75: {  	_ =	shalt  }
0x76: {  	_ =	shalt  }
0x77: {  	_ =	shalt  }
0x78: {  	_ =	shalt  }
0x79: {  	_ =	shalt  }
0x7a: {  	_ =	shalt  }
0x7b: {  	_ =	shalt  }
0x7c: {  	_ =	shalt  }
0x7d: {  	_ =	shalt  }
0x7e: {  	_ =	shalt  }
0x7f: {  	_ =	shalt  }
0x80: {  	_ =	shalt  }
0x81: {  	_ =	shalt  }
0x82: {  	_ =	shalt  }
0x83: {  	_ =	shalt  }
0x84: {  	_ =	shalt  }
0x85: {  	_ =	shalt  }
0x86: {  	_ =	shalt  }
0x87: {  	_ =	shalt  }
.Lfunc_end0:
.L_simem_size_0:
called_computation.2_lowered:
.L_overlay_start_0:
0x88: {  	s2 =	sld [smem:$0x3FD9]  }
0x89: {  	s3 =	sld [smem:$0x3FFE];
	_ =	sdelay $0x1  }
0x8a: {  	s1 =	srdreg.scid  }
0x8b: {  	s0 =	sand.u32 $0x1, s1  }
0x8c: {  	s17 =	sshll.u32 s0, $0xA;
	s2 =	sadd.s32 s3, s2  }
0x8d: {  	s2 =	sadd.s32 s2, s17  }
0x8e: {  	[smem:$0x3FC0] =	sst s2  }
0x8f: {  	_ = 	snop  }
0x90: {  	s2 =	sld [smem:$0x3FC8];
	(tm) =	ssettm $0x1  }
0x91: {  	s18 =	sld [smem:$0x3FFB];
	_ =	sdelay $0x3  }
0x92: {  	_ =	strace s18  }
0x93: {  	s3 =	sld [smem:$0x3FFC];
	_ =	sdelay $0x3  }
0x94: {  	_ =	strace s3  }
0x95: {  	s3 =	sld [smem:$0x3FFD];
	_ =	sdelay $0x3  }
0x96: {  	_ =	strace s3  }
0x97: {  	_ =	strace $0x8FFFFFFF  }
0x98: {  	s19 =	sld [smem:$0x3FDB];
	_ =	sdelay $0x1  }
0x99: {  	s4 =	simm.s32 $_scs_section_size  }
0x9a: {  	s5 =	simm.s32 $_size__tile_overlayer_lowered;
	s6 =	simm.s32 $_tile_overlayer_lowered  }
0x9b: {  	s22 =	simm.s32 $0x1BFF;
	s21 =	sshll.u32 s6, $0x1;
	s3 =	sadd.s32 s4, s19  }
0x9c: {  	s7 =	simm.s32 $0x0;
	s20 =	sshll.u32 s5, $0x1;
	s5 =	sadd.s32 s21, s3  }
0x9d: {  	[timem:s7], [sflag:s22] =	dma.local [hbm:s5], s20  }
0x9e: {  	_ =	swait.ge [sflag:s22], s20  }
0x9f: {  	s4 =	ssub.s32 $0x0, s20;
	[sflag:s22] =	ssyncset.done $0x0  }
0xa0: {  	[sflag:s22] =	ssyncadd.s32 s4;
	_ =	sdelay $0x1  }
0xa1: {  	s23 =	simm.s32 $0x1B8B  }
0xa2: {  	_ =	swait.ge [sflag:s23], $0x1  }
0xa3: {  	[sflag:s23] =	ssyncset.done $0x0  }
0xa4: {  	s25 =	simm.s32 $0x1B8E;
	s24 =	sld [smem:$0x3FFE];
	[sflag:s23] =	ssyncadd.s32 $0xFFFFFFFF  }
0xa5: {  	s26 =	simm.s32 $execute0_lowered;
	[smem:$0x3FD2] =	sst s25  }
0xa6: {  	s5 =	sshll.u32 s26, $0x1;
	_ =	strace $0x8000004C;
	[dreg:$0x1] =	wrdreg $0xFFFFFFFF  }
0xa7: {  	s28 =	simm.s32 $_size_execute0_lowered;
	s3 =	sadd.s32 s3, s5;
	[dreg:$0x0] =	wrdreg $0x0  }
0xa8: {  	s5 =	sshll.u32 s28, $0x1;
	[dreg:$0x2] =	wrdreg s3  }
0xa9: {  	[dreg:$0x3] =	wrdreg s5  }
0xaa: {  	[dreg:$0x4] =	wrdreg $0xC0  }
0xab: {  	_ =	task [dreg:s7], $0x5FFFF  }
0xac: {  	[dreg:$0x1] =	wrdreg $0xFFFFFFFF  }
0xad: {  	[dreg:$0x0] =	wrdreg $0x60  }
0xae: {  	[dreg:$0x2] =	wrdreg s24  }
0xaf: {  	[dreg:$0x3] =	wrdreg s2  }
0xb0: {  	[dreg:$0x4] =	wrdreg $0x14D000  }
0xb1: {  	[dreg:$0x5] =	wrdreg $0xAF000  }
0xb2: {  	[dreg:$0x6] =	wrdreg $0x9  }
0xb3: {  	_ =	task.clear_ibuf [dreg:s7], $0x7FFFF;
	_ =	strace $0x9000004C  }
0xb4: {  	s29 =	simm.s32 $0x9;
	_ =	strace $0x8000004E  }
0xb5: {  	_ =	swait.ge [sflag:s29], $0x1  }
0xb6: {  	[sflag:s29] =	ssyncadd.s32 $0xFFFFFFFF  }
0xb7: {  	_ =	strace $0x9000004E  }
0xb8: {  	_ =	sfence  }
0xb9: {  	s30 =	sld [smem:$0x0];
	_ =	sdelay $0x2  }
0xba: {  	s31 =	sshll.u32 s1, $0xD;
	s1 =	sshrl.u32 s1, $0x2  }
0xbb: {  	s3 =	sand.u32 $0x4000, s31;
	s1 =	sadd.s32 s1, s30  }
0xbc: {  	s0 =	sor.u32 s3, s0;
	s1 =	sshll.u32 s1, $0x11  }
0xbd: {  	s0 =	sor.u32 s1, s0  }
0xbe: {  	s0 =	sadd.s32 $0x8F2B, s0  }
0xbf: {  	[sflag:s0] =	ssyncadd.remote.s32 $0x1  }
0xc0: {  	_ =	sfence.sel $0xFFFF  }
0xc1: {  	[dreg:$0x0] =	wrdreg $0xFFFFFFFF;
	(pc) =	sbr.abs _section_cstart, $3  }
0xc2: {  	[dreg:$0x1] =	wrdreg $0xFFFFFFFF  }
0xc3: {  	_ =	task.clear_ibuf [dreg:s7], $0x2FFFF;
	_ =	strace $0x9FFFFFFF  }
0xc4: {  	(tm) =	ssettm $0x7FFFFFFF  }
0xc5: {  	_ =	shalt  }
tec
execute0_lowered:
.L_overlay_start_1:
0x0: {  	(tag) =	ssettag $0x1  }
0x1: {  	s0 =	rddreg [dreg:$0x0]  }
0x2: {  	s1 =	rddreg [dreg:$0x1]  }
0x3: {  	s2 =	rddreg [dreg:$0x2]  }
0x4: {  	s3 =	rddreg [dreg:$0x3]  }
0x5: {  	s11 =	stileid.u32;
	s6 =	srdreg.scid  }
0x6: {  	s4 =	simm.s32 $0x0;
	s28 =	simm.s32 $0x80;
	s5 =	smul.u32 $0x13C00, s11  }
0x7: {  	s30 =	simm.s32 $0x2;
	s6 =	sand.u32 $0x1, s6;
	s15 =	smul.u32 $0x9E00, s11  }
0x8: {  	[smem:$0x7FF] =	sst s4;
	s9 =	sshll.u32 s11, $0x1;
	s20 =	smul.u32 $0x27800, s11  }
0x9: {  	p0 =	slt.u32 s11, $0x2;
	s24 =	sshll.u32 s11, $0x6;
	s8 =	smul.u32 $0x13C000, s6  }
0xa: {  	_ =	strace $0x8000004D;
	s17 =	ssub.s32 $0x2, s6;
	s6 =	sor.u32 s6, s9  }
0xb: {  	[dreg:$0x6] =	wrdreg s24;
	s7 =	sshrl.u32 s5, $0x3;
	s18 =	sshrl.u32 s17, $0x1  }
0xc: {  	s10 =	smul.u32 $0x4E, s6;
	s6 =	smin.u32 s6, $0x4;
	s22 =	sadd.s32 s15, s2  }
0xd: {  	s25 =	sshrl.u32 s20, $0x2;
	s31 =	sadd.s32 s15, s3;
	s7 =	sadd.s32 s7, s0  }
0xe: {  	s5 =	sadd.s32 s5, s8;
	s19 =	ssub.s32 s17, s18;
	s8 =	sadd.s32 s25, s3  }
0xf: {  	s17 =	simm.s32 $0x9C000;
	s20 =	sshrl.u32 s22, $0x3;
	s22 =	simm.s32 $0x8  }
0x10: {  	s25 =	sshrl.u32 s31, $0x3;
	s5 =	sshrl.u32 s5, $0x3;
	s21 =	sadd.s32 s6, s10  }
0x11: {  	s23 =	sadd.s32 $0x3200, s7;
	s6 =	sor.u32 $0x1C02, s24;
	s26 =	sadd.s32 $0x8000, s8  }
0x12: {  	s15 =	smax.u32 s19, $0x1;
	s16 =	sadd.s32 $0x2000, s8;
	s18 =	sadd.s32 $0x4000, s8  }
0x13: {  	s19 =	sadd.s32 $0x6000, s8;
	s17 =	simm.s32 @!p0 $0x9A000;
	[dreg:$0x5] =	wrdreg s23  }
0x14: {  	s24 =	simm.s32 $0x8F00;
	s0 =	sadd.s32 s5, s0;
	[dreg:$0x7] =	wrdreg s6  }
0x15: {  	s9 =	sshll.u32 s21, $0x5;
	[dreg:$0x8] =	wrdreg s26;
	s21 =	simm.s32 $0x1  }
0x16: {  	s23 =	simm.s32 $0x10;
	s26 =	simm.s32 $0x3;
	s9 =	sadd.s32 s1, s9  }
0x17: {  	s14 =	sadd.s32 $0x2AA00, s0;
	s1 =	simm.s32 $0x0;
	s29 =	sadd.s32 $0x9C0, s9  }
0x18: {  	v0 =	vimm.f32 $0.0e+00;
	s11 =	sadd.s32 $0x10, s9;
	s13 =	sadd.s32 $0x9D0, s9;
	[dreg:$0x9] =	wrdreg s29  }
.LBB2_1:
0x19: {  	s0 =	rddreg [dreg:$0x5]  }
0x1a: {  	s5 =	rddreg [dreg:$0x7];
	s29 =	sand.u32 $0x7F00, s4  }
0x1b: {  	[spmem:s20@s22], [sflag:s5] =	dma.strided [hbm:s0@s23], $0x13C0, s21, $0x8   }
0x1c: {  	s31 =	sand.u32 $0x30, s4;
	s7 =	sshrl.u32 s29, $0x2  }
0x1d: {  	s0 =	simm.s32 $0x40;
	s5 =	simm.s32 $0x0;
	s7 =	sor.u32 s31, s7  }
.LBB2_2:
0x1e: {  	p1 =	seq.s32 s0, $0x7FC0  }
0x1f: {  	[tilespmem:s7+$0x8F00] =	vst v0;
	s5 =	sadd.s32 $0x10, s5;
	s7 =	smov.u32 s0;
	s0 =	sadd.s32 $0x40, s0  }
.Ltmp0:
0x20: {  	(pc) =	sbr.rel @!p1 .LBB2_2-.Ltmp0, $4  }
0x21: {  	_ = 	snop  }
0x22: {  	s7 =	sand.u32 $0x7F00, s7  }
0x23: {  	s10 =	sand.u32 $0x30, s5;
	s7 =	sshrl.u32 s7, $0x2  }
0x24: {  	s7 =	sor.u32 s10, s7  }
0x25: {  	[tilespmem:s7+$0x8F00] =	vst v0  }
0x26: {  	[spmem:s8] =	stream.linear.scatter [tilespmem:s24], [sflag:$0x3], $0x2000, $0x38;
	[tilespmem:$0x1EB00] =	vst v63  }
0x27: {  	_ =	swait.ge [sflag:s26], $0x2000  }
0x28: {  	[sflag:s26] =	ssyncset.done $0x0  }
0x29: {  	[sflag:s26] =	ssyncadd.s32 $0xFFFFE000  }
0x2a: {  	[spmem:s16] =	stream.linear.scatter [tilespmem:s24], [sflag:$0x3], $0x2000, $0x38;
	[tilespmem:$0x1EB00] =	vst v63  }
0x2b: {  	_ =	swait.ge [sflag:s26], $0x2000  }
0x2c: {  	[sflag:s26] =	ssyncset.done $0x0  }
0x2d: {  	[sflag:s26] =	ssyncadd.s32 $0xFFFFE000  }
0x2e: {  	[spmem:s18] =	stream.linear.scatter [tilespmem:s24], [sflag:$0x3], $0x2000, $0x38;
	[tilespmem:$0x1EB00] =	vst v63  }
0x2f: {  	_ =	swait.ge [sflag:s26], $0x2000  }
0x30: {  	[sflag:s26] =	ssyncset.done $0x0  }
0x31: {  	[sflag:s26] =	ssyncadd.s32 $0xFFFFE000  }
0x32: {  	[spmem:s19] =	stream.linear.scatter [tilespmem:s24], [sflag:$0x3], $0x2000, $0x38;
	[tilespmem:$0x1EB00] =	vst v63  }
0x33: {  	_ =	swait.ge [sflag:s26], $0x2000  }
0x34: {  	[sflag:s26] =	ssyncset.done $0x0  }
0x35: {  	s0 =	rddreg [dreg:$0x8];
	[sflag:s26] =	ssyncadd.s32 $0xFFFFE000  }
0x36: {  	[spmem:s0] =	stream.linear.scatter [tilespmem:s24], [sflag:$0x3], $0x1E00, $0x38;
	[tilespmem:$0x1EB00] =	vst v63  }
0x37: {  	_ =	swait.ge [sflag:s26], $0x1E00  }
0x38: {  	[sflag:s26] =	ssyncset.done $0x0  }
0x39: {  	s10 =	simm.s32 $0x100;
	[sflag:s26] =	ssyncadd.s32 $0xFFFFE200  }
0x3a: {  	[tilespmem:s4], [sflag:$0x3] =	stream.strided.gather [hbm4b:s9+s28], $0x2700, s10, s28, $0x38;
	[tilespmem:$0x1EB00] =	vst v63  }
0x3b: {  	_ =	swait.ge [sflag:s26], $0x2700  }
0x3c: {  	s5 =	simm.s32 @p0 $0x2700;
	[sflag:s26] =	ssyncset.done $0x0  }
0x3d: {  	s0 =	simm.s32 @p0 $0x0;
	s6 =	rddreg [dreg:$0x9];
	[sflag:s26] =	ssyncadd.s32 $0xFFFFD900  }
0x3e: {  	[tilespmem:s5], [sflag:$0x3] =	stream.linear.gather @p0 [hbm4b:s6+s0], $0x80, $0x38;
	[tilespmem:$0x1EB00] =	vst v63  }
0x3f: {  	s5 =	simm.s32 @p0 $0x3  }
0x40: {  	_ =	swait.ge @p0 [sflag:s5], $0x80  }
0x41: {  	s7 =	simm.s32 @p0 $0x80;
	[sflag:s5] =	ssyncset.done @p0 $0x0  }
0x42: {  	s29 =	simm.s32 @p0 $0x2780;
	s10 =	simm.s32 @p0 $0x100;
	[sflag:s5] =	ssyncadd.s32 @p0 $0xFFFFFF80  }
0x43: {  	[tilespmem:s29], [sflag:$0x3] =	stream.strided.gather @p0 [hbm4b:s11+s7], $0x2700, s10, s7, $0x38;
	[tilespmem:$0x1EB00] =	vst v63  }
0x44: {  	_ =	swait.ge @p0 [sflag:s5], $0x2700  }
0x45: {  	[sflag:s5] =	ssyncset.done @p0 $0x0  }
0x46: {  	s7 =	simm.s32 @p0 $0x4E80;
	[sflag:s5] =	ssyncadd.s32 @p0 $0xFFFFD900  }
0x47: {  	[tilespmem:s7], [sflag:$0x3] =	stream.linear.gather @p0 [hbm4b:s13+s0], $0x80, $0x38;
	[tilespmem:$0x1EB00] =	vst v63  }
0x48: {  	_ =	swait.ge @p0 [sflag:s5], $0x80  }
0x49: {  	s0 =	simm.s32 @!p0 $0x80;
	[sflag:s5] =	ssyncset.done @p0 $0x0  }
0x4a: {  	s7 =	simm.s32 @!p0 $0x2780;
	[sflag:s5] =	ssyncadd.s32 @p0 $0xFFFFFF80;
	s5 =	simm.s32 @!p0 $0x100  }
0x4b: {  	[tilespmem:s7], [sflag:$0x3] =	stream.strided.gather @!p0 [hbm4b:s11+s0], $0x2700, s5, s0, $0x38;
	[tilespmem:$0x1EB00] =	vst v63  }
0x4c: {  	s0 =	simm.s32 @!p0 $0x3  }
0x4d: {  	_ =	swait.ge @!p0 [sflag:s0], $0x2700  }
0x4e: {  	[sflag:s0] =	ssyncset.done @!p0 $0x0  }
0x4f: {  	s12 =	simm.s32 $0x4F00;
	p2 =	sne.s32 s17, $0x2000;
	[sflag:s0] =	ssyncadd.s32 @!p0 $0xFFFFD900  }
.Ltmp1:
0x50: {  	s31 =	simm.s32 $0x1;
	_ =	swait.ge [sflag:s30], $0x13C0;
	(pc) =	sbr.rel @!p2 .LBB2_4-.Ltmp1, $4  }
0x51: {  	p1 =	por $0x0, $0x0;
	s29 =	simm.s32 $0x80;
	[sflag:s30] =	ssyncset.done $0x0  }
0x52: {  	s10 =	sand.u32 $0x1, s31;
	s7 =	simm.s32 $0x0;
	[sflag:s30] =	ssyncadd.s32 $0xFFFFEC40  }
0x53: {  	s5 =	simm.s32 $0x2000;
	s0 =	simm.s32 $0x2780;
	[bflag:$0x0] =	sbarrier.arrive $0xFFFF  }
0x54: {  	[tilespmem:s12], [sflag:$0x1] =	stream.indirect.gather [spmem:s2], $0x40, s7, s29, $0xb8;
	[tilespmem:$0x1EB00] =	vst v63  }
0x55: {  	p1 =	seq.s32 s10, $0x1;
	s10 =	simm.s32 $0x1  }
0x56: {  	s10 =	simm.s32 @!p1 $0x2  }
0x57: {  	_ =	swait.ge [sflag:s10], $0x2000  }
0x58: {  	[sflag:s10] =	ssyncset.done $0x0  }
0x59: {  	s31 =	simm.s32 @p1 $0x6F00;
	[sflag:s10] =	ssyncadd.s32 $0xFFFFE000;
	s10 =	simm.s32 @p1 $0x80  }
0x5a: {  	[tilespmem:s31], [sflag:$0x2] =	stream.indirect.gather @p1 [spmem:s2], $0x40, s29, s10, $0xb8;
	[tilespmem:$0x1EB00] =	vst v63  }
0x5b: {  	p2 =	sne.s32 s17, $0x4000;
	s10 =	simm.s32 @!p1 $0x80;
	s31 =	simm.s32 @!p1 $0x4F00  }
0x5c: {  	[tilespmem:s31], [sflag:$0x1] =	stream.indirect.gather @!p1 [spmem:s2], $0x40, s29, s10, $0xb8;
	[tilespmem:$0x1EB00] =	vst v63  }
.Ltmp2:
0x5d: {  	s7 =	sand.u32 $0x2000, s7;
	(pc) =	sbr.rel @!p2 .LBB2_6-.Ltmp2, $4  }
0x5e: {  	s7 =	sor.u32 $0x4F00, s7;
	s31 =	simm.s32 $0x4000;
	s29 =	simm.s32 $0x100  }
0x5f: {  	[spmem:s3] =	stream.indirect.scatter.add.f32 [tilespmem:s7], [sflag:$0x3], $0x40, s0, s28, $0xb8;
	[tilespmem:$0x1EB00] =	vst v63  }
0x60: {  	p1 =	por $0x1, $0x1;
	s7 =	simm.s32 $0x2;
	_ =	swait.ge [sflag:s26], $0x2000  }
0x61: {  	s0 =	simm.s32 $0x2800;
	s10 =	sand.u32 $0x1, s7;
	[sflag:s26] =	ssyncset.done $0x0  }
.LBB2_7:
0x62: {  	p3 =	seq.s32 s10, $0x1;
	[sflag:s26] =	ssyncadd.s32 $0xFFFFE000  }
0x63: {  	s10 =	smov.u32 s31;
	s31 =	sadd.s32 $0x2000, s31;
	s6 =	simm.s32 $0x1  }
0x64: {  	p2 =	sne.s32 s17, s31;
	s6 =	simm.s32 @!p3 $0x2  }
0x65: {  	_ =	swait.ge [sflag:s6], $0x2000  }
0x66: {  	[sflag:s6] =	ssyncset.done $0x0  }
0x67: {  	s12 =	simm.s32 @p3 $0x6F00;
	[sflag:s6] =	ssyncadd.s32 $0xFFFFE000;
	s6 =	simm.s32 @p3 $0x80  }
0x68: {  	[tilespmem:s12], [sflag:$0x2] =	stream.indirect.gather @p3 [spmem:s2], $0x40, s29, s6, $0xb8;
	[tilespmem:$0x1EB00] =	vst v63  }
0x69: {  	s5 =	sand.u32 $0x2000, s5;
	s6 =	simm.s32 @!p3 $0x80;
	s12 =	simm.s32 @!p3 $0x4F00  }
0x6a: {  	[tilespmem:s12], [sflag:$0x1] =	stream.indirect.gather @!p3 [spmem:s2], $0x40, s29, s6, $0xb8;
	[tilespmem:$0x1EB00] =	vst v63  }
.Ltmp3:
0x6b: {  	_ = 	snop;
	(pc) =	sbr.rel @p2 .LBB2_7-.Ltmp3, $4  }
0x6c: {  	s6 =	sor.u32 $0x4F00, s5;
	s5 =	smov.u32 s10  }
0x6d: {  	[spmem:s3] =	stream.indirect.scatter.add.f32 [tilespmem:s6], [sflag:$0x3], $0x40, s0, s28, $0xb8;
	[tilespmem:$0x1EB00] =	vst v63  }
0x6e: {  	s7 =	sadd.s32 $0x1, s7;
	s29 =	sadd.s32 $0x80, s29;
	_ =	swait.ge [sflag:s26], $0x2000  }
0x6f: {  	s10 =	sand.u32 $0x1, s7;
	s0 =	sadd.s32 $0x80, s0;
	[sflag:s26] =	ssyncset.done $0x0  }
0x70: {  	s7 =	smov.u32 s5  }
.LBB2_9:
0x71: {  	p2 =	seq.s32 s10, $0x1;
	s5 =	simm.s32 $0x1  }
0x72: {  	[sflag:s26] =	ssyncadd.s32 @p1 $0xFFFFE000;
	s5 =	simm.s32 @!p2 $0x2  }
0x73: {  	_ =	swait.ge [sflag:s5], $0x2000  }
0x74: {  	[sflag:s5] =	ssyncset.done $0x0  }
0x75: {  	s6 =	simm.s32 @p2 $0x6F00;
	[sflag:s5] =	ssyncadd.s32 $0xFFFFE000;
	s5 =	simm.s32 @p2 $0x80  }
0x76: {  	[tilespmem:s6], [sflag:$0x2] =	stream.indirect.gather @p2 [spmem:s2], $0x40, s29, s5, $0xb8;
	[tilespmem:$0x1EB00] =	vst v63  }
0x77: {  	s7 =	sand.u32 $0x2000, s7;
	s5 =	simm.s32 @!p2 $0x80;
	s6 =	simm.s32 @!p2 $0x4F00  }
0x78: {  	[tilespmem:s6], [sflag:$0x1] =	stream.indirect.gather @!p2 [spmem:s2], $0x40, s29, s5, $0xb8;
	[tilespmem:$0x1EB00] =	vst v63  }
0x79: {  	s7 =	sor.u32 $0x4F00, s7  }
0x7a: {  	[spmem:s3] =	stream.indirect.scatter.add.f32 [tilespmem:s7], [sflag:$0x3], $0x40, s0, s28, $0xb8;
	[tilespmem:$0x1EB00] =	vst v63  }
0x7b: {  	_ =	swait.ge [sflag:s26], $0x2000  }
0x7c: {  	s5 =	simm.s32 $0x2;
	[sflag:s26] =	ssyncset.done $0x0  }
0x7d: {  	s5 =	simm.s32 @!p2 $0x1;
	[sflag:s26] =	ssyncadd.s32 $0xFFFFE000  }
0x7e: {  	_ =	swait.ge [sflag:s5], $0x2000  }
0x7f: {  	s10 =	sand.u32 $0x2000, s31;
	[sflag:s5] =	ssyncset.done $0x0  }
0x80: {  	s12 =	sadd.s32 $0x80, s0;
	s29 =	sor.u32 $0x4F00, s10;
	[sflag:s5] =	ssyncadd.s32 $0xFFFFE000  }
0x81: {  	[spmem:s3] =	stream.indirect.scatter.add.f32 [tilespmem:s29], [sflag:$0x3], $0x40, s12, s28, $0xb8;
	[tilespmem:$0x1EB00] =	vst v63  }
0x82: {  	_ =	swait.ge [sflag:s26], $0x2000  }
0x83: {  	[sflag:s26] =	ssyncset.done $0x0  }
0x84: {  	[sflag:s26] =	ssyncadd.s32 $0xFFFFE000  }
0x85: {  	[bflag:$0x0] =	sbarrier.arrive $0xFFFF  }
0x86: {  	s1 =	sadd.s32 $0x1, s1;
	s31 =	rddreg [dreg:$0x6]  }
0x87: {  	p1 =	sne.s32 s1, s15;
	s0 =	sor.u32 $0x1C03, s31  }
0x88: {  	[hbm:s14@s23], [sflag:s0] =	dma.strided [spmem:s25@s22], $0x13C0, s21, $0x8   }
.Ltmp4:
0x89: {  	_ = 	snop;
	(pc) =	sbr.rel @p1 .LBB2_1-.Ltmp4, $4  }
.Ltmp5:
0x8a: {  	_ = 	snop;
	(pc) =	sbr.rel @!p1 .LBB2_10-.Ltmp5, $4  }
0x8b: {  	_ =	swait.ge [sflag:s26], $0x13C0  }
0x8c: {  	[sflag:s26] =	ssyncset.done $0x0  }
0x8d: {  	[sflag:s26] =	ssyncadd.s32 $0xFFFFEC40  }
0x8e: {  	_ = 	snop  }
.LBB2_4:
.Ltmp6:
0x8f: {  	(pc) =	sbr.rel .LBB2_9-.Ltmp6, $2  }
0x90: {  	_ =	sdelay $0x2  }
0x91: {  	s31 =	simm.s32 $0x2000  }
.LBB2_6:
.Ltmp7:
0x92: {  	(pc) =	sbr.rel .LBB2_9-.Ltmp7, $2  }
0x93: {  	_ =	sdelay $0x2  }
0x94: {  	s7 =	simm.s32 $0x2000  }
.LBB2_10:
0x95: {  	_ =	sfence.sel $0x180000  }
0x96: {  	[bflag:$0x0] =	sbarrier.arrive $0xFFFF  }
0x97: {  	_ =	strace $0x9000004D  }
0x98: {  	s0 =	stileid.u32;
	[bflag:$0x2] =	sbarrier.arrive $0xFFFF  }
0x99: {  	p0 =	sne.s32 s0, $0x0;
	s0 =	rddreg [dreg:$0x4]  }
0x9a: {  	s0 =	sadd.s32 @!p0 $0x100000, s0  }
0x9b: {  	[sflag:s0] =	ssyncadd.tile.s32 @!p0 $0x1;
	_ =	shalt  }
.Lfunc_end2:
_tile_overlayer_lowered:
.L_overlay_start_2:
0x9c: {  	(tag) =	ssettag $0x2  }
0x9d: {  	s0 =	rddreg [dreg:$0x0];
	s2 =	stileid.u32  }
0x9e: {  	s1 =	rddreg [dreg:$0x1];
	p0 =	sne.s32 s2, $0x0  }
0x9f: {  	s3 =	rddreg [dreg:$0x2];
	[bflag:$0x3] =	sbarrier.arrive $0xFFFF;
	s2 =	simm.s32 @!p0 $0x1C03  }
0xa0: {  	[timem:s3], [sflag:s2] =	dma.local @!p0 [hbm:s0], s1  }
0xa1: {  	s0 =	simm.s32 @!p0 $0x3  }
0xa2: {  	_ =	swait.ge @!p0 [sflag:s0], s1  }
0xa3: {  	s1 =	ssub.s32 @!p0 $0x0, s1;
	[sflag:s0] =	ssyncset.done @!p0 $0x0  }
0xa4: {  	[sflag:s0] =	ssyncadd.s32 @!p0 s1  }
0xa5: {  	[bflag:$0x3] =	sbarrier.arrive $0xFFFF  }
0xa6: {  	_ =	shalt  }

// kernel: kernel.19.cloned.1.call-start
scs
__scs_entry_jumppad:
0x0: {  	(pc) =	sbr.rel $0x88, $3  }
0x1: {  	(tag) =	ssettag $0x0;
	lr =	simm.s32 $0x1  }
0x2: {  	[smem:$0x3F99] =	sst lr;
	_ =	strace $0xD0000000  }
0x3: {  	_ = 	snop  }
0x4: {  	_ = 	snop  }
0x5: {  	_ = 	snop  }
0x6: {  	_ = 	snop  }
0x7: {  	_ = 	snop  }
__scs_overlays_trampoline_lowered:
0x8: {  	[smem:$0x3FA8] =	sst s0  }
0x9: {  	[smem:$0x3FA9] =	sst s1  }
0xa: {  	[smem:$0x3FAA] =	sst s2  }
0xb: {  	[smem:$0x3FAB] =	sst s3  }
0xc: {  	[smem:$0x3FAC] =	sst s4  }
0xd: {  	[smem:$0x3FAD] =	sst s5  }
0xe: {  	[smem:$0x3FAE] =	sst s6  }
0xf: {  	[smem:$0x3FAF] =	sst s7  }
0x10: {  	[smem:$0x3FB0] =	sst s8  }
0x11: {  	[smem:$0x3FB1] =	sst s9;
	s0 =	simm.s32 @!p0 $0x0  }
0x12: {  	s1 =	sld [smem:$0x3F97];
	s0 =	simm.s32 @p0 $0x1  }
0x13: {  	[smem:$0x3FB2] =	sst s0;
	s0 =	simm.s32 @!p1 $0x0  }
0x14: {  	s2 =	sld [smem:$0x3F96];
	s0 =	simm.s32 @p1 $0x1  }
0x15: {  	[smem:$0x3FB3] =	sst s0;
	s0 =	simm.s32 @!p2 $0x0  }
0x16: {  	s3 =	sld [smem:$0x3FDB];
	s0 =	simm.s32 @p2 $0x1  }
0x17: {  	s4 =	simm.s32 $0x1BF5;
	[smem:$0x3FB5] =	sst s0  }
0x18: {  	s0 =	sld [smem:$0x3F98];
	_ =	swait.ge [sflag:s4], $0x0  }
0x19: {  	s7 =	sld [smem:$0x3F99]  }
0x1a: {  	s8 =	sadd.s32 $0xFFFFE003, lr  }
0x1b: {  	s9 =	sadd.s32 $0xFFFFFEF7, lr;
	s5 =	simm.s32 $0xFFFFFFFF;
	p2 =	slt.u32 s8, $0xFFFFF086  }
0x1c: {  	p1 =	slt.u32 s9, $0xF7A;
	s5 =	simm.s32 @!p2 $0x0  }
0x1d: {  	s5 =	simm.s32 @p1 $0x1;
	p0 =	seq.s32 s7, s2  }
0x1e: {  	s7 =	smul.u32 @!p0 $0xF7A, s2;
	p2 =	seq.s32 @!p0 s5, $0x0  }
0x1f: {  	s9 =	smul.u32 $0xF7A, s1;
	s8 =	simm.s32 @!p0 $0x1BF5;
	p2 =	por !p2, p0  }
0x20: {  	[sflag:s8] =	ssyncset.s32 @!p0 $0xFFFFF086;
	s6 =	sadd.s32 @!p0 s3, s7;
	s7 =	simm.s32 @!p0 $0x108  }
0x21: {  	s3 =	sadd.s32 s3, s9;
	s6 =	sadd.s32 @!p0 $0x88, s6;
	s7 =	simm.s32 @p2 $0x1082  }
0x22: {  	[simem:s7], [sflag:s8] =	dma.local @!p0 [hbm:s6], $0xF7A  }
0x23: {  	s9 =	sor.u32 $0xD0000000, s2;
	s6 =	simm.s32 $0x108;
	_ =	swait.ge @!p0 [sflag:s8], $0x0  }
0x24: {  	s3 =	sadd.s32 $0x88, s3;
	s6 =	simm.s32 @!p1 $0x1082;
	[sflag:s4] =	ssyncset.s32 $0xFFFFF086  }
0x25: {  	[simem:s6], [sflag:s4] =	dma.local [hbm:s3], $0xF7A  }
0x26: {  	[smem:$0x3F99] =	sst s1;
	(tag) =	ssettag s2;
	_ =	strace s9  }
0x27: {  	s1 =	sld [smem:$0x3FA9]  }
0x28: {  	s2 =	sld [smem:$0x3FAA]  }
0x29: {  	s4 =	sld [smem:$0x3FAC]  }
0x2a: {  	p0 =	seq.s32 s5, $0x0;
	s5 =	sld [smem:$0x3FAD]  }
0x2b: {  	s6 =	sld [smem:$0x3FAE]  }
0x2c: {  	s7 =	sld [smem:$0x3FAF]  }
0x2d: {  	s3 =	simm.s32 $0x108;
	s8 =	sld [smem:$0x3FB0]  }
0x2e: {  	s3 =	simm.s32 @!p0 $0x1082;
	s9 =	sld [smem:$0x3FB1]  }
0x2f: {  	lr =	sadd.s32 s0, s3;
	s0 =	sld [smem:$0x3FA8]  }
0x30: {  	s3 =	sld [smem:$0x3FAB]  }
0x31: {  	[smem:$0x3FB4] =	sst s10  }
0x32: {  	s10 =	sld [smem:$0x3FB2];
	_ =	sdelay $0x3  }
0x33: {  	p0 =	seq.s32 s10, $0x1;
	s10 =	sld [smem:$0x3FB4];
	_ =	sdelay $0x3  }
0x34: {  	[smem:$0x3FB4] =	sst s10  }
0x35: {  	s10 =	sld [smem:$0x3FB3];
	_ =	sdelay $0x3  }
0x36: {  	p1 =	seq.s32 s10, $0x1;
	s10 =	sld [smem:$0x3FB4];
	_ =	sdelay $0x3  }
0x37: {  	[smem:$0x3FB4] =	sst s10  }
0x38: {  	s10 =	sld [smem:$0x3FB5]  }
0x39: {  	_ = 	snop;
	(pc) =	sbr.ind lr, $3  }
0x3a: {  	_ = 	snop  }
0x3b: {  	_ = 	snop  }
0x3c: {  	p2 =	seq.s32 s10, $0x1;
	s10 =	sld [smem:$0x3FB4]  }
0x3d: {  	_ =	shalt  }
0x3e: {  	_ =	shalt  }
0x3f: {  	_ =	shalt  }
0x40: {  	_ =	shalt  }
0x41: {  	_ =	shalt  }
0x42: {  	_ =	shalt  }
0x43: {  	_ =	shalt  }
0x44: {  	_ =	shalt  }
0x45: {  	_ =	shalt  }
0x46: {  	_ =	shalt  }
0x47: {  	_ =	shalt  }
0x48: {  	_ =	shalt  }
0x49: {  	_ =	shalt  }
0x4a: {  	_ =	shalt  }
0x4b: {  	_ =	shalt  }
0x4c: {  	_ =	shalt  }
0x4d: {  	_ =	shalt  }
0x4e: {  	_ =	shalt  }
0x4f: {  	_ =	shalt  }
0x50: {  	_ =	shalt  }
0x51: {  	_ =	shalt  }
0x52: {  	_ =	shalt  }
0x53: {  	_ =	shalt  }
0x54: {  	_ =	shalt  }
0x55: {  	_ =	shalt  }
0x56: {  	_ =	shalt  }
0x57: {  	_ =	shalt  }
0x58: {  	_ =	shalt  }
0x59: {  	_ =	shalt  }
0x5a: {  	_ =	shalt  }
0x5b: {  	_ =	shalt  }
0x5c: {  	_ =	shalt  }
0x5d: {  	_ =	shalt  }
0x5e: {  	_ =	shalt  }
0x5f: {  	_ =	shalt  }
0x60: {  	_ =	shalt  }
0x61: {  	_ =	shalt  }
0x62: {  	_ =	shalt  }
0x63: {  	_ =	shalt  }
0x64: {  	_ =	shalt  }
0x65: {  	_ =	shalt  }
0x66: {  	_ =	shalt  }
0x67: {  	_ =	shalt  }
0x68: {  	_ =	shalt  }
0x69: {  	_ =	shalt  }
0x6a: {  	_ =	shalt  }
0x6b: {  	_ =	shalt  }
0x6c: {  	_ =	shalt  }
0x6d: {  	_ =	shalt  }
0x6e: {  	_ =	shalt  }
0x6f: {  	_ =	shalt  }
0x70: {  	_ =	shalt  }
0x71: {  	_ =	shalt  }
0x72: {  	_ =	shalt  }
0x73: {  	_ =	shalt  }
0x74: {  	_ =	shalt  }
0x75: {  	_ =	shalt  }
0x76: {  	_ =	shalt  }
0x77: {  	_ =	shalt  }
0x78: {  	_ =	shalt  }
0x79: {  	_ =	shalt  }
0x7a: {  	_ =	shalt  }
0x7b: {  	_ =	shalt  }
0x7c: {  	_ =	shalt  }
0x7d: {  	_ =	shalt  }
0x7e: {  	_ =	shalt  }
0x7f: {  	_ =	shalt  }
0x80: {  	_ =	shalt  }
0x81: {  	_ =	shalt  }
0x82: {  	_ =	shalt  }
0x83: {  	_ =	shalt  }
0x84: {  	_ =	shalt  }
0x85: {  	_ =	shalt  }
0x86: {  	_ =	shalt  }
0x87: {  	_ =	shalt  }
.Lfunc_end0:
.L_simem_size_0:
called_computation.3_lowered:
.L_overlay_start_0:
0x88: {  	s2 =	sld [smem:$0x3FD9]  }
0x89: {  	s3 =	sld [smem:$0x3FFE];
	_ =	sdelay $0x1  }
0x8a: {  	s1 =	srdreg.scid  }
0x8b: {  	s0 =	sand.u32 $0x1, s1  }
0x8c: {  	s17 =	sshll.u32 s0, $0xA;
	s2 =	sadd.s32 s3, s2  }
0x8d: {  	s2 =	sadd.s32 s2, s17  }
0x8e: {  	[smem:$0x3FC0] =	sst s2  }
0x8f: {  	_ = 	snop  }
0x90: {  	s2 =	sld [smem:$0x3FC8];
	(tm) =	ssettm $0x1  }
0x91: {  	s18 =	sld [smem:$0x3FFB];
	_ =	sdelay $0x3  }
0x92: {  	_ =	strace s18  }
0x93: {  	s3 =	sld [smem:$0x3FFC];
	_ =	sdelay $0x3  }
0x94: {  	_ =	strace s3  }
0x95: {  	s3 =	sld [smem:$0x3FFD];
	_ =	sdelay $0x3  }
0x96: {  	_ =	strace s3  }
0x97: {  	_ =	strace $0x8FFFFFFF  }
0x98: {  	s19 =	sld [smem:$0x3FDB];
	_ =	sdelay $0x1  }
0x99: {  	s4 =	simm.s32 $_scs_section_size  }
0x9a: {  	s5 =	simm.s32 $_size__tile_overlayer_lowered;
	s6 =	simm.s32 $_tile_overlayer_lowered  }
0x9b: {  	s22 =	simm.s32 $0x1BFF;
	s21 =	sshll.u32 s6, $0x1;
	s3 =	sadd.s32 s4, s19  }
0x9c: {  	s7 =	simm.s32 $0x0;
	s20 =	sshll.u32 s5, $0x1;
	s5 =	sadd.s32 s21, s3  }
0x9d: {  	[timem:s7], [sflag:s22] =	dma.local [hbm:s5], s20  }
0x9e: {  	_ =	swait.ge [sflag:s22], s20  }
0x9f: {  	s4 =	ssub.s32 $0x0, s20;
	[sflag:s22] =	ssyncset.done $0x0  }
0xa0: {  	[sflag:s22] =	ssyncadd.s32 s4;
	_ =	sdelay $0x1  }
0xa1: {  	s23 =	simm.s32 $0x1B8B  }
0xa2: {  	_ =	swait.ge [sflag:s23], $0x1  }
0xa3: {  	[sflag:s23] =	ssyncset.done $0x0  }
0xa4: {  	s25 =	simm.s32 $0x1B8E;
	s24 =	sld [smem:$0x3FFE];
	[sflag:s23] =	ssyncadd.s32 $0xFFFFFFFF  }
0xa5: {  	s26 =	simm.s32 $execute0_lowered;
	[smem:$0x3FD2] =	sst s25  }
0xa6: {  	s5 =	sshll.u32 s26, $0x1;
	_ =	strace $0x8000004F;
	[dreg:$0x1] =	wrdreg $0xFFFFFFFF  }
0xa7: {  	s28 =	simm.s32 $_size_execute0_lowered;
	s3 =	sadd.s32 s3, s5;
	[dreg:$0x0] =	wrdreg $0x0  }
0xa8: {  	s5 =	sshll.u32 s28, $0x1;
	[dreg:$0x2] =	wrdreg s3  }
0xa9: {  	[dreg:$0x3] =	wrdreg s5  }
0xaa: {  	[dreg:$0x4] =	wrdreg $0xC0  }
0xab: {  	_ =	task [dreg:s7], $0x5FFFF  }
0xac: {  	[dreg:$0x1] =	wrdreg $0xFFFFFFFF  }
0xad: {  	[dreg:$0x0] =	wrdreg $0x60  }
0xae: {  	[dreg:$0x2] =	wrdreg s24  }
0xaf: {  	[dreg:$0x3] =	wrdreg s2  }
0xb0: {  	[dreg:$0x4] =	wrdreg $0x14D000  }
0xb1: {  	[dreg:$0x5] =	wrdreg $0xAF000  }
0xb2: {  	[dreg:$0x6] =	wrdreg $0x9  }
0xb3: {  	_ =	task.clear_ibuf [dreg:s7], $0x7FFFF;
	_ =	strace $0x9000004F  }
0xb4: {  	s29 =	simm.s32 $0x9;
	_ =	strace $0x80000051  }
0xb5: {  	_ =	swait.ge [sflag:s29], $0x1  }
0xb6: {  	[sflag:s29] =	ssyncadd.s32 $0xFFFFFFFF  }
0xb7: {  	_ =	strace $0x90000051  }
0xb8: {  	_ =	sfence  }
0xb9: {  	s30 =	sld [smem:$0x0];
	_ =	sdelay $0x2  }
0xba: {  	s31 =	sshll.u32 s1, $0xD;
	s1 =	sshrl.u32 s1, $0x2  }
0xbb: {  	s3 =	sand.u32 $0x4000, s31;
	s1 =	sadd.s32 s1, s30  }
0xbc: {  	s0 =	sor.u32 s3, s0;
	s1 =	sshll.u32 s1, $0x11  }
0xbd: {  	s0 =	sor.u32 s1, s0  }
0xbe: {  	s0 =	sadd.s32 $0x8F2B, s0  }
0xbf: {  	[sflag:s0] =	ssyncadd.remote.s32 $0x1  }
0xc0: {  	_ =	sfence.sel $0xFFFF  }
0xc1: {  	[dreg:$0x0] =	wrdreg $0xFFFFFFFF;
	(pc) =	sbr.abs _section_cstart, $3  }
0xc2: {  	[dreg:$0x1] =	wrdreg $0xFFFFFFFF  }
0xc3: {  	_ =	task.clear_ibuf [dreg:s7], $0x2FFFF;
	_ =	strace $0x9FFFFFFF  }
0xc4: {  	(tm) =	ssettm $0x7FFFFFFF  }
0xc5: {  	_ =	shalt  }
tec
execute0_lowered:
.L_overlay_start_1:
0x0: {  	(tag) =	ssettag $0x1  }
0x1: {  	s0 =	rddreg [dreg:$0x0]  }
0x2: {  	s1 =	rddreg [dreg:$0x1]  }
0x3: {  	s2 =	rddreg [dreg:$0x2]  }
0x4: {  	s3 =	rddreg [dreg:$0x3]  }
0x5: {  	s11 =	stileid.u32;
	s6 =	srdreg.scid  }
0x6: {  	s4 =	simm.s32 $0x0;
	s28 =	simm.s32 $0x80;
	s5 =	smul.u32 $0x13C00, s11  }
0x7: {  	s30 =	simm.s32 $0x2;
	s6 =	sand.u32 $0x1, s6;
	s15 =	smul.u32 $0x9E00, s11  }
0x8: {  	[smem:$0x7FF] =	sst s4;
	s9 =	sshll.u32 s11, $0x1;
	s20 =	smul.u32 $0x27800, s11  }
0x9: {  	p0 =	slt.u32 s11, $0x2;
	s24 =	sshll.u32 s11, $0x6;
	s8 =	smul.u32 $0x13C000, s6  }
0xa: {  	_ =	strace $0x80000050;
	s17 =	ssub.s32 $0x2, s6;
	s6 =	sor.u32 s6, s9  }
0xb: {  	[dreg:$0x6] =	wrdreg s24;
	s7 =	sshrl.u32 s5, $0x3;
	s18 =	sshrl.u32 s17, $0x1  }
0xc: {  	s10 =	smul.u32 $0x4E, s6;
	s6 =	smin.u32 s6, $0x4;
	s22 =	sadd.s32 s15, s2  }
0xd: {  	s25 =	sshrl.u32 s20, $0x2;
	s31 =	sadd.s32 s15, s3;
	s7 =	sadd.s32 s7, s0  }
0xe: {  	s5 =	sadd.s32 s5, s8;
	s19 =	ssub.s32 s17, s18;
	s8 =	sadd.s32 s25, s3  }
0xf: {  	s17 =	simm.s32 $0x9C000;
	s20 =	sshrl.u32 s22, $0x3;
	s22 =	simm.s32 $0x8  }
0x10: {  	s25 =	sshrl.u32 s31, $0x3;
	s5 =	sshrl.u32 s5, $0x3;
	s21 =	sadd.s32 s6, s10  }
0x11: {  	s23 =	sadd.s32 $0x3200, s7;
	s6 =	sor.u32 $0x1C02, s24;
	s26 =	sadd.s32 $0x8000, s8  }
0x12: {  	s15 =	smax.u32 s19, $0x1;
	s16 =	sadd.s32 $0x2000, s8;
	s18 =	sadd.s32 $0x4000, s8  }
0x13: {  	s19 =	sadd.s32 $0x6000, s8;
	s17 =	simm.s32 @!p0 $0x9A000;
	[dreg:$0x5] =	wrdreg s23  }
0x14: {  	s24 =	simm.s32 $0x8F00;
	s0 =	sadd.s32 s5, s0;
	[dreg:$0x7] =	wrdreg s6  }
0x15: {  	s9 =	sshll.u32 s21, $0x5;
	[dreg:$0x8] =	wrdreg s26;
	s21 =	simm.s32 $0x1  }
0x16: {  	s23 =	simm.s32 $0x10;
	s26 =	simm.s32 $0x3;
	s9 =	sadd.s32 s1, s9  }
0x17: {  	s14 =	sadd.s32 $0x2AA00, s0;
	s1 =	simm.s32 $0x0;
	s29 =	sadd.s32 $0x9C0, s9  }
0x18: {  	v0 =	vimm.f32 $0.0e+00;
	s11 =	sadd.s32 $0x10, s9;
	s13 =	sadd.s32 $0x9D0, s9;
	[dreg:$0x9] =	wrdreg s29  }
.LBB2_1:
0x19: {  	s0 =	rddreg [dreg:$0x5]  }
0x1a: {  	s5 =	rddreg [dreg:$0x7];
	s29 =	sand.u32 $0x7F00, s4  }
0x1b: {  	[spmem:s20@s22], [sflag:s5] =	dma.strided [hbm:s0@s23], $0x13C0, s21, $0x8   }
0x1c: {  	s31 =	sand.u32 $0x30, s4;
	s7 =	sshrl.u32 s29, $0x2  }
0x1d: {  	s0 =	simm.s32 $0x40;
	s5 =	simm.s32 $0x0;
	s7 =	sor.u32 s31, s7  }
.LBB2_2:
0x1e: {  	p1 =	seq.s32 s0, $0x7FC0  }
0x1f: {  	[tilespmem:s7+$0x8F00] =	vst v0;
	s5 =	sadd.s32 $0x10, s5;
	s7 =	smov.u32 s0;
	s0 =	sadd.s32 $0x40, s0  }
.Ltmp0:
0x20: {  	(pc) =	sbr.rel @!p1 .LBB2_2-.Ltmp0, $4  }
0x21: {  	_ = 	snop  }
0x22: {  	s7 =	sand.u32 $0x7F00, s7  }
0x23: {  	s10 =	sand.u32 $0x30, s5;
	s7 =	sshrl.u32 s7, $0x2  }
0x24: {  	s7 =	sor.u32 s10, s7  }
0x25: {  	[tilespmem:s7+$0x8F00] =	vst v0  }
0x26: {  	[spmem:s8] =	stream.linear.scatter [tilespmem:s24], [sflag:$0x3], $0x2000, $0x38;
	[tilespmem:$0x1EB00] =	vst v63  }
0x27: {  	_ =	swait.ge [sflag:s26], $0x2000  }
0x28: {  	[sflag:s26] =	ssyncset.done $0x0  }
0x29: {  	[sflag:s26] =	ssyncadd.s32 $0xFFFFE000  }
0x2a: {  	[spmem:s16] =	stream.linear.scatter [tilespmem:s24], [sflag:$0x3], $0x2000, $0x38;
	[tilespmem:$0x1EB00] =	vst v63  }
0x2b: {  	_ =	swait.ge [sflag:s26], $0x2000  }
0x2c: {  	[sflag:s26] =	ssyncset.done $0x0  }
0x2d: {  	[sflag:s26] =	ssyncadd.s32 $0xFFFFE000  }
0x2e: {  	[spmem:s18] =	stream.linear.scatter [tilespmem:s24], [sflag:$0x3], $0x2000, $0x38;
	[tilespmem:$0x1EB00] =	vst v63  }
0x2f: {  	_ =	swait.ge [sflag:s26], $0x2000  }
0x30: {  	[sflag:s26] =	ssyncset.done $0x0  }
0x31: {  	[sflag:s26] =	ssyncadd.s32 $0xFFFFE000  }
0x32: {  	[spmem:s19] =	stream.linear.scatter [tilespmem:s24], [sflag:$0x3], $0x2000, $0x38;
	[tilespmem:$0x1EB00] =	vst v63  }
0x33: {  	_ =	swait.ge [sflag:s26], $0x2000  }
0x34: {  	[sflag:s26] =	ssyncset.done $0x0  }
0x35: {  	s0 =	rddreg [dreg:$0x8];
	[sflag:s26] =	ssyncadd.s32 $0xFFFFE000  }
0x36: {  	[spmem:s0] =	stream.linear.scatter [tilespmem:s24], [sflag:$0x3], $0x1E00, $0x38;
	[tilespmem:$0x1EB00] =	vst v63  }
0x37: {  	_ =	swait.ge [sflag:s26], $0x1E00  }
0x38: {  	[sflag:s26] =	ssyncset.done $0x0  }
0x39: {  	s10 =	simm.s32 $0x100;
	[sflag:s26] =	ssyncadd.s32 $0xFFFFE200  }
0x3a: {  	[tilespmem:s4], [sflag:$0x3] =	stream.strided.gather [hbm4b:s9+s28], $0x2700, s10, s28, $0x38;
	[tilespmem:$0x1EB00] =	vst v63  }
0x3b: {  	_ =	swait.ge [sflag:s26], $0x2700  }
0x3c: {  	s5 =	simm.s32 @p0 $0x2700;
	[sflag:s26] =	ssyncset.done $0x0  }
0x3d: {  	s0 =	simm.s32 @p0 $0x0;
	s6 =	rddreg [dreg:$0x9];
	[sflag:s26] =	ssyncadd.s32 $0xFFFFD900  }
0x3e: {  	[tilespmem:s5], [sflag:$0x3] =	stream.linear.gather @p0 [hbm4b:s6+s0], $0x80, $0x38;
	[tilespmem:$0x1EB00] =	vst v63  }
0x3f: {  	s5 =	simm.s32 @p0 $0x3  }
0x40: {  	_ =	swait.ge @p0 [sflag:s5], $0x80  }
0x41: {  	s7 =	simm.s32 @p0 $0x80;
	[sflag:s5] =	ssyncset.done @p0 $0x0  }
0x42: {  	s29 =	simm.s32 @p0 $0x2780;
	s10 =	simm.s32 @p0 $0x100;
	[sflag:s5] =	ssyncadd.s32 @p0 $0xFFFFFF80  }
0x43: {  	[tilespmem:s29], [sflag:$0x3] =	stream.strided.gather @p0 [hbm4b:s11+s7], $0x2700, s10, s7, $0x38;
	[tilespmem:$0x1EB00] =	vst v63  }
0x44: {  	_ =	swait.ge @p0 [sflag:s5], $0x2700  }
0x45: {  	[sflag:s5] =	ssyncset.done @p0 $0x0  }
0x46: {  	s7 =	simm.s32 @p0 $0x4E80;
	[sflag:s5] =	ssyncadd.s32 @p0 $0xFFFFD900  }
0x47: {  	[tilespmem:s7], [sflag:$0x3] =	stream.linear.gather @p0 [hbm4b:s13+s0], $0x80, $0x38;
	[tilespmem:$0x1EB00] =	vst v63  }
0x48: {  	_ =	swait.ge @p0 [sflag:s5], $0x80  }
0x49: {  	s0 =	simm.s32 @!p0 $0x80;
	[sflag:s5] =	ssyncset.done @p0 $0x0  }
0x4a: {  	s7 =	simm.s32 @!p0 $0x2780;
	[sflag:s5] =	ssyncadd.s32 @p0 $0xFFFFFF80;
	s5 =	simm.s32 @!p0 $0x100  }
0x4b: {  	[tilespmem:s7], [sflag:$0x3] =	stream.strided.gather @!p0 [hbm4b:s11+s0], $0x2700, s5, s0, $0x38;
	[tilespmem:$0x1EB00] =	vst v63  }
0x4c: {  	s0 =	simm.s32 @!p0 $0x3  }
0x4d: {  	_ =	swait.ge @!p0 [sflag:s0], $0x2700  }
0x4e: {  	[sflag:s0] =	ssyncset.done @!p0 $0x0  }
0x4f: {  	s12 =	simm.s32 $0x4F00;
	p2 =	sne.s32 s17, $0x2000;
	[sflag:s0] =	ssyncadd.s32 @!p0 $0xFFFFD900  }
.Ltmp1:
0x50: {  	s31 =	simm.s32 $0x1;
	_ =	swait.ge [sflag:s30], $0x13C0;
	(pc) =	sbr.rel @!p2 .LBB2_4-.Ltmp1, $4  }
0x51: {  	p1 =	por $0x0, $0x0;
	s29 =	simm.s32 $0x80;
	[sflag:s30] =	ssyncset.done $0x0  }
0x52: {  	s10 =	sand.u32 $0x1, s31;
	s7 =	simm.s32 $0x0;
	[sflag:s30] =	ssyncadd.s32 $0xFFFFEC40  }
0x53: {  	s5 =	simm.s32 $0x2000;
	s0 =	simm.s32 $0x2780;
	[bflag:$0x0] =	sbarrier.arrive $0xFFFF  }
0x54: {  	[tilespmem:s12], [sflag:$0x1] =	stream.indirect.gather [spmem:s2], $0x40, s7, s29, $0xb8;
	[tilespmem:$0x1EB00] =	vst v63  }
0x55: {  	p1 =	seq.s32 s10, $0x1;
	s10 =	simm.s32 $0x1  }
0x56: {  	s10 =	simm.s32 @!p1 $0x2  }
0x57: {  	_ =	swait.ge [sflag:s10], $0x2000  }
0x58: {  	[sflag:s10] =	ssyncset.done $0x0  }
0x59: {  	s31 =	simm.s32 @p1 $0x6F00;
	[sflag:s10] =	ssyncadd.s32 $0xFFFFE000;
	s10 =	simm.s32 @p1 $0x80  }
0x5a: {  	[tilespmem:s31], [sflag:$0x2] =	stream.indirect.gather @p1 [spmem:s2], $0x40, s29, s10, $0xb8;
	[tilespmem:$0x1EB00] =	vst v63  }
0x5b: {  	p2 =	sne.s32 s17, $0x4000;
	s10 =	simm.s32 @!p1 $0x80;
	s31 =	simm.s32 @!p1 $0x4F00  }
0x5c: {  	[tilespmem:s31], [sflag:$0x1] =	stream.indirect.gather @!p1 [spmem:s2], $0x40, s29, s10, $0xb8;
	[tilespmem:$0x1EB00] =	vst v63  }
.Ltmp2:
0x5d: {  	s7 =	sand.u32 $0x2000, s7;
	(pc) =	sbr.rel @!p2 .LBB2_6-.Ltmp2, $4  }
0x5e: {  	s7 =	sor.u32 $0x4F00, s7;
	s31 =	simm.s32 $0x4000;
	s29 =	simm.s32 $0x100  }
0x5f: {  	[spmem:s3] =	stream.indirect.scatter.add.f32 [tilespmem:s7], [sflag:$0x3], $0x40, s0, s28, $0xb8;
	[tilespmem:$0x1EB00] =	vst v63  }
0x60: {  	p1 =	por $0x1, $0x1;
	s7 =	simm.s32 $0x2;
	_ =	swait.ge [sflag:s26], $0x2000  }
0x61: {  	s0 =	simm.s32 $0x2800;
	s10 =	sand.u32 $0x1, s7;
	[sflag:s26] =	ssyncset.done $0x0  }
.LBB2_7:
0x62: {  	p3 =	seq.s32 s10, $0x1;
	[sflag:s26] =	ssyncadd.s32 $0xFFFFE000  }
0x63: {  	s10 =	smov.u32 s31;
	s31 =	sadd.s32 $0x2000, s31;
	s6 =	simm.s32 $0x1  }
0x64: {  	p2 =	sne.s32 s17, s31;
	s6 =	simm.s32 @!p3 $0x2  }
0x65: {  	_ =	swait.ge [sflag:s6], $0x2000  }
0x66: {  	[sflag:s6] =	ssyncset.done $0x0  }
0x67: {  	s12 =	simm.s32 @p3 $0x6F00;
	[sflag:s6] =	ssyncadd.s32 $0xFFFFE000;
	s6 =	simm.s32 @p3 $0x80  }
0x68: {  	[tilespmem:s12], [sflag:$0x2] =	stream.indirect.gather @p3 [spmem:s2], $0x40, s29, s6, $0xb8;
	[tilespmem:$0x1EB00] =	vst v63  }
0x69: {  	s5 =	sand.u32 $0x2000, s5;
	s6 =	simm.s32 @!p3 $0x80;
	s12 =	simm.s32 @!p3 $0x4F00  }
0x6a: {  	[tilespmem:s12], [sflag:$0x1] =	stream.indirect.gather @!p3 [spmem:s2], $0x40, s29, s6, $0xb8;
	[tilespmem:$0x1EB00] =	vst v63  }
.Ltmp3:
0x6b: {  	_ = 	snop;
	(pc) =	sbr.rel @p2 .LBB2_7-.Ltmp3, $4  }
0x6c: {  	s6 =	sor.u32 $0x4F00, s5;
	s5 =	smov.u32 s10  }
0x6d: {  	[spmem:s3] =	stream.indirect.scatter.add.f32 [tilespmem:s6], [sflag:$0x3], $0x40, s0, s28, $0xb8;
	[tilespmem:$0x1EB00] =	vst v63  }
0x6e: {  	s7 =	sadd.s32 $0x1, s7;
	s29 =	sadd.s32 $0x80, s29;
	_ =	swait.ge [sflag:s26], $0x2000  }
0x6f: {  	s10 =	sand.u32 $0x1, s7;
	s0 =	sadd.s32 $0x80, s0;
	[sflag:s26] =	ssyncset.done $0x0  }
0x70: {  	s7 =	smov.u32 s5  }
.LBB2_9:
0x71: {  	p2 =	seq.s32 s10, $0x1;
	s5 =	simm.s32 $0x1  }
0x72: {  	[sflag:s26] =	ssyncadd.s32 @p1 $0xFFFFE000;
	s5 =	simm.s32 @!p2 $0x2  }
0x73: {  	_ =	swait.ge [sflag:s5], $0x2000  }
0x74: {  	[sflag:s5] =	ssyncset.done $0x0  }
0x75: {  	s6 =	simm.s32 @p2 $0x6F00;
	[sflag:s5] =	ssyncadd.s32 $0xFFFFE000;
	s5 =	simm.s32 @p2 $0x80  }
0x76: {  	[tilespmem:s6], [sflag:$0x2] =	stream.indirect.gather @p2 [spmem:s2], $0x40, s29, s5, $0xb8;
	[tilespmem:$0x1EB00] =	vst v63  }
0x77: {  	s7 =	sand.u32 $0x2000, s7;
	s5 =	simm.s32 @!p2 $0x80;
	s6 =	simm.s32 @!p2 $0x4F00  }
0x78: {  	[tilespmem:s6], [sflag:$0x1] =	stream.indirect.gather @!p2 [spmem:s2], $0x40, s29, s5, $0xb8;
	[tilespmem:$0x1EB00] =	vst v63  }
0x79: {  	s7 =	sor.u32 $0x4F00, s7  }
0x7a: {  	[spmem:s3] =	stream.indirect.scatter.add.f32 [tilespmem:s7], [sflag:$0x3], $0x40, s0, s28, $0xb8;
	[tilespmem:$0x1EB00] =	vst v63  }
0x7b: {  	_ =	swait.ge [sflag:s26], $0x2000  }
0x7c: {  	s5 =	simm.s32 $0x2;
	[sflag:s26] =	ssyncset.done $0x0  }
0x7d: {  	s5 =	simm.s32 @!p2 $0x1;
	[sflag:s26] =	ssyncadd.s32 $0xFFFFE000  }
0x7e: {  	_ =	swait.ge [sflag:s5], $0x2000  }
0x7f: {  	s10 =	sand.u32 $0x2000, s31;
	[sflag:s5] =	ssyncset.done $0x0  }
0x80: {  	s12 =	sadd.s32 $0x80, s0;
	s29 =	sor.u32 $0x4F00, s10;
	[sflag:s5] =	ssyncadd.s32 $0xFFFFE000  }
0x81: {  	[spmem:s3] =	stream.indirect.scatter.add.f32 [tilespmem:s29], [sflag:$0x3], $0x40, s12, s28, $0xb8;
	[tilespmem:$0x1EB00] =	vst v63  }
0x82: {  	_ =	swait.ge [sflag:s26], $0x2000  }
0x83: {  	[sflag:s26] =	ssyncset.done $0x0  }
0x84: {  	[sflag:s26] =	ssyncadd.s32 $0xFFFFE000  }
0x85: {  	[bflag:$0x0] =	sbarrier.arrive $0xFFFF  }
0x86: {  	s1 =	sadd.s32 $0x1, s1;
	s31 =	rddreg [dreg:$0x6]  }
0x87: {  	p1 =	sne.s32 s1, s15;
	s0 =	sor.u32 $0x1C03, s31  }
0x88: {  	[hbm:s14@s23], [sflag:s0] =	dma.strided [spmem:s25@s22], $0x13C0, s21, $0x8   }
.Ltmp4:
0x89: {  	_ = 	snop;
	(pc) =	sbr.rel @p1 .LBB2_1-.Ltmp4, $4  }
.Ltmp5:
0x8a: {  	_ = 	snop;
	(pc) =	sbr.rel @!p1 .LBB2_10-.Ltmp5, $4  }
0x8b: {  	_ =	swait.ge [sflag:s26], $0x13C0  }
0x8c: {  	[sflag:s26] =	ssyncset.done $0x0  }
0x8d: {  	[sflag:s26] =	ssyncadd.s32 $0xFFFFEC40  }
0x8e: {  	_ = 	snop  }
.LBB2_4:
.Ltmp6:
0x8f: {  	(pc) =	sbr.rel .LBB2_9-.Ltmp6, $2  }
0x90: {  	_ =	sdelay $0x2  }
0x91: {  	s31 =	simm.s32 $0x2000  }
.LBB2_6:
.Ltmp7:
0x92: {  	(pc) =	sbr.rel .LBB2_9-.Ltmp7, $2  }
0x93: {  	_ =	sdelay $0x2  }
0x94: {  	s7 =	simm.s32 $0x2000  }
.LBB2_10:
0x95: {  	_ =	sfence.sel $0x180000  }
0x96: {  	[bflag:$0x0] =	sbarrier.arrive $0xFFFF  }
0x97: {  	_ =	strace $0x90000050  }
0x98: {  	s0 =	stileid.u32;
	[bflag:$0x2] =	sbarrier.arrive $0xFFFF  }
0x99: {  	p0 =	sne.s32 s0, $0x0;
	s0 =	rddreg [dreg:$0x4]  }
0x9a: {  	s0 =	sadd.s32 @!p0 $0x100000, s0  }
0x9b: {  	[sflag:s0] =	ssyncadd.tile.s32 @!p0 $0x1;
	_ =	shalt  }
.Lfunc_end2:
_tile_overlayer_lowered:
.L_overlay_start_2:
0x9c: {  	(tag) =	ssettag $0x2  }
0x9d: {  	s0 =	rddreg [dreg:$0x0];
	s2 =	stileid.u32  }
0x9e: {  	s1 =	rddreg [dreg:$0x1];
	p0 =	sne.s32 s2, $0x0  }
0x9f: {  	s3 =	rddreg [dreg:$0x2];
	[bflag:$0x3] =	sbarrier.arrive $0xFFFF;
	s2 =	simm.s32 @!p0 $0x1C03  }
0xa0: {  	[timem:s3], [sflag:s2] =	dma.local @!p0 [hbm:s0], s1  }
0xa1: {  	s0 =	simm.s32 @!p0 $0x3  }
0xa2: {  	_ =	swait.ge @!p0 [sflag:s0], s1  }
0xa3: {  	s1 =	ssub.s32 @!p0 $0x0, s1;
	[sflag:s0] =	ssyncset.done @!p0 $0x0  }
0xa4: {  	[sflag:s0] =	ssyncadd.s32 @!p0 s1  }
0xa5: {  	[bflag:$0x3] =	sbarrier.arrive $0xFFFF  }
0xa6: {  	_ =	shalt  }

</sc_bundles>
